<compile_context>
chip_gen: v7x
topology: tpu7x:2x2x1
jax: 0.10.2.dev20260603
libtpu: 0.0.44.dev20260713+nightly
codegen_flags: <defaults>
</compile_context>

<pallas_src>
import functools

import jax
import jax.numpy as jnp
from jax import lax
from jax.experimental import pallas as pl
from jax.experimental.pallas import tpu as pltpu
from jax.experimental.pallas import tpu_sc as plsc

D = 1024
NE = 64
NTOK = 2048
TM = 64
NPAD = 8192
NT = NPAD // TM
NW = 32
SEGS = 1
SEG = NPAD // SEGS
SEG_T = SEG // TM
GCH = 32
CCH = 32


def _router_body(x_ref, wr_ref, wa_ref, pos_ref, te_ref, na_ref,
                 ohf_ref, rank_ref):
    xb = x_ref[...]
    wr = wr_ref[...]
    logits = lax.dot_general(xb, wr, (((1,), (1,)), ((), ())),
                             preferred_element_type=jnp.float32)
    iota = lax.broadcasted_iota(jnp.int32, logits.shape, 1)
    m1 = jnp.max(logits, axis=1, keepdims=True)
    i1 = jnp.min(jnp.where(logits == m1, iota, NE), axis=1, keepdims=True)
    masked = jnp.where(iota == i1, -jnp.inf, logits)
    m2 = jnp.max(masked, axis=1, keepdims=True)
    i2 = jnp.min(jnp.where(masked == m2, iota, NE), axis=1, keepdims=True)
    wa_ref[...] = 1.0 / (1.0 + jnp.exp(m2 - m1))

    ohf_ref[0:NTOK, :] = (iota == i1).astype(jnp.float32)
    ohf_ref[NTOK:2 * NTOK, :] = (iota == i2).astype(jnp.float32)

    rl = lax.broadcasted_iota(jnp.int32, (128, 128), 0)
    cl = lax.broadcasted_iota(jnp.int32, (128, 128), 1)
    L = (rl >= cl).astype(jnp.float32)

    def chunk(ci, carry):
        blk = ohf_ref[pl.ds(ci * 128, 128), :]
        incl = lax.dot_general(L, blk, (((1,), (0,)), ((), ())),
                               preferred_element_type=jnp.float32)
        cum = incl + carry
        rank_ref[pl.ds(ci * 128, 128), :] = (
            jnp.sum(cum * blk, axis=1, keepdims=True) - 1.0)
        return carry + incl[127:128, :]

    counts = lax.fori_loop(0, (2 * NTOK) // 128, chunk,
                           jnp.zeros((1, NE), jnp.float32))

    cnt_i = counts.astype(jnp.int32)
    padded = (((cnt_i + TM - 1) // TM) * TM).astype(jnp.float32)
    r64 = lax.broadcasted_iota(jnp.int32, (NE, NE), 0)
    c64 = lax.broadcasted_iota(jnp.int32, (NE, NE), 1)
    U = (r64 <= c64).astype(jnp.float32)
    pad_end = lax.dot_general(padded, U, (((1,), (0,)), ((), ())),
                              preferred_element_type=jnp.float32)
    pad_off = pad_end - padded

    posf = jnp.sum(ohf_ref[...] * pad_off, axis=1, keepdims=True)
    pos_ref[...] = (posf + rank_ref[...]).astype(jnp.int32)

    total = pad_end[0:1, NE - 1:NE]
    na_ref[...] = (total.astype(jnp.int32)) // TM

    tio = (lax.broadcasted_iota(jnp.int32, (NT, NE), 0) * TM
           ).astype(jnp.float32)
    raw = jnp.minimum(
        jnp.sum((pad_end <= tio).astype(jnp.float32), axis=1, keepdims=True),
        float(NE - 1))
    lastte = jnp.sum((pad_end <= total - TM).astype(jnp.float32),
                     axis=1, keepdims=True)
    te = jnp.where(tio[:, 0:1] < total, raw, lastte)
    te_ref[...] = te.astype(jnp.int32)


def _router(x2, Wr):
    return pl.pallas_call(
        _router_body,
        out_shape=[
            jax.ShapeDtypeStruct((NTOK, 1), jnp.float32),
            jax.ShapeDtypeStruct((2 * NTOK, 1), jnp.int32),
            jax.ShapeDtypeStruct((NT, 1), jnp.int32),
            jax.ShapeDtypeStruct((1, 1), jnp.int32),
        ],
        scratch_shapes=[
            pltpu.VMEM((2 * NTOK, NE), jnp.float32),
            pltpu.VMEM((2 * NTOK, 1), jnp.float32),
        ],
    )(x2, Wr)


GNB = 3
GROWS = SEG // NW
GNCH = GROWS // GCH


def _gather_body(x_hbm, rt_hbm, out_hbm, idx_v, b0, b1, b2, g0, g1, g2,
                 s0, s1, s2):
    wid = lax.axis_index("s") * 2 + lax.axis_index("c")
    base = wid * GROWS
    bufs = (b0, b1, b2)
    gsem = (g0, g1, g2)
    wsem = (s0, s1, s2)
    pltpu.sync_copy(rt_hbm.at[pl.ds(base, GROWS)], idx_v)

    gd, wd = {}, {}

    def start_gather(c):
        b = c % GNB
        gd[c] = pltpu.async_copy(
            x_hbm.at[idx_v.at[pl.ds(c * GCH, GCH)]], bufs[b], gsem[b])

    def start_write(c):
        b = c % GNB
        wd[c] = pltpu.async_copy(
            bufs[b], out_hbm.at[pl.ds(base + c * GCH, GCH)], wsem[b])

    for c in range(GNCH):
        if c >= GNB:
            wd[c - GNB].wait()
        start_gather(c)
        if c >= 1:
            gd[c - 1].wait()
            start_write(c - 1)
    gd[GNCH - 1].wait()
    start_write(GNCH - 1)
    for c in range(max(GNCH - GNB, 0), GNCH):
        wd[c].wait()


def _gather(x2, row_token_seg):
    f = functools.partial(
        pl.kernel,
        mesh=plsc.VectorSubcoreMesh(core_axis_name="c", subcore_axis_name="s"),
        out_type=jax.ShapeDtypeStruct((SEG, D), jnp.float32),
        scratch_types=[
            pltpu.VMEM((GROWS,), jnp.int32),
            pltpu.VMEM((GCH, D), jnp.float32),
            pltpu.VMEM((GCH, D), jnp.float32),
            pltpu.VMEM((GCH, D), jnp.float32),
            pltpu.SemaphoreType.DMA,
            pltpu.SemaphoreType.DMA,
            pltpu.SemaphoreType.DMA,
            pltpu.SemaphoreType.DMA,
            pltpu.SemaphoreType.DMA,
            pltpu.SemaphoreType.DMA,
        ],
    )(_gather_body)
    return f(x2, row_token_seg)


_RSQRT2 = 0.7071067811865476


def _ffn_body(te_ref, nt_ref, xs_ref, w1_ref, b1_ref, w2_ref, b2_ref,
              ys_ref):
    j = pl.program_id(0)

    @pl.when(j < nt_ref[0])
    def _():
        xb = xs_ref[...]
        h = lax.dot_general(xb, w1_ref[0], (((1,), (1,)), ((), ())),
                            preferred_element_type=jnp.float32)
        h = h + b1_ref[0]
        h = 0.5 * h * (1.0 + lax.erf(h * _RSQRT2))
        y = lax.dot_general(h, w2_ref[0], (((1,), (1,)), ((), ())),
                            preferred_element_type=jnp.float32)
        ys_ref[...] = y + b2_ref[0]


def _ffn(tile_expert, nact, xs_full, W1, b1r, W2, b2r):
    def _jm(j, nt):
        return jnp.maximum(jnp.minimum(j, nt[0] - 1), 0)

    grid_spec = pltpu.PrefetchScalarGridSpec(
        num_scalar_prefetch=2,
        grid=(NT,),
        in_specs=[
            pl.BlockSpec((TM, D), lambda j, te, nt: (_jm(j, nt), 0)),
            pl.BlockSpec((1, D, D),
                         lambda j, te, nt: (te[_jm(j, nt)], 0, 0)),
            pl.BlockSpec((1, 1, D),
                         lambda j, te, nt: (te[_jm(j, nt)], 0, 0)),
            pl.BlockSpec((1, D, D),
                         lambda j, te, nt: (te[_jm(j, nt)], 0, 0)),
            pl.BlockSpec((1, 1, D),
                         lambda j, te, nt: (te[_jm(j, nt)], 0, 0)),
        ],
        out_specs=pl.BlockSpec((TM, D), lambda j, te, nt: (_jm(j, nt), 0)),
    )
    return pl.pallas_call(
        _ffn_body,
        grid_spec=grid_spec,
        out_shape=jax.ShapeDtypeStruct((NPAD, D), jnp.float32),
        compiler_params=pltpu.CompilerParams(
            dimension_semantics=("arbitrary",)),
    )(tile_expert, nact, xs_full, W1, b1r, W2, b2r)


def _combine_body(ys_hbm, pa_hbm, pb_hbm, wa_hbm, out_hbm,
                  ia_v, ib_v, wa_v, ba_v, bb_v, sa, sb):
    wid = lax.axis_index("s") * 2 + lax.axis_index("c")
    base = wid * (NTOK // NW)

    def chunk(c, carry):
        off = base + c * CCH
        pltpu.sync_copy(pa_hbm.at[pl.ds(off, CCH)], ia_v)
        pltpu.sync_copy(pb_hbm.at[pl.ds(off, CCH)], ib_v)
        pltpu.sync_copy(wa_hbm.at[pl.ds(off, CCH)], wa_v)
        cpa = pltpu.async_copy(ys_hbm.at[ia_v], ba_v, sa)
        cpb = pltpu.async_copy(ys_hbm.at[ib_v], bb_v, sb)
        cpa.wait()
        cpb.wait()

        def row(r, carry2):
            wa = wa_v[r, :]
            for i in range(D // 16):
                sl = pl.ds(i * 16, 16)
                b = bb_v[r, sl]
                ba_v[r, sl] = b + (ba_v[r, sl] - b) * wa
            return carry2

        lax.fori_loop(0, CCH, row, 0)
        pltpu.sync_copy(ba_v, out_hbm.at[pl.ds(off, CCH)])
        return carry

    lax.fori_loop(0, (NTOK // NW) // CCH, chunk, 0)


def _combine(ys, posA, posB, wA):
    f = functools.partial(
        pl.kernel,
        mesh=plsc.VectorSubcoreMesh(core_axis_name="c", subcore_axis_name="s"),
        out_type=jax.ShapeDtypeStruct((NTOK, D), jnp.float32),
        scratch_types=[
            pltpu.VMEM((CCH,), jnp.int32),
            pltpu.VMEM((CCH,), jnp.int32),
            pltpu.VMEM((CCH, 16), jnp.float32),
            pltpu.VMEM((CCH, D), jnp.float32),
            pltpu.VMEM((CCH, D), jnp.float32),
            pltpu.SemaphoreType.DMA,
            pltpu.SemaphoreType.DMA,
        ],
    )(_combine_body)
    return f(ys, posA, posB, wA)


def kernel(x, Wr, W1, b1, W2, b2):
    Bx, L, Dx = x.shape
    x2 = x.reshape(L, Dx)
    wa, pos, te, na = _router(x2, Wr)
    pos_f = pos[:, 0]
    token_ids = jnp.tile(jnp.arange(NTOK, dtype=jnp.int32), 2)
    row_token = jnp.zeros((NPAD,), jnp.int32).at[pos_f].set(token_ids)

    xs = _gather(x2, row_token)
    b1r = b1.reshape(NE, 1, D)
    b2r = b2.reshape(NE, 1, D)
    ys = _ffn(te[:, 0], na[0], xs, W1, b1r, W2, b2r)

    wA16 = jnp.broadcast_to(wa, (NTOK, 16))
    out = _combine(ys, pos_f[:NTOK], pos_f[NTOK:], wA16)
    return out.reshape(Bx, L, Dx)

# --- scband reference (transcript-rebuilt; emitter-appended) ---
"""Pipeline reference for scband-mixture-of-experts-layer-53558242181864 (READ-ONLY COPY).

The authoritative reference and input builder live on the scoring server;
editing this copy changes nothing except your own understanding.
"""

import jax, jax.numpy as jnp
import numpy as np

DIM = 1024
NUM_EXPERTS = 64
TOP_K = 2
B, L = 1, 2048


def gelu(v):
    return 0.5 * v * (1.0 + jax.lax.erf(v / jnp.sqrt(2.0).astype(v.dtype)))


def setup_inputs(seed: int = 0) -> dict:
    key = jax.random.key(seed)
    ks = jax.random.split(key, 6)
    D = DIM
    x = jax.random.normal(ks[0], (B, L, D), dtype=jnp.float32)
    s = 1.0 / np.sqrt(D)
    Wr = jax.random.uniform(ks[1], (NUM_EXPERTS, D), jnp.float32, -s, s)
    W1 = jax.random.uniform(ks[2], (NUM_EXPERTS, D, D), jnp.float32, -s, s)
    b1 = jax.random.uniform(ks[3], (NUM_EXPERTS, D), jnp.float32, -s, s)
    W2 = jax.random.uniform(ks[4], (NUM_EXPERTS, D, D), jnp.float32, -s, s)
    b2 = jax.random.uniform(ks[5], (NUM_EXPERTS, D), jnp.float32, -s, s)
    return {"x": x, "Wr": Wr, "W1": W1, "b1": b1, "W2": W2, "b2": b2}


def reference(x, Wr, W1, b1, W2, b2):
    Bx, Lx, D = x.shape
    # router: Linear(dim, num_experts, bias=False)
    router_logits = jnp.einsum('bld,ed->ble', x, Wr)
    router_weights = jax.nn.softmax(router_logits, axis=-1)
    top_k_weights, top_k_indices = jax.lax.top_k(router_weights, TOP_K)
    top_k_weights = top_k_weights / jnp.sum(top_k_weights, axis=-1, keepdims=True)
    xf = x.reshape(Bx * Lx, D)
    wf = top_k_weights.reshape(Bx * Lx, TOP_K)
    idxf = top_k_indices.reshape(Bx * Lx, TOP_K)
    out = jnp.zeros_like(xf)
    for i in range(TOP_K):
        for e in range(NUM_EXPERTS):
            mask = idxf[:, i] == e
            h = gelu(xf @ W1[e].T + b1[e])
            y = h @ W2[e].T + b2[e]
            out = jnp.where(mask[:, None], out + wf[:, i][:, None] * y, out)
    return out.reshape(Bx, Lx, D)

if __name__ == "__main__":
    import jax
    _d = setup_inputs()
    print(jax.jit(kernel)(*tuple(_d.values())))

</pallas_src>

<mosaic_0001>
#map = affine_map<(d0, d1) -> (0, 0)>
#map1 = affine_map<(d0, d1) -> (0)>
module attributes {stable_mosaic.version = 14 : i64} {
  func.func @_combine_body(%arg0: i32, %arg1: i32, %arg2: memref<8192x1024xf32, #tpu.memory_space<hbm>>, %arg3: memref<2048xi32, #tpu.memory_space<hbm>>, %arg4: memref<2048xi32, #tpu.memory_space<hbm>>, %arg5: memref<2048x16xf32, #tpu.memory_space<hbm>>, %arg6: memref<2048x1024xf32, #tpu.memory_space<hbm>>, %arg7: memref<32xi32, #tpu.memory_space<vmem>>, %arg8: memref<32xi32, #tpu.memory_space<vmem>>, %arg9: memref<32x16xf32, #tpu.memory_space<vmem>>, %arg10: memref<32x1024xf32, #tpu.memory_space<vmem>>, %arg11: memref<32x1024xf32, #tpu.memory_space<vmem>>, %arg12: memref<!tpu.dma_semaphore, #tpu.memory_space<semaphore_mem>>, %arg13: memref<!tpu.dma_semaphore, #tpu.memory_space<semaphore_mem>>) attributes {dimension_semantics = [#tpu.dimension_semantics<core_parallel>, #tpu.dimension_semantics<subcore_parallel>], iteration_bounds = array<i64: 2, 16>, scalar_prefetch = 0 : i64, scratch_operands = 7 : i64, tpu.core_type = #tpu.core_type<sc_vector_subcore>, window_params = [{transform_indices = #map}, {transform_indices = #map1}, {transform_indices = #map1}, {transform_indices = #map}, {transform_indices = #map}]} {
    %mul3A = arith.constant 2 : i32
    %mul3A_0 = arith.muli %arg1, %mul3A : i32
    %add3A = arith.addi %mul3A_0, %arg0 : i32
    %mul3A_1 = arith.constant 64 : i32
    %mul3A_2 = arith.muli %add3A, %mul3A_1 : i32
    %scan3A = arith.constant 0 : i32
    %scan3A_3 = arith.constant 0 : i32
    %scan3A_4 = arith.constant 2 : i32
    %scan3A_5 = arith.addi %scan3A_3, %scan3A_4 : i32
    %scan3A_6 = arith.constant 1 : i32
    scf.for %scan3A_8 = %scan3A_3 to %scan3A_5 step %scan3A_6  : i32 {
      %mul3A_9 = arith.constant 32 : i32
      %mul3A_10 = arith.muli %scan3A_8, %mul3A_9 : i32
      %add3A_11 = arith.addi %mul3A_2, %mul3A_10 : i32
      "tpu.region"() ({
        %run_scoped3A = tpu.sem_alloc : memref<!tpu.dma_semaphore, #tpu.memory_space<semaphore_mem>>
        %dma_start3A_28 = tpu.memref_slice %arg3[%add3A_11] : memref<2048xi32, #tpu.memory_space<hbm>> -> memref<32xi32, #tpu.memory_space<hbm>>
        %dma_start3A_29 = tpu.memref_slice %arg3[%add3A_11] : memref<2048xi32, #tpu.memory_space<hbm>> -> memref<32xi32, #tpu.memory_space<hbm>>
        tpu.enqueue_dma source(%dma_start3A_29 : memref<32xi32, #tpu.memory_space<hbm>>) target(%arg7 : memref<32xi32, #tpu.memory_space<vmem>>) target_semaphore(%run_scoped3A : memref<!tpu.dma_semaphore, #tpu.memory_space<semaphore_mem>>)
        %dma_wait3A_30 = tpu.memref_slice %arg3[%add3A_11] : memref<2048xi32, #tpu.memory_space<hbm>> -> memref<32xi32, #tpu.memory_space<hbm>>
        %dma_wait3A_31 = tpu.memref_slice %arg3[%add3A_11] : memref<2048xi32, #tpu.memory_space<hbm>> -> memref<32xi32, #tpu.memory_space<hbm>>
        tpu.wait_dma2 semaphore(%run_scoped3A : memref<!tpu.dma_semaphore, #tpu.memory_space<semaphore_mem>>) src(%dma_wait3A_31 : memref<32xi32, #tpu.memory_space<hbm>>) dst(%arg7 : memref<32xi32, #tpu.memory_space<vmem>>)
        tpu.yield
      }) : () -> ()
      "tpu.region"() ({
        %run_scoped3A = tpu.sem_alloc : memref<!tpu.dma_semaphore, #tpu.memory_space<semaphore_mem>>
        %dma_start3A_28 = tpu.memref_slice %arg4[%add3A_11] : memref<2048xi32, #tpu.memory_space<hbm>> -> memref<32xi32, #tpu.memory_space<hbm>>
        %dma_start3A_29 = tpu.memref_slice %arg4[%add3A_11] : memref<2048xi32, #tpu.memory_space<hbm>> -> memref<32xi32, #tpu.memory_space<hbm>>
        tpu.enqueue_dma source(%dma_start3A_29 : memref<32xi32, #tpu.memory_space<hbm>>) target(%arg8 : memref<32xi32, #tpu.memory_space<vmem>>) target_semaphore(%run_scoped3A : memref<!tpu.dma_semaphore, #tpu.memory_space<semaphore_mem>>)
        %dma_wait3A_30 = tpu.memref_slice %arg4[%add3A_11] : memref<2048xi32, #tpu.memory_space<hbm>> -> memref<32xi32, #tpu.memory_space<hbm>>
        %dma_wait3A_31 = tpu.memref_slice %arg4[%add3A_11] : memref<2048xi32, #tpu.memory_space<hbm>> -> memref<32xi32, #tpu.memory_space<hbm>>
        tpu.wait_dma2 semaphore(%run_scoped3A : memref<!tpu.dma_semaphore, #tpu.memory_space<semaphore_mem>>) src(%dma_wait3A_31 : memref<32xi32, #tpu.memory_space<hbm>>) dst(%arg8 : memref<32xi32, #tpu.memory_space<vmem>>)
        tpu.yield
      }) : () -> ()
      "tpu.region"() ({
        %run_scoped3A = tpu.sem_alloc : memref<!tpu.dma_semaphore, #tpu.memory_space<semaphore_mem>>
        %dma_start3A_28 = arith.constant 0 : i32
        %dma_start3A_29 = tpu.memref_slice %arg5[%add3A_11, %dma_start3A_28] : memref<2048x16xf32, #tpu.memory_space<hbm>> -> memref<32x16xf32, #tpu.memory_space<hbm>>
        %dma_start3A_30 = arith.constant 0 : i32
        %dma_start3A_31 = tpu.memref_slice %arg5[%add3A_11, %dma_start3A_30] : memref<2048x16xf32, #tpu.memory_space<hbm>> -> memref<32x16xf32, #tpu.memory_space<hbm>>
        tpu.enqueue_dma source(%dma_start3A_31 : memref<32x16xf32, #tpu.memory_space<hbm>>) target(%arg9 : memref<32x16xf32, #tpu.memory_space<vmem>>) target_semaphore(%run_scoped3A : memref<!tpu.dma_semaphore, #tpu.memory_space<semaphore_mem>>)
        %dma_wait3A_32 = arith.constant 0 : i32
        %dma_wait3A_33 = tpu.memref_slice %arg5[%add3A_11, %dma_wait3A_32] : memref<2048x16xf32, #tpu.memory_space<hbm>> -> memref<32x16xf32, #tpu.memory_space<hbm>>
        %dma_wait3A_34 = arith.constant 0 : i32
        %dma_wait3A_35 = tpu.memref_slice %arg5[%add3A_11, %dma_wait3A_34] : memref<2048x16xf32, #tpu.memory_space<hbm>> -> memref<32x16xf32, #tpu.memory_space<hbm>>
        tpu.wait_dma2 semaphore(%run_scoped3A : memref<!tpu.dma_semaphore, #tpu.memory_space<semaphore_mem>>) src(%dma_wait3A_35 : memref<32x16xf32, #tpu.memory_space<hbm>>) dst(%arg9 : memref<32x16xf32, #tpu.memory_space<vmem>>)
        tpu.yield
      }) : () -> ()
      %dma_start3A = arith.constant 0 : i32
      %dma_start3A_12 = arith.constant 0 : i32
      %dma_start3A_13 = tpu.memref_slice %arg2[%dma_start3A, %dma_start3A_12] : memref<8192x1024xf32, #tpu.memory_space<hbm>> -> memref<8192x1024xf32, #tpu.memory_space<hbm>>
      tpu.enqueue_indirect_dma source(%dma_start3A_13 : memref<8192x1024xf32, #tpu.memory_space<hbm>>) target(%arg10 : memref<32x1024xf32, #tpu.memory_space<vmem>>) offsets(%arg7 : memref<32xi32, #tpu.memory_space<vmem>>) semaphore(%arg12 : memref<!tpu.dma_semaphore, #tpu.memory_space<semaphore_mem>>)
      %dma_start3A_14 = arith.constant 0 : i32
      %dma_start3A_15 = arith.constant 0 : i32
      %dma_start3A_16 = tpu.memref_slice %arg2[%dma_start3A_14, %dma_start3A_15] : memref<8192x1024xf32, #tpu.memory_space<hbm>> -> memref<8192x1024xf32, #tpu.memory_space<hbm>>
      tpu.enqueue_indirect_dma source(%dma_start3A_16 : memref<8192x1024xf32, #tpu.memory_space<hbm>>) target(%arg11 : memref<32x1024xf32, #tpu.memory_space<vmem>>) offsets(%arg8 : memref<32xi32, #tpu.memory_space<vmem>>) semaphore(%arg13 : memref<!tpu.dma_semaphore, #tpu.memory_space<semaphore_mem>>)
      %dma_wait3A = arith.constant 0 : i32
      %dma_wait3A_17 = arith.constant 0 : i32
      %dma_wait3A_18 = tpu.memref_slice %arg2[%dma_wait3A, %dma_wait3A_17] : memref<8192x1024xf32, #tpu.memory_space<hbm>> -> memref<8192x1024xf32, #tpu.memory_space<hbm>>
      tpu.wait_indirect_dma semaphore(%arg12 : memref<!tpu.dma_semaphore, #tpu.memory_space<semaphore_mem>>) src(%dma_wait3A_18 : memref<8192x1024xf32, #tpu.memory_space<hbm>>) dst(%arg10 : memref<32x1024xf32, #tpu.memory_space<vmem>>)
      %dma_wait3A_19 = arith.constant 0 : i32
      %dma_wait3A_20 = arith.constant 0 : i32
      %dma_wait3A_21 = tpu.memref_slice %arg2[%dma_wait3A_19, %dma_wait3A_20] : memref<8192x1024xf32, #tpu.memory_space<hbm>> -> memref<8192x1024xf32, #tpu.memory_space<hbm>>
      tpu.wait_indirect_dma semaphore(%arg13 : memref<!tpu.dma_semaphore, #tpu.memory_space<semaphore_mem>>) src(%dma_wait3A_21 : memref<8192x1024xf32, #tpu.memory_space<hbm>>) dst(%arg11 : memref<32x1024xf32, #tpu.memory_space<vmem>>)
      %scan3A_22 = arith.constant 0 : i32
      %scan3A_23 = arith.constant 0 : i32
      %scan3A_24 = arith.constant 32 : i32
      %scan3A_25 = arith.addi %scan3A_23, %scan3A_24 : i32
      %scan3A_26 = arith.constant 1 : i32
      scf.for %scan3A_28 = %scan3A_23 to %scan3A_25 step %scan3A_26  : i32 {
        %get3A = arith.index_cast %scan3A_28 : i32 to index
        %get3A_29 = arith.constant 0 : index
        %get3A_30 = tpu.vector_load %arg9[%get3A, %get3A_29] {strides = array<i32>} : memref<32x16xf32, #tpu.memory_space<vmem>>, vector<1x16xf32>,
        %get3A_31 = vector.shape_cast %get3A_30 : vector<1x16xf32> to vector<16xf32>
        %get3A_32 = arith.index_cast %scan3A_28 : i32 to index
        %get3A_33 = arith.constant 0 : index
        %get3A_34 = tpu.vector_load %arg11[%get3A_32, %get3A_33] {strides = array<i32>} : memref<32x1024xf32, #tpu.memory_space<vmem>>, vector<1x16xf32>,
        %get3A_35 = vector.shape_cast %get3A_34 : vector<1x16xf32> to vector<16xf32>
        %get3A_36 = arith.index_cast %scan3A_28 : i32 to index
        %get3A_37 = arith.constant 0 : index
        %get3A_38 = tpu.vector_load %arg10[%get3A_36, %get3A_37] {strides = array<i32>} : memref<32x1024xf32, #tpu.memory_space<vmem>>, vector<1x16xf32>,
        %get3A_39 = vector.shape_cast %get3A_38 : vector<1x16xf32> to vector<16xf32>
        %sub3A = arith.subf %get3A_39, %get3A_35 : vector<16xf32>
        %mul3A_40 = arith.mulf %sub3A, %get3A_31 : vector<16xf32>
        %add3A_41 = arith.addf %get3A_35, %mul3A_40 : vector<16xf32>
        %swap3A = arith.index_cast %scan3A_28 : i32 to index
        %swap3A_42 = arith.constant 0 : index
        %swap3A_43 = tpu.vector_load %arg10[%swap3A, %swap3A_42] {strides = array<i32>} : memref<32x1024xf32, #tpu.memory_space<vmem>>, vector<1x16xf32>,
        %swap3A_44 = vector.shape_cast %swap3A_43 : vector<1x16xf32> to vector<16xf32>
        %swap3A_45 = vector.shape_cast %add3A_41 : vector<16xf32> to vector<1x16xf32>
        tpu.vector_store %arg10[%swap3A, %swap3A_42], %swap3A_45 {strides = array<i32>} : memref<32x1024xf32, #tpu.memory_space<vmem>>, vector<1x16xf32>,
        %get3A_46 = arith.index_cast %scan3A_28 : i32 to index
        %get3A_47 = arith.constant 16 : index
        %get3A_48 = tpu.vector_load %arg11[%get3A_46, %get3A_47] {strides = array<i32>} : memref<32x1024xf32, #tpu.memory_space<vmem>>, vector<1x16xf32>,
        %get3A_49 = vector.shape_cast %get3A_48 : vector<1x16xf32> to vector<16xf32>
        %get3A_50 = arith.index_cast %scan3A_28 : i32 to index
        %get3A_51 = arith.constant 16 : index
        %get3A_52 = tpu.vector_load %arg10[%get3A_50, %get3A_51] {strides = array<i32>} : memref<32x1024xf32, #tpu.memory_space<vmem>>, vector<1x16xf32>,
        %get3A_53 = vector.shape_cast %get3A_52 : vector<1x16xf32> to vector<16xf32>
        %sub3A_54 = arith.subf %get3A_53, %get3A_49 : vector<16xf32>
        %mul3A_55 = arith.mulf %sub3A_54, %get3A_31 : vector<16xf32>
        %add3A_56 = arith.addf %get3A_49, %mul3A_55 : vector<16xf32>
        %swap3A_57 = arith.index_cast %scan3A_28 : i32 to index
        %swap3A_58 = arith.constant 16 : index
        %swap3A_59 = tpu.vector_load %arg10[%swap3A_57, %swap3A_58] {strides = array<i32>} : memref<32x1024xf32, #tpu.memory_space<vmem>>, vector<1x16xf32>,
        %swap3A_60 = vector.shape_cast %swap3A_59 : vector<1x16xf32> to vector<16xf32>
        %swap3A_61 = vector.shape_cast %add3A_56 : vector<16xf32> to vector<1x16xf32>
        tpu.vector_store %arg10[%swap3A_57, %swap3A_58], %swap3A_61 {strides = array<i32>} : memref<32x1024xf32, #tpu.memory_space<vmem>>, vector<1x16xf32>,
        %get3A_62 = arith.index_cast %scan3A_28 : i32 to index
        %get3A_63 = arith.constant 32 : index
        %get3A_64 = tpu.vector_load %arg11[%get3A_62, %get3A_63] {strides = array<i32>} : memref<32x1024xf32, #tpu.memory_space<vmem>>, vector<1x16xf32>,
        %get3A_65 = vector.shape_cast %get3A_64 : vector<1x16xf32> to vector<16xf32>
        %get3A_66 = arith.index_cast %scan3A_28 : i32 to index
        %get3A_67 = arith.constant 32 : index
        %get3A_68 = tpu.vector_load %arg10[%get3A_66, %get3A_67] {strides = array<i32>} : memref<32x1024xf32, #tpu.memory_space<vmem>>, vector<1x16xf32>,
        %get3A_69 = vector.shape_cast %get3A_68 : vector<1x16xf32> to vector<16xf32>
        %sub3A_70 = arith.subf %get3A_69, %get3A_65 : vector<16xf32>
        %mul3A_71 = arith.mulf %sub3A_70, %get3A_31 : vector<16xf32>
        %add3A_72 = arith.addf %get3A_65, %mul3A_71 : vector<16xf32>
        %swap3A_73 = arith.index_cast %scan3A_28 : i32 to index
        %swap3A_74 = arith.constant 32 : index
        %swap3A_75 = tpu.vector_load %arg10[%swap3A_73, %swap3A_74] {strides = array<i32>} : memref<32x1024xf32, #tpu.memory_space<vmem>>, vector<1x16xf32>,
        %swap3A_76 = vector.shape_cast %swap3A_75 : vector<1x16xf32> to vector<16xf32>
        %swap3A_77 = vector.shape_cast %add3A_72 : vector<16xf32> to vector<1x16xf32>
        tpu.vector_store %arg10[%swap3A_73, %swap3A_74], %swap3A_77 {strides = array<i32>} : memref<32x1024xf32, #tpu.memory_space<vmem>>, vector<1x16xf32>,
        %get3A_78 = arith.index_cast %scan3A_28 : i32 to index
        %get3A_79 = arith.constant 48 : index
        %get3A_80 = tpu.vector_load %arg11[%get3A_78, %get3A_79] {strides = array<i32>} : memref<32x1024xf32, #tpu.memory_space<vmem>>, vector<1x16xf32>,
        %get3A_81 = vector.shape_cast %get3A_80 : vector<1x16xf32> to vector<16xf32>
        %get3A_82 = arith.index_cast %scan3A_28 : i32 to index
        %get3A_83 = arith.constant 48 : index
        %get3A_84 = tpu.vector_load %arg10[%get3A_82, %get3A_83] {strides = array<i32>} : memref<32x1024xf32, #tpu.memory_space<vmem>>, vector<1x16xf32>,
        %get3A_85 = vector.shape_cast %get3A_84 : vector<1x16xf32> to vector<16xf32>
        %sub3A_86 = arith.subf %get3A_85, %get3A_81 : vector<16xf32>
        %mul3A_87 = arith.mulf %sub3A_86, %get3A_31 : vector<16xf32>
        %add3A_88 = arith.addf %get3A_81, %mul3A_87 : vector<16xf32>
        %swap3A_89 = arith.index_cast %scan3A_28 : i32 to index
        %swap3A_90 = arith.constant 48 : index
        %swap3A_91 = tpu.vector_load %arg10[%swap3A_89, %swap3A_90] {strides = array<i32>} : memref<32x1024xf32, #tpu.memory_space<vmem>>, vector<1x16xf32>,
        %swap3A_92 = vector.shape_cast %swap3A_91 : vector<1x16xf32> to vector<16xf32>
        %swap3A_93 = vector.shape_cast %add3A_88 : vector<16xf32> to vector<1x16xf32>
        tpu.vector_store %arg10[%swap3A_89, %swap3A_90], %swap3A_93 {strides = array<i32>} : memref<32x1024xf32, #tpu.memory_space<vmem>>, vector<1x16xf32>,
        %get3A_94 = arith.index_cast %scan3A_28 : i32 to index
        %get3A_95 = arith.constant 64 : index
        %get3A_96 = tpu.vector_load %arg11[%get3A_94, %get3A_95] {strides = array<i32>} : memref<32x1024xf32, #tpu.memory_space<vmem>>, vector<1x16xf32>,
        %get3A_97 = vector.shape_cast %get3A_96 : vector<1x16xf32> to vector<16xf32>
        %get3A_98 = arith.index_cast %scan3A_28 : i32 to index
        %get3A_99 = arith.constant 64 : index
        %get3A_100 = tpu.vector_load %arg10[%get3A_98, %get3A_99] {strides = array<i32>} : memref<32x1024xf32, #tpu.memory_space<vmem>>, vector<1x16xf32>,
        %get3A_101 = vector.shape_cast %get3A_100 : vector<1x16xf32> to vector<16xf32>
        %sub3A_102 = arith.subf %get3A_101, %get3A_97 : vector<16xf32>
        %mul3A_103 = arith.mulf %sub3A_102, %get3A_31 : vector<16xf32>
        %add3A_104 = arith.addf %get3A_97, %mul3A_103 : vector<16xf32>
        %swap3A_105 = arith.index_cast %scan3A_28 : i32 to index
        %swap3A_106 = arith.constant 64 : index
        %swap3A_107 = tpu.vector_load %arg10[%swap3A_105, %swap3A_106] {strides = array<i32>} : memref<32x1024xf32, #tpu.memory_space<vmem>>, vector<1x16xf32>,
        %swap3A_108 = vector.shape_cast %swap3A_107 : vector<1x16xf32> to vector<16xf32>
        %swap3A_109 = vector.shape_cast %add3A_104 : vector<16xf32> to vector<1x16xf32>
        tpu.vector_store %arg10[%swap3A_105, %swap3A_106], %swap3A_109 {strides = array<i32>} : memref<32x1024xf32, #tpu.memory_space<vmem>>, vector<1x16xf32>,
        %get3A_110 = arith.index_cast %scan3A_28 : i32 to index
        %get3A_111 = arith.constant 80 : index
        %get3A_112 = tpu.vector_load %arg11[%get3A_110, %get3A_111] {strides = array<i32>} : memref<32x1024xf32, #tpu.memory_space<vmem>>, vector<1x16xf32>,
        %get3A_113 = vector.shape_cast %get3A_112 : vector<1x16xf32> to vector<16xf32>
        %get3A_114 = arith.index_cast %scan3A_28 : i32 to index
        %get3A_115 = arith.constant 80 : index
        %get3A_116 = tpu.vector_load %arg10[%get3A_114, %get3A_115] {strides = array<i32>} : memref<32x1024xf32, #tpu.memory_space<vmem>>, vector<1x16xf32>,
        %get3A_117 = vector.shape_cast %get3A_116 : vector<1x16xf32> to vector<16xf32>
        %sub3A_118 = arith.subf %get3A_117, %get3A_113 : vector<16xf32>
        %mul3A_119 = arith.mulf %sub3A_118, %get3A_31 : vector<16xf32>
        %add3A_120 = arith.addf %get3A_113, %mul3A_119 : vector<16xf32>
        %swap3A_121 = arith.index_cast %scan3A_28 : i32 to index
        %swap3A_122 = arith.constant 80 : index
        %swap3A_123 = tpu.vector_load %arg10[%swap3A_121, %swap3A_122] {strides = array<i32>} : memref<32x1024xf32, #tpu.memory_space<vmem>>, vector<1x16xf32>,
        %swap3A_124 = vector.shape_cast %swap3A_123 : vector<1x16xf32> to vector<16xf32>
        %swap3A_125 = vector.shape_cast %add3A_120 : vector<16xf32> to vector<1x16xf32>
        tpu.vector_store %arg10[%swap3A_121, %swap3A_122], %swap3A_125 {strides = array<i32>} : memref<32x1024xf32, #tpu.memory_space<vmem>>, vector<1x16xf32>,
        %get3A_126 = arith.index_cast %scan3A_28 : i32 to index
        %get3A_127 = arith.constant 96 : index
        %get3A_128 = tpu.vector_load %arg11[%get3A_126, %get3A_127] {strides = array<i32>} : memref<32x1024xf32, #tpu.memory_space<vmem>>, vector<1x16xf32>,
        %get3A_129 = vector.shape_cast %get3A_128 : vector<1x16xf32> to vector<16xf32>
        %get3A_130 = arith.index_cast %scan3A_28 : i32 to index
        %get3A_131 = arith.constant 96 : index
        %get3A_132 = tpu.vector_load %arg10[%get3A_130, %get3A_131] {strides = array<i32>} : memref<32x1024xf32, #tpu.memory_space<vmem>>, vector<1x16xf32>,
        %get3A_133 = vector.shape_cast %get3A_132 : vector<1x16xf32> to vector<16xf32>
        %sub3A_134 = arith.subf %get3A_133, %get3A_129 : vector<16xf32>
        %mul3A_135 = arith.mulf %sub3A_134, %get3A_31 : vector<16xf32>
        %add3A_136 = arith.addf %get3A_129, %mul3A_135 : vector<16xf32>
        %swap3A_137 = arith.index_cast %scan3A_28 : i32 to index
        %swap3A_138 = arith.constant 96 : index
        %swap3A_139 = tpu.vector_load %arg10[%swap3A_137, %swap3A_138] {strides = array<i32>} : memref<32x1024xf32, #tpu.memory_space<vmem>>, vector<1x16xf32>,
        %swap3A_140 = vector.shape_cast %swap3A_139 : vector<1x16xf32> to vector<16xf32>
        %swap3A_141 = vector.shape_cast %add3A_136 : vector<16xf32> to vector<1x16xf32>
        tpu.vector_store %arg10[%swap3A_137, %swap3A_138], %swap3A_141 {strides = array<i32>} : memref<32x1024xf32, #tpu.memory_space<vmem>>, vector<1x16xf32>,
        %get3A_142 = arith.index_cast %scan3A_28 : i32 to index
        %get3A_143 = arith.constant 112 : index
        %get3A_144 = tpu.vector_load %arg11[%get3A_142, %get3A_143] {strides = array<i32>} : memref<32x1024xf32, #tpu.memory_space<vmem>>, vector<1x16xf32>,
        %get3A_145 = vector.shape_cast %get3A_144 : vector<1x16xf32> to vector<16xf32>
        %get3A_146 = arith.index_cast %scan3A_28 : i32 to index
        %get3A_147 = arith.constant 112 : index
        %get3A_148 = tpu.vector_load %arg10[%get3A_146, %get3A_147] {strides = array<i32>} : memref<32x1024xf32, #tpu.memory_space<vmem>>, vector<1x16xf32>,
        %get3A_149 = vector.shape_cast %get3A_148 : vector<1x16xf32> to vector<16xf32>
        %sub3A_150 = arith.subf %get3A_149, %get3A_145 : vector<16xf32>
        %mul3A_151 = arith.mulf %sub3A_150, %get3A_31 : vector<16xf32>
        %add3A_152 = arith.addf %get3A_145, %mul3A_151 : vector<16xf32>
        %swap3A_153 = arith.index_cast %scan3A_28 : i32 to index
        %swap3A_154 = arith.constant 112 : index
        %swap3A_155 = tpu.vector_load %arg10[%swap3A_153, %swap3A_154] {strides = array<i32>} : memref<32x1024xf32, #tpu.memory_space<vmem>>, vector<1x16xf32>,
        %swap3A_156 = vector.shape_cast %swap3A_155 : vector<1x16xf32> to vector<16xf32>
        %swap3A_157 = vector.shape_cast %add3A_152 : vector<16xf32> to vector<1x16xf32>
        tpu.vector_store %arg10[%swap3A_153, %swap3A_154], %swap3A_157 {strides = array<i32>} : memref<32x1024xf32, #tpu.memory_space<vmem>>, vector<1x16xf32>,
        %get3A_158 = arith.index_cast %scan3A_28 : i32 to index
        %get3A_159 = arith.constant 128 : index
        %get3A_160 = tpu.vector_load %arg11[%get3A_158, %get3A_159] {strides = array<i32>} : memref<32x1024xf32, #tpu.memory_space<vmem>>, vector<1x16xf32>,
        %get3A_161 = vector.shape_cast %get3A_160 : vector<1x16xf32> to vector<16xf32>
        %get3A_162 = arith.index_cast %scan3A_28 : i32 to index
        %get3A_163 = arith.constant 128 : index
        %get3A_164 = tpu.vector_load %arg10[%get3A_162, %get3A_163] {strides = array<i32>} : memref<32x1024xf32, #tpu.memory_space<vmem>>, vector<1x16xf32>,
        %get3A_165 = vector.shape_cast %get3A_164 : vector<1x16xf32> to vector<16xf32>
        %sub3A_166 = arith.subf %get3A_165, %get3A_161 : vector<16xf32>
        %mul3A_167 = arith.mulf %sub3A_166, %get3A_31 : vector<16xf32>
        %add3A_168 = arith.addf %get3A_161, %mul3A_167 : vector<16xf32>
        %swap3A_169 = arith.index_cast %scan3A_28 : i32 to index
        %swap3A_170 = arith.constant 128 : index
        %swap3A_171 = tpu.vector_load %arg10[%swap3A_169, %swap3A_170] {strides = array<i32>} : memref<32x1024xf32, #tpu.memory_space<vmem>>, vector<1x16xf32>,
        %swap3A_172 = vector.shape_cast %swap3A_171 : vector<1x16xf32> to vector<16xf32>
        %swap3A_173 = vector.shape_cast %add3A_168 : vector<16xf32> to vector<1x16xf32>
        tpu.vector_store %arg10[%swap3A_169, %swap3A_170], %swap3A_173 {strides = array<i32>} : memref<32x1024xf32, #tpu.memory_space<vmem>>, vector<1x16xf32>,
        %get3A_174 = arith.index_cast %scan3A_28 : i32 to index
        %get3A_175 = arith.constant 144 : index
        %get3A_176 = tpu.vector_load %arg11[%get3A_174, %get3A_175] {strides = array<i32>} : memref<32x1024xf32, #tpu.memory_space<vmem>>, vector<1x16xf32>,
        %get3A_177 = vector.shape_cast %get3A_176 : vector<1x16xf32> to vector<16xf32>
        %get3A_178 = arith.index_cast %scan3A_28 : i32 to index
        %get3A_179 = arith.constant 144 : index
        %get3A_180 = tpu.vector_load %arg10[%get3A_178, %get3A_179] {strides = array<i32>} : memref<32x1024xf32, #tpu.memory_space<vmem>>, vector<1x16xf32>,
        %get3A_181 = vector.shape_cast %get3A_180 : vector<1x16xf32> to vector<16xf32>
        %sub3A_182 = arith.subf %get3A_181, %get3A_177 : vector<16xf32>
        %mul3A_183 = arith.mulf %sub3A_182, %get3A_31 : vector<16xf32>
        %add3A_184 = arith.addf %get3A_177, %mul3A_183 : vector<16xf32>
        %swap3A_185 = arith.index_cast %scan3A_28 : i32 to index
        %swap3A_186 = arith.constant 144 : index
        %swap3A_187 = tpu.vector_load %arg10[%swap3A_185, %swap3A_186] {strides = array<i32>} : memref<32x1024xf32, #tpu.memory_space<vmem>>, vector<1x16xf32>,
        %swap3A_188 = vector.shape_cast %swap3A_187 : vector<1x16xf32> to vector<16xf32>
        %swap3A_189 = vector.shape_cast %add3A_184 : vector<16xf32> to vector<1x16xf32>
        tpu.vector_store %arg10[%swap3A_185, %swap3A_186], %swap3A_189 {strides = array<i32>} : memref<32x1024xf32, #tpu.memory_space<vmem>>, vector<1x16xf32>,
        %get3A_190 = arith.index_cast %scan3A_28 : i32 to index
        %get3A_191 = arith.constant 160 : index
        %get3A_192 = tpu.vector_load %arg11[%get3A_190, %get3A_191] {strides = array<i32>} : memref<32x1024xf32, #tpu.memory_space<vmem>>, vector<1x16xf32>,
        %get3A_193 = vector.shape_cast %get3A_192 : vector<1x16xf32> to vector<16xf32>
        %get3A_194 = arith.index_cast %scan3A_28 : i32 to index
        %get3A_195 = arith.constant 160 : index
        %get3A_196 = tpu.vector_load %arg10[%get3A_194, %get3A_195] {strides = array<i32>} : memref<32x1024xf32, #tpu.memory_space<vmem>>, vector<1x16xf32>,
        %get3A_197 = vector.shape_cast %get3A_196 : vector<1x16xf32> to vector<16xf32>
        %sub3A_198 = arith.subf %get3A_197, %get3A_193 : vector<16xf32>
        %mul3A_199 = arith.mulf %sub3A_198, %get3A_31 : vector<16xf32>
        %add3A_200 = arith.addf %get3A_193, %mul3A_199 : vector<16xf32>
        %swap3A_201 = arith.index_cast %scan3A_28 : i32 to index
        %swap3A_202 = arith.constant 160 : index
        %swap3A_203 = tpu.vector_load %arg10[%swap3A_201, %swap3A_202] {strides = array<i32>} : memref<32x1024xf32, #tpu.memory_space<vmem>>, vector<1x16xf32>,
        %swap3A_204 = vector.shape_cast %swap3A_203 : vector<1x16xf32> to vector<16xf32>
        %swap3A_205 = vector.shape_cast %add3A_200 : vector<16xf32> to vector<1x16xf32>
        tpu.vector_store %arg10[%swap3A_201, %swap3A_202], %swap3A_205 {strides = array<i32>} : memref<32x1024xf32, #tpu.memory_space<vmem>>, vector<1x16xf32>,
        %get3A_206 = arith.index_cast %scan3A_28 : i32 to index
        %get3A_207 = arith.constant 176 : index
        %get3A_208 = tpu.vector_load %arg11[%get3A_206, %get3A_207] {strides = array<i32>} : memref<32x1024xf32, #tpu.memory_space<vmem>>, vector<1x16xf32>,
        %get3A_209 = vector.shape_cast %get3A_208 : vector<1x16xf32> to vector<16xf32>
        %get3A_210 = arith.index_cast %scan3A_28 : i32 to index
        %get3A_211 = arith.constant 176 : index
        %get3A_212 = tpu.vector_load %arg10[%get3A_210, %get3A_211] {strides = array<i32>} : memref<32x1024xf32, #tpu.memory_space<vmem>>, vector<1x16xf32>,
        %get3A_213 = vector.shape_cast %get3A_212 : vector<1x16xf32> to vector<16xf32>
        %sub3A_214 = arith.subf %get3A_213, %get3A_209 : vector<16xf32>
        %mul3A_215 = arith.mulf %sub3A_214, %get3A_31 : vector<16xf32>
        %add3A_216 = arith.addf %get3A_209, %mul3A_215 : vector<16xf32>
        %swap3A_217 = arith.index_cast %scan3A_28 : i32 to index
        %swap3A_218 = arith.constant 176 : index
        %swap3A_219 = tpu.vector_load %arg10[%swap3A_217, %swap3A_218] {strides = array<i32>} : memref<32x1024xf32, #tpu.memory_space<vmem>>, vector<1x16xf32>,
        %swap3A_220 = vector.shape_cast %swap3A_219 : vector<1x16xf32> to vector<16xf32>
        %swap3A_221 = vector.shape_cast %add3A_216 : vector<16xf32> to vector<1x16xf32>
        tpu.vector_store %arg10[%swap3A_217, %swap3A_218], %swap3A_221 {strides = array<i32>} : memref<32x1024xf32, #tpu.memory_space<vmem>>, vector<1x16xf32>,
        %get3A_222 = arith.index_cast %scan3A_28 : i32 to index
        %get3A_223 = arith.constant 192 : index
        %get3A_224 = tpu.vector_load %arg11[%get3A_222, %get3A_223] {strides = array<i32>} : memref<32x1024xf32, #tpu.memory_space<vmem>>, vector<1x16xf32>,
        %get3A_225 = vector.shape_cast %get3A_224 : vector<1x16xf32> to vector<16xf32>
        %get3A_226 = arith.index_cast %scan3A_28 : i32 to index
        %get3A_227 = arith.constant 192 : index
        %get3A_228 = tpu.vector_load %arg10[%get3A_226, %get3A_227] {strides = array<i32>} : memref<32x1024xf32, #tpu.memory_space<vmem>>, vector<1x16xf32>,
        %get3A_229 = vector.shape_cast %get3A_228 : vector<1x16xf32> to vector<16xf32>
        %sub3A_230 = arith.subf %get3A_229, %get3A_225 : vector<16xf32>
        %mul3A_231 = arith.mulf %sub3A_230, %get3A_31 : vector<16xf32>
        %add3A_232 = arith.addf %get3A_225, %mul3A_231 : vector<16xf32>
        %swap3A_233 = arith.index_cast %scan3A_28 : i32 to index
        %swap3A_234 = arith.constant 192 : index
        %swap3A_235 = tpu.vector_load %arg10[%swap3A_233, %swap3A_234] {strides = array<i32>} : memref<32x1024xf32, #tpu.memory_space<vmem>>, vector<1x16xf32>,
        %swap3A_236 = vector.shape_cast %swap3A_235 : vector<1x16xf32> to vector<16xf32>
        %swap3A_237 = vector.shape_cast %add3A_232 : vector<16xf32> to vector<1x16xf32>
        tpu.vector_store %arg10[%swap3A_233, %swap3A_234], %swap3A_237 {strides = array<i32>} : memref<32x1024xf32, #tpu.memory_space<vmem>>, vector<1x16xf32>,
        %get3A_238 = arith.index_cast %scan3A_28 : i32 to index
        %get3A_239 = arith.constant 208 : index
        %get3A_240 = tpu.vector_load %arg11[%get3A_238, %get3A_239] {strides = array<i32>} : memref<32x1024xf32, #tpu.memory_space<vmem>>, vector<1x16xf32>,
        %get3A_241 = vector.shape_cast %get3A_240 : vector<1x16xf32> to vector<16xf32>
        %get3A_242 = arith.index_cast %scan3A_28 : i32 to index
        %get3A_243 = arith.constant 208 : index
        %get3A_244 = tpu.vector_load %arg10[%get3A_242, %get3A_243] {strides = array<i32>} : memref<32x1024xf32, #tpu.memory_space<vmem>>, vector<1x16xf32>,
        %get3A_245 = vector.shape_cast %get3A_244 : vector<1x16xf32> to vector<16xf32>
        %sub3A_246 = arith.subf %get3A_245, %get3A_241 : vector<16xf32>
        %mul3A_247 = arith.mulf %sub3A_246, %get3A_31 : vector<16xf32>
        %add3A_248 = arith.addf %get3A_241, %mul3A_247 : vector<16xf32>
        %swap3A_249 = arith.index_cast %scan3A_28 : i32 to index
        %swap3A_250 = arith.constant 208 : index
        %swap3A_251 = tpu.vector_load %arg10[%swap3A_249, %swap3A_250] {strides = array<i32>} : memref<32x1024xf32, #tpu.memory_space<vmem>>, vector<1x16xf32>,
        %swap3A_252 = vector.shape_cast %swap3A_251 : vector<1x16xf32> to vector<16xf32>
        %swap3A_253 = vector.shape_cast %add3A_248 : vector<16xf32> to vector<1x16xf32>
        tpu.vector_store %arg10[%swap3A_249, %swap3A_250], %swap3A_253 {strides = array<i32>} : memref<32x1024xf32, #tpu.memory_space<vmem>>, vector<1x16xf32>,
        %get3A_254 = arith.index_cast %scan3A_28 : i32 to index
        %get3A_255 = arith.constant 224 : index
        %get3A_256 = tpu.vector_load %arg11[%get3A_254, %get3A_255] {strides = array<i32>} : memref<32x1024xf32, #tpu.memory_space<vmem>>, vector<1x16xf32>,
        %get3A_257 = vector.shape_cast %get3A_256 : vector<1x16xf32> to vector<16xf32>
        %get3A_258 = arith.index_cast %scan3A_28 : i32 to index
        %get3A_259 = arith.constant 224 : index
        %get3A_260 = tpu.vector_load %arg10[%get3A_258, %get3A_259] {strides = array<i32>} : memref<32x1024xf32, #tpu.memory_space<vmem>>, vector<1x16xf32>,
        %get3A_261 = vector.shape_cast %get3A_260 : vector<1x16xf32> to vector<16xf32>
        %sub3A_262 = arith.subf %get3A_261, %get3A_257 : vector<16xf32>
        %mul3A_263 = arith.mulf %sub3A_262, %get3A_31 : vector<16xf32>
        %add3A_264 = arith.addf %get3A_257, %mul3A_263 : vector<16xf32>
        %swap3A_265 = arith.index_cast %scan3A_28 : i32 to index
        %swap3A_266 = arith.constant 224 : index
        %swap3A_267 = tpu.vector_load %arg10[%swap3A_265, %swap3A_266] {strides = array<i32>} : memref<32x1024xf32, #tpu.memory_space<vmem>>, vector<1x16xf32>,
        %swap3A_268 = vector.shape_cast %swap3A_267 : vector<1x16xf32> to vector<16xf32>
        %swap3A_269 = vector.shape_cast %add3A_264 : vector<16xf32> to vector<1x16xf32>
        tpu.vector_store %arg10[%swap3A_265, %swap3A_266], %swap3A_269 {strides = array<i32>} : memref<32x1024xf32, #tpu.memory_space<vmem>>, vector<1x16xf32>,
        %get3A_270 = arith.index_cast %scan3A_28 : i32 to index
        %get3A_271 = arith.constant 240 : index
        %get3A_272 = tpu.vector_load %arg11[%get3A_270, %get3A_271] {strides = array<i32>} : memref<32x1024xf32, #tpu.memory_space<vmem>>, vector<1x16xf32>,
        %get3A_273 = vector.shape_cast %get3A_272 : vector<1x16xf32> to vector<16xf32>
        %get3A_274 = arith.index_cast %scan3A_28 : i32 to index
        %get3A_275 = arith.constant 240 : index
        %get3A_276 = tpu.vector_load %arg10[%get3A_274, %get3A_275] {strides = array<i32>} : memref<32x1024xf32, #tpu.memory_space<vmem>>, vector<1x16xf32>,
        %get3A_277 = vector.shape_cast %get3A_276 : vector<1x16xf32> to vector<16xf32>
        %sub3A_278 = arith.subf %get3A_277, %get3A_273 : vector<16xf32>
        %mul3A_279 = arith.mulf %sub3A_278, %get3A_31 : vector<16xf32>
        %add3A_280 = arith.addf %get3A_273, %mul3A_279 : vector<16xf32>
        %swap3A_281 = arith.index_cast %scan3A_28 : i32 to index
        %swap3A_282 = arith.constant 240 : index
        %swap3A_283 = tpu.vector_load %arg10[%swap3A_281, %swap3A_282] {strides = array<i32>} : memref<32x1024xf32, #tpu.memory_space<vmem>>, vector<1x16xf32>,
        %swap3A_284 = vector.shape_cast %swap3A_283 : vector<1x16xf32> to vector<16xf32>
        %swap3A_285 = vector.shape_cast %add3A_280 : vector<16xf32> to vector<1x16xf32>
        tpu.vector_store %arg10[%swap3A_281, %swap3A_282], %swap3A_285 {strides = array<i32>} : memref<32x1024xf32, #tpu.memory_space<vmem>>, vector<1x16xf32>,
        %get3A_286 = arith.index_cast %scan3A_28 : i32 to index
        %get3A_287 = arith.constant 256 : index
        %get3A_288 = tpu.vector_load %arg11[%get3A_286, %get3A_287] {strides = array<i32>} : memref<32x1024xf32, #tpu.memory_space<vmem>>, vector<1x16xf32>,
        %get3A_289 = vector.shape_cast %get3A_288 : vector<1x16xf32> to vector<16xf32>
        %get3A_290 = arith.index_cast %scan3A_28 : i32 to index
        %get3A_291 = arith.constant 256 : index
        %get3A_292 = tpu.vector_load %arg10[%get3A_290, %get3A_291] {strides = array<i32>} : memref<32x1024xf32, #tpu.memory_space<vmem>>, vector<1x16xf32>,
        %get3A_293 = vector.shape_cast %get3A_292 : vector<1x16xf32> to vector<16xf32>
        %sub3A_294 = arith.subf %get3A_293, %get3A_289 : vector<16xf32>
        %mul3A_295 = arith.mulf %sub3A_294, %get3A_31 : vector<16xf32>
        %add3A_296 = arith.addf %get3A_289, %mul3A_295 : vector<16xf32>
        %swap3A_297 = arith.index_cast %scan3A_28 : i32 to index
        %swap3A_298 = arith.constant 256 : index
        %swap3A_299 = tpu.vector_load %arg10[%swap3A_297, %swap3A_298] {strides = array<i32>} : memref<32x1024xf32, #tpu.memory_space<vmem>>, vector<1x16xf32>,
        %swap3A_300 = vector.shape_cast %swap3A_299 : vector<1x16xf32> to vector<16xf32>
        %swap3A_301 = vector.shape_cast %add3A_296 : vector<16xf32> to vector<1x16xf32>
        tpu.vector_store %arg10[%swap3A_297, %swap3A_298], %swap3A_301 {strides = array<i32>} : memref<32x1024xf32, #tpu.memory_space<vmem>>, vector<1x16xf32>,
        %get3A_302 = arith.index_cast %scan3A_28 : i32 to index
        %get3A_303 = arith.constant 272 : index
        %get3A_304 = tpu.vector_load %arg11[%get3A_302, %get3A_303] {strides = array<i32>} : memref<32x1024xf32, #tpu.memory_space<vmem>>, vector<1x16xf32>,
        %get3A_305 = vector.shape_cast %get3A_304 : vector<1x16xf32> to vector<16xf32>
        %get3A_306 = arith.index_cast %scan3A_28 : i32 to index
        %get3A_307 = arith.constant 272 : index
        %get3A_308 = tpu.vector_load %arg10[%get3A_306, %get3A_307] {strides = array<i32>} : memref<32x1024xf32, #tpu.memory_space<vmem>>, vector<1x16xf32>,
        %get3A_309 = vector.shape_cast %get3A_308 : vector<1x16xf32> to vector<16xf32>
        %sub3A_310 = arith.subf %get3A_309, %get3A_305 : vector<16xf32>
        %mul3A_311 = arith.mulf %sub3A_310, %get3A_31 : vector<16xf32>
        %add3A_312 = arith.addf %get3A_305, %mul3A_311 : vector<16xf32>
        %swap3A_313 = arith.index_cast %scan3A_28 : i32 to index
        %swap3A_314 = arith.constant 272 : index
        %swap3A_315 = tpu.vector_load %arg10[%swap3A_313, %swap3A_314] {strides = array<i32>} : memref<32x1024xf32, #tpu.memory_space<vmem>>, vector<1x16xf32>,
        %swap3A_316 = vector.shape_cast %swap3A_315 : vector<1x16xf32> to vector<16xf32>
        %swap3A_317 = vector.shape_cast %add3A_312 : vector<16xf32> to vector<1x16xf32>
        tpu.vector_store %arg10[%swap3A_313, %swap3A_314], %swap3A_317 {strides = array<i32>} : memref<32x1024xf32, #tpu.memory_space<vmem>>, vector<1x16xf32>,
        %get3A_318 = arith.index_cast %scan3A_28 : i32 to index
        %get3A_319 = arith.constant 288 : index
        %get3A_320 = tpu.vector_load %arg11[%get3A_318, %get3A_319] {strides = array<i32>} : memref<32x1024xf32, #tpu.memory_space<vmem>>, vector<1x16xf32>,
        %get3A_321 = vector.shape_cast %get3A_320 : vector<1x16xf32> to vector<16xf32>
        %get3A_322 = arith.index_cast %scan3A_28 : i32 to index
        %get3A_323 = arith.constant 288 : index
        %get3A_324 = tpu.vector_load %arg10[%get3A_322, %get3A_323] {strides = array<i32>} : memref<32x1024xf32, #tpu.memory_space<vmem>>, vector<1x16xf32>,
        %get3A_325 = vector.shape_cast %get3A_324 : vector<1x16xf32> to vector<16xf32>
        %sub3A_326 = arith.subf %get3A_325, %get3A_321 : vector<16xf32>
        %mul3A_327 = arith.mulf %sub3A_326, %get3A_31 : vector<16xf32>
        %add3A_328 = arith.addf %get3A_321, %mul3A_327 : vector<16xf32>
        %swap3A_329 = arith.index_cast %scan3A_28 : i32 to index
        %swap3A_330 = arith.constant 288 : index
        %swap3A_331 = tpu.vector_load %arg10[%swap3A_329, %swap3A_330] {strides = array<i32>} : memref<32x1024xf32, #tpu.memory_space<vmem>>, vector<1x16xf32>,
        %swap3A_332 = vector.shape_cast %swap3A_331 : vector<1x16xf32> to vector<16xf32>
        %swap3A_333 = vector.shape_cast %add3A_328 : vector<16xf32> to vector<1x16xf32>
        tpu.vector_store %arg10[%swap3A_329, %swap3A_330], %swap3A_333 {strides = array<i32>} : memref<32x1024xf32, #tpu.memory_space<vmem>>, vector<1x16xf32>,
        %get3A_334 = arith.index_cast %scan3A_28 : i32 to index
        %get3A_335 = arith.constant 304 : index
        %get3A_336 = tpu.vector_load %arg11[%get3A_334, %get3A_335] {strides = array<i32>} : memref<32x1024xf32, #tpu.memory_space<vmem>>, vector<1x16xf32>,
        %get3A_337 = vector.shape_cast %get3A_336 : vector<1x16xf32> to vector<16xf32>
        %get3A_338 = arith.index_cast %scan3A_28 : i32 to index
        %get3A_339 = arith.constant 304 : index
        %get3A_340 = tpu.vector_load %arg10[%get3A_338, %get3A_339] {strides = array<i32>} : memref<32x1024xf32, #tpu.memory_space<vmem>>, vector<1x16xf32>,
        %get3A_341 = vector.shape_cast %get3A_340 : vector<1x16xf32> to vector<16xf32>
        %sub3A_342 = arith.subf %get3A_341, %get3A_337 : vector<16xf32>
        %mul3A_343 = arith.mulf %sub3A_342, %get3A_31 : vector<16xf32>
        %add3A_344 = arith.addf %get3A_337, %mul3A_343 : vector<16xf32>
        %swap3A_345 = arith.index_cast %scan3A_28 : i32 to index
        %swap3A_346 = arith.constant 304 : index
        %swap3A_347 = tpu.vector_load %arg10[%swap3A_345, %swap3A_346] {strides = array<i32>} : memref<32x1024xf32, #tpu.memory_space<vmem>>, vector<1x16xf32>,
        %swap3A_348 = vector.shape_cast %swap3A_347 : vector<1x16xf32> to vector<16xf32>
        %swap3A_349 = vector.shape_cast %add3A_344 : vector<16xf32> to vector<1x16xf32>
        tpu.vector_store %arg10[%swap3A_345, %swap3A_346], %swap3A_349 {strides = array<i32>} : memref<32x1024xf32, #tpu.memory_space<vmem>>, vector<1x16xf32>,
        %get3A_350 = arith.index_cast %scan3A_28 : i32 to index
        %get3A_351 = arith.constant 320 : index
        %get3A_352 = tpu.vector_load %arg11[%get3A_350, %get3A_351] {strides = array<i32>} : memref<32x1024xf32, #tpu.memory_space<vmem>>, vector<1x16xf32>,
        %get3A_353 = vector.shape_cast %get3A_352 : vector<1x16xf32> to vector<16xf32>
        %get3A_354 = arith.index_cast %scan3A_28 : i32 to index
        %get3A_355 = arith.constant 320 : index
        %get3A_356 = tpu.vector_load %arg10[%get3A_354, %get3A_355] {strides = array<i32>} : memref<32x1024xf32, #tpu.memory_space<vmem>>, vector<1x16xf32>,
        %get3A_357 = vector.shape_cast %get3A_356 : vector<1x16xf32> to vector<16xf32>
        %sub3A_358 = arith.subf %get3A_357, %get3A_353 : vector<16xf32>
        %mul3A_359 = arith.mulf %sub3A_358, %get3A_31 : vector<16xf32>
        %add3A_360 = arith.addf %get3A_353, %mul3A_359 : vector<16xf32>
        %swap3A_361 = arith.index_cast %scan3A_28 : i32 to index
        %swap3A_362 = arith.constant 320 : index
        %swap3A_363 = tpu.vector_load %arg10[%swap3A_361, %swap3A_362] {strides = array<i32>} : memref<32x1024xf32, #tpu.memory_space<vmem>>, vector<1x16xf32>,
        %swap3A_364 = vector.shape_cast %swap3A_363 : vector<1x16xf32> to vector<16xf32>
        %swap3A_365 = vector.shape_cast %add3A_360 : vector<16xf32> to vector<1x16xf32>
        tpu.vector_store %arg10[%swap3A_361, %swap3A_362], %swap3A_365 {strides = array<i32>} : memref<32x1024xf32, #tpu.memory_space<vmem>>, vector<1x16xf32>,
        %get3A_366 = arith.index_cast %scan3A_28 : i32 to index
        %get3A_367 = arith.constant 336 : index
        %get3A_368 = tpu.vector_load %arg11[%get3A_366, %get3A_367] {strides = array<i32>} : memref<32x1024xf32, #tpu.memory_space<vmem>>, vector<1x16xf32>,
        %get3A_369 = vector.shape_cast %get3A_368 : vector<1x16xf32> to vector<16xf32>
        %get3A_370 = arith.index_cast %scan3A_28 : i32 to index
        %get3A_371 = arith.constant 336 : index
        %get3A_372 = tpu.vector_load %arg10[%get3A_370, %get3A_371] {strides = array<i32>} : memref<32x1024xf32, #tpu.memory_space<vmem>>, vector<1x16xf32>,
        %get3A_373 = vector.shape_cast %get3A_372 : vector<1x16xf32> to vector<16xf32>
        %sub3A_374 = arith.subf %get3A_373, %get3A_369 : vector<16xf32>
        %mul3A_375 = arith.mulf %sub3A_374, %get3A_31 : vector<16xf32>
        %add3A_376 = arith.addf %get3A_369, %mul3A_375 : vector<16xf32>
        %swap3A_377 = arith.index_cast %scan3A_28 : i32 to index
        %swap3A_378 = arith.constant 336 : index
        %swap3A_379 = tpu.vector_load %arg10[%swap3A_377, %swap3A_378] {strides = array<i32>} : memref<32x1024xf32, #tpu.memory_space<vmem>>, vector<1x16xf32>,
        %swap3A_380 = vector.shape_cast %swap3A_379 : vector<1x16xf32> to vector<16xf32>
        %swap3A_381 = vector.shape_cast %add3A_376 : vector<16xf32> to vector<1x16xf32>
        tpu.vector_store %arg10[%swap3A_377, %swap3A_378], %swap3A_381 {strides = array<i32>} : memref<32x1024xf32, #tpu.memory_space<vmem>>, vector<1x16xf32>,
        %get3A_382 = arith.index_cast %scan3A_28 : i32 to index
        %get3A_383 = arith.constant 352 : index
        %get3A_384 = tpu.vector_load %arg11[%get3A_382, %get3A_383] {strides = array<i32>} : memref<32x1024xf32, #tpu.memory_space<vmem>>, vector<1x16xf32>,
        %get3A_385 = vector.shape_cast %get3A_384 : vector<1x16xf32> to vector<16xf32>
        %get3A_386 = arith.index_cast %scan3A_28 : i32 to index
        %get3A_387 = arith.constant 352 : index
        %get3A_388 = tpu.vector_load %arg10[%get3A_386, %get3A_387] {strides = array<i32>} : memref<32x1024xf32, #tpu.memory_space<vmem>>, vector<1x16xf32>,
        %get3A_389 = vector.shape_cast %get3A_388 : vector<1x16xf32> to vector<16xf32>
        %sub3A_390 = arith.subf %get3A_389, %get3A_385 : vector<16xf32>
        %mul3A_391 = arith.mulf %sub3A_390, %get3A_31 : vector<16xf32>
        %add3A_392 = arith.addf %get3A_385, %mul3A_391 : vector<16xf32>
        %swap3A_393 = arith.index_cast %scan3A_28 : i32 to index
        %swap3A_394 = arith.constant 352 : index
        %swap3A_395 = tpu.vector_load %arg10[%swap3A_393, %swap3A_394] {strides = array<i32>} : memref<32x1024xf32, #tpu.memory_space<vmem>>, vector<1x16xf32>,
        %swap3A_396 = vector.shape_cast %swap3A_395 : vector<1x16xf32> to vector<16xf32>
        %swap3A_397 = vector.shape_cast %add3A_392 : vector<16xf32> to vector<1x16xf32>
        tpu.vector_store %arg10[%swap3A_393, %swap3A_394], %swap3A_397 {strides = array<i32>} : memref<32x1024xf32, #tpu.memory_space<vmem>>, vector<1x16xf32>,
        %get3A_398 = arith.index_cast %scan3A_28 : i32 to index
        %get3A_399 = arith.constant 368 : index
        %get3A_400 = tpu.vector_load %arg11[%get3A_398, %get3A_399] {strides = array<i32>} : memref<32x1024xf32, #tpu.memory_space<vmem>>, vector<1x16xf32>,
        %get3A_401 = vector.shape_cast %get3A_400 : vector<1x16xf32> to vector<16xf32>
        %get3A_402 = arith.index_cast %scan3A_28 : i32 to index
        %get3A_403 = arith.constant 368 : index
        %get3A_404 = tpu.vector_load %arg10[%get3A_402, %get3A_403] {strides = array<i32>} : memref<32x1024xf32, #tpu.memory_space<vmem>>, vector<1x16xf32>,
        %get3A_405 = vector.shape_cast %get3A_404 : vector<1x16xf32> to vector<16xf32>
        %sub3A_406 = arith.subf %get3A_405, %get3A_401 : vector<16xf32>
        %mul3A_407 = arith.mulf %sub3A_406, %get3A_31 : vector<16xf32>
        %add3A_408 = arith.addf %get3A_401, %mul3A_407 : vector<16xf32>
        %swap3A_409 = arith.index_cast %scan3A_28 : i32 to index
        %swap3A_410 = arith.constant 368 : index
        %swap3A_411 = tpu.vector_load %arg10[%swap3A_409, %swap3A_410] {strides = array<i32>} : memref<32x1024xf32, #tpu.memory_space<vmem>>, vector<1x16xf32>,
        %swap3A_412 = vector.shape_cast %swap3A_411 : vector<1x16xf32> to vector<16xf32>
        %swap3A_413 = vector.shape_cast %add3A_408 : vector<16xf32> to vector<1x16xf32>
        tpu.vector_store %arg10[%swap3A_409, %swap3A_410], %swap3A_413 {strides = array<i32>} : memref<32x1024xf32, #tpu.memory_space<vmem>>, vector<1x16xf32>,
        %get3A_414 = arith.index_cast %scan3A_28 : i32 to index
        %get3A_415 = arith.constant 384 : index
        %get3A_416 = tpu.vector_load %arg11[%get3A_414, %get3A_415] {strides = array<i32>} : memref<32x1024xf32, #tpu.memory_space<vmem>>, vector<1x16xf32>,
        %get3A_417 = vector.shape_cast %get3A_416 : vector<1x16xf32> to vector<16xf32>
        %get3A_418 = arith.index_cast %scan3A_28 : i32 to index
        %get3A_419 = arith.constant 384 : index
        %get3A_420 = tpu.vector_load %arg10[%get3A_418, %get3A_419] {strides = array<i32>} : memref<32x1024xf32, #tpu.memory_space<vmem>>, vector<1x16xf32>,
        %get3A_421 = vector.shape_cast %get3A_420 : vector<1x16xf32> to vector<16xf32>
        %sub3A_422 = arith.subf %get3A_421, %get3A_417 : vector<16xf32>
        %mul3A_423 = arith.mulf %sub3A_422, %get3A_31 : vector<16xf32>
        %add3A_424 = arith.addf %get3A_417, %mul3A_423 : vector<16xf32>
        %swap3A_425 = arith.index_cast %scan3A_28 : i32 to index
        %swap3A_426 = arith.constant 384 : index
        %swap3A_427 = tpu.vector_load %arg10[%swap3A_425, %swap3A_426] {strides = array<i32>} : memref<32x1024xf32, #tpu.memory_space<vmem>>, vector<1x16xf32>,
        %swap3A_428 = vector.shape_cast %swap3A_427 : vector<1x16xf32> to vector<16xf32>
        %swap3A_429 = vector.shape_cast %add3A_424 : vector<16xf32> to vector<1x16xf32>
        tpu.vector_store %arg10[%swap3A_425, %swap3A_426], %swap3A_429 {strides = array<i32>} : memref<32x1024xf32, #tpu.memory_space<vmem>>, vector<1x16xf32>,
        %get3A_430 = arith.index_cast %scan3A_28 : i32 to index
        %get3A_431 = arith.constant 400 : index
        %get3A_432 = tpu.vector_load %arg11[%get3A_430, %get3A_431] {strides = array<i32>} : memref<32x1024xf32, #tpu.memory_space<vmem>>, vector<1x16xf32>,
        %get3A_433 = vector.shape_cast %get3A_432 : vector<1x16xf32> to vector<16xf32>
        %get3A_434 = arith.index_cast %scan3A_28 : i32 to index
        %get3A_435 = arith.constant 400 : index
        %get3A_436 = tpu.vector_load %arg10[%get3A_434, %get3A_435] {strides = array<i32>} : memref<32x1024xf32, #tpu.memory_space<vmem>>, vector<1x16xf32>,
        %get3A_437 = vector.shape_cast %get3A_436 : vector<1x16xf32> to vector<16xf32>
        %sub3A_438 = arith.subf %get3A_437, %get3A_433 : vector<16xf32>
        %mul3A_439 = arith.mulf %sub3A_438, %get3A_31 : vector<16xf32>
        %add3A_440 = arith.addf %get3A_433, %mul3A_439 : vector<16xf32>
        %swap3A_441 = arith.index_cast %scan3A_28 : i32 to index
        %swap3A_442 = arith.constant 400 : index
        %swap3A_443 = tpu.vector_load %arg10[%swap3A_441, %swap3A_442] {strides = array<i32>} : memref<32x1024xf32, #tpu.memory_space<vmem>>, vector<1x16xf32>,
        %swap3A_444 = vector.shape_cast %swap3A_443 : vector<1x16xf32> to vector<16xf32>
        %swap3A_445 = vector.shape_cast %add3A_440 : vector<16xf32> to vector<1x16xf32>
        tpu.vector_store %arg10[%swap3A_441, %swap3A_442], %swap3A_445 {strides = array<i32>} : memref<32x1024xf32, #tpu.memory_space<vmem>>, vector<1x16xf32>,
        %get3A_446 = arith.index_cast %scan3A_28 : i32 to index
        %get3A_447 = arith.constant 416 : index
        %get3A_448 = tpu.vector_load %arg11[%get3A_446, %get3A_447] {strides = array<i32>} : memref<32x1024xf32, #tpu.memory_space<vmem>>, vector<1x16xf32>,
        %get3A_449 = vector.shape_cast %get3A_448 : vector<1x16xf32> to vector<16xf32>
        %get3A_450 = arith.index_cast %scan3A_28 : i32 to index
        %get3A_451 = arith.constant 416 : index
        %get3A_452 = tpu.vector_load %arg10[%get3A_450, %get3A_451] {strides = array<i32>} : memref<32x1024xf32, #tpu.memory_space<vmem>>, vector<1x16xf32>,
        %get3A_453 = vector.shape_cast %get3A_452 : vector<1x16xf32> to vector<16xf32>
        %sub3A_454 = arith.subf %get3A_453, %get3A_449 : vector<16xf32>
        %mul3A_455 = arith.mulf %sub3A_454, %get3A_31 : vector<16xf32>
        %add3A_456 = arith.addf %get3A_449, %mul3A_455 : vector<16xf32>
        %swap3A_457 = arith.index_cast %scan3A_28 : i32 to index
        %swap3A_458 = arith.constant 416 : index
        %swap3A_459 = tpu.vector_load %arg10[%swap3A_457, %swap3A_458] {strides = array<i32>} : memref<32x1024xf32, #tpu.memory_space<vmem>>, vector<1x16xf32>,
        %swap3A_460 = vector.shape_cast %swap3A_459 : vector<1x16xf32> to vector<16xf32>
        %swap3A_461 = vector.shape_cast %add3A_456 : vector<16xf32> to vector<1x16xf32>
        tpu.vector_store %arg10[%swap3A_457, %swap3A_458], %swap3A_461 {strides = array<i32>} : memref<32x1024xf32, #tpu.memory_space<vmem>>, vector<1x16xf32>,
        %get3A_462 = arith.index_cast %scan3A_28 : i32 to index
        %get3A_463 = arith.constant 432 : index
        %get3A_464 = tpu.vector_load %arg11[%get3A_462, %get3A_463] {strides = array<i32>} : memref<32x1024xf32, #tpu.memory_space<vmem>>, vector<1x16xf32>,
        %get3A_465 = vector.shape_cast %get3A_464 : vector<1x16xf32> to vector<16xf32>
        %get3A_466 = arith.index_cast %scan3A_28 : i32 to index
        %get3A_467 = arith.constant 432 : index
        %get3A_468 = tpu.vector_load %arg10[%get3A_466, %get3A_467] {strides = array<i32>} : memref<32x1024xf32, #tpu.memory_space<vmem>>, vector<1x16xf32>,
        %get3A_469 = vector.shape_cast %get3A_468 : vector<1x16xf32> to vector<16xf32>
        %sub3A_470 = arith.subf %get3A_469, %get3A_465 : vector<16xf32>
        %mul3A_471 = arith.mulf %sub3A_470, %get3A_31 : vector<16xf32>
        %add3A_472 = arith.addf %get3A_465, %mul3A_471 : vector<16xf32>
        %swap3A_473 = arith.index_cast %scan3A_28 : i32 to index
        %swap3A_474 = arith.constant 432 : index
        %swap3A_475 = tpu.vector_load %arg10[%swap3A_473, %swap3A_474] {strides = array<i32>} : memref<32x1024xf32, #tpu.memory_space<vmem>>, vector<1x16xf32>,
        %swap3A_476 = vector.shape_cast %swap3A_475 : vector<1x16xf32> to vector<16xf32>
        %swap3A_477 = vector.shape_cast %add3A_472 : vector<16xf32> to vector<1x16xf32>
        tpu.vector_store %arg10[%swap3A_473, %swap3A_474], %swap3A_477 {strides = array<i32>} : memref<32x1024xf32, #tpu.memory_space<vmem>>, vector<1x16xf32>,
        %get3A_478 = arith.index_cast %scan3A_28 : i32 to index
        %get3A_479 = arith.constant 448 : index
        %get3A_480 = tpu.vector_load %arg11[%get3A_478, %get3A_479] {strides = array<i32>} : memref<32x1024xf32, #tpu.memory_space<vmem>>, vector<1x16xf32>,
        %get3A_481 = vector.shape_cast %get3A_480 : vector<1x16xf32> to vector<16xf32>
        %get3A_482 = arith.index_cast %scan3A_28 : i32 to index
        %get3A_483 = arith.constant 448 : index
        %get3A_484 = tpu.vector_load %arg10[%get3A_482, %get3A_483] {strides = array<i32>} : memref<32x1024xf32, #tpu.memory_space<vmem>>, vector<1x16xf32>,
        %get3A_485 = vector.shape_cast %get3A_484 : vector<1x16xf32> to vector<16xf32>
        %sub3A_486 = arith.subf %get3A_485, %get3A_481 : vector<16xf32>
        %mul3A_487 = arith.mulf %sub3A_486, %get3A_31 : vector<16xf32>
        %add3A_488 = arith.addf %get3A_481, %mul3A_487 : vector<16xf32>
        %swap3A_489 = arith.index_cast %scan3A_28 : i32 to index
        %swap3A_490 = arith.constant 448 : index
        %swap3A_491 = tpu.vector_load %arg10[%swap3A_489, %swap3A_490] {strides = array<i32>} : memref<32x1024xf32, #tpu.memory_space<vmem>>, vector<1x16xf32>,
        %swap3A_492 = vector.shape_cast %swap3A_491 : vector<1x16xf32> to vector<16xf32>
        %swap3A_493 = vector.shape_cast %add3A_488 : vector<16xf32> to vector<1x16xf32>
        tpu.vector_store %arg10[%swap3A_489, %swap3A_490], %swap3A_493 {strides = array<i32>} : memref<32x1024xf32, #tpu.memory_space<vmem>>, vector<1x16xf32>,
        %get3A_494 = arith.index_cast %scan3A_28 : i32 to index
        %get3A_495 = arith.constant 464 : index
        %get3A_496 = tpu.vector_load %arg11[%get3A_494, %get3A_495] {strides = array<i32>} : memref<32x1024xf32, #tpu.memory_space<vmem>>, vector<1x16xf32>,
        %get3A_497 = vector.shape_cast %get3A_496 : vector<1x16xf32> to vector<16xf32>
        %get3A_498 = arith.index_cast %scan3A_28 : i32 to index
        %get3A_499 = arith.constant 464 : index
        %get3A_500 = tpu.vector_load %arg10[%get3A_498, %get3A_499] {strides = array<i32>} : memref<32x1024xf32, #tpu.memory_space<vmem>>, vector<1x16xf32>,
        %get3A_501 = vector.shape_cast %get3A_500 : vector<1x16xf32> to vector<16xf32>
        %sub3A_502 = arith.subf %get3A_501, %get3A_497 : vector<16xf32>
        %mul3A_503 = arith.mulf %sub3A_502, %get3A_31 : vector<16xf32>
        %add3A_504 = arith.addf %get3A_497, %mul3A_503 : vector<16xf32>
        %swap3A_505 = arith.index_cast %scan3A_28 : i32 to index
        %swap3A_506 = arith.constant 464 : index
        %swap3A_507 = tpu.vector_load %arg10[%swap3A_505, %swap3A_506] {strides = array<i32>} : memref<32x1024xf32, #tpu.memory_space<vmem>>, vector<1x16xf32>,
        %swap3A_508 = vector.shape_cast %swap3A_507 : vector<1x16xf32> to vector<16xf32>
        %swap3A_509 = vector.shape_cast %add3A_504 : vector<16xf32> to vector<1x16xf32>
        tpu.vector_store %arg10[%swap3A_505, %swap3A_506], %swap3A_509 {strides = array<i32>} : memref<32x1024xf32, #tpu.memory_space<vmem>>, vector<1x16xf32>,
        %get3A_510 = arith.index_cast %scan3A_28 : i32 to index
        %get3A_511 = arith.constant 480 : index
        %get3A_512 = tpu.vector_load %arg11[%get3A_510, %get3A_511] {strides = array<i32>} : memref<32x1024xf32, #tpu.memory_space<vmem>>, vector<1x16xf32>,
        %get3A_513 = vector.shape_cast %get3A_512 : vector<1x16xf32> to vector<16xf32>
        %get3A_514 = arith.index_cast %scan3A_28 : i32 to index
        %get3A_515 = arith.constant 480 : index
        %get3A_516 = tpu.vector_load %arg10[%get3A_514, %get3A_515] {strides = array<i32>} : memref<32x1024xf32, #tpu.memory_space<vmem>>, vector<1x16xf32>,
        %get3A_517 = vector.shape_cast %get3A_516 : vector<1x16xf32> to vector<16xf32>
        %sub3A_518 = arith.subf %get3A_517, %get3A_513 : vector<16xf32>
        %mul3A_519 = arith.mulf %sub3A_518, %get3A_31 : vector<16xf32>
        %add3A_520 = arith.addf %get3A_513, %mul3A_519 : vector<16xf32>
        %swap3A_521 = arith.index_cast %scan3A_28 : i32 to index
        %swap3A_522 = arith.constant 480 : index
        %swap3A_523 = tpu.vector_load %arg10[%swap3A_521, %swap3A_522] {strides = array<i32>} : memref<32x1024xf32, #tpu.memory_space<vmem>>, vector<1x16xf32>,
        %swap3A_524 = vector.shape_cast %swap3A_523 : vector<1x16xf32> to vector<16xf32>
        %swap3A_525 = vector.shape_cast %add3A_520 : vector<16xf32> to vector<1x16xf32>
        tpu.vector_store %arg10[%swap3A_521, %swap3A_522], %swap3A_525 {strides = array<i32>} : memref<32x1024xf32, #tpu.memory_space<vmem>>, vector<1x16xf32>,
        %get3A_526 = arith.index_cast %scan3A_28 : i32 to index
        %get3A_527 = arith.constant 496 : index
        %get3A_528 = tpu.vector_load %arg11[%get3A_526, %get3A_527] {strides = array<i32>} : memref<32x1024xf32, #tpu.memory_space<vmem>>, vector<1x16xf32>,
        %get3A_529 = vector.shape_cast %get3A_528 : vector<1x16xf32> to vector<16xf32>
        %get3A_530 = arith.index_cast %scan3A_28 : i32 to index
        %get3A_531 = arith.constant 496 : index
        %get3A_532 = tpu.vector_load %arg10[%get3A_530, %get3A_531] {strides = array<i32>} : memref<32x1024xf32, #tpu.memory_space<vmem>>, vector<1x16xf32>,
        %get3A_533 = vector.shape_cast %get3A_532 : vector<1x16xf32> to vector<16xf32>
        %sub3A_534 = arith.subf %get3A_533, %get3A_529 : vector<16xf32>
        %mul3A_535 = arith.mulf %sub3A_534, %get3A_31 : vector<16xf32>
        %add3A_536 = arith.addf %get3A_529, %mul3A_535 : vector<16xf32>
        %swap3A_537 = arith.index_cast %scan3A_28 : i32 to index
        %swap3A_538 = arith.constant 496 : index
        %swap3A_539 = tpu.vector_load %arg10[%swap3A_537, %swap3A_538] {strides = array<i32>} : memref<32x1024xf32, #tpu.memory_space<vmem>>, vector<1x16xf32>,
        %swap3A_540 = vector.shape_cast %swap3A_539 : vector<1x16xf32> to vector<16xf32>
        %swap3A_541 = vector.shape_cast %add3A_536 : vector<16xf32> to vector<1x16xf32>
        tpu.vector_store %arg10[%swap3A_537, %swap3A_538], %swap3A_541 {strides = array<i32>} : memref<32x1024xf32, #tpu.memory_space<vmem>>, vector<1x16xf32>,
        %get3A_542 = arith.index_cast %scan3A_28 : i32 to index
        %get3A_543 = arith.constant 512 : index
        %get3A_544 = tpu.vector_load %arg11[%get3A_542, %get3A_543] {strides = array<i32>} : memref<32x1024xf32, #tpu.memory_space<vmem>>, vector<1x16xf32>,
        %get3A_545 = vector.shape_cast %get3A_544 : vector<1x16xf32> to vector<16xf32>
        %get3A_546 = arith.index_cast %scan3A_28 : i32 to index
        %get3A_547 = arith.constant 512 : index
        %get3A_548 = tpu.vector_load %arg10[%get3A_546, %get3A_547] {strides = array<i32>} : memref<32x1024xf32, #tpu.memory_space<vmem>>, vector<1x16xf32>,
        %get3A_549 = vector.shape_cast %get3A_548 : vector<1x16xf32> to vector<16xf32>
        %sub3A_550 = arith.subf %get3A_549, %get3A_545 : vector<16xf32>
        %mul3A_551 = arith.mulf %sub3A_550, %get3A_31 : vector<16xf32>
        %add3A_552 = arith.addf %get3A_545, %mul3A_551 : vector<16xf32>
        %swap3A_553 = arith.index_cast %scan3A_28 : i32 to index
        %swap3A_554 = arith.constant 512 : index
        %swap3A_555 = tpu.vector_load %arg10[%swap3A_553, %swap3A_554] {strides = array<i32>} : memref<32x1024xf32, #tpu.memory_space<vmem>>, vector<1x16xf32>,
        %swap3A_556 = vector.shape_cast %swap3A_555 : vector<1x16xf32> to vector<16xf32>
        %swap3A_557 = vector.shape_cast %add3A_552 : vector<16xf32> to vector<1x16xf32>
        tpu.vector_store %arg10[%swap3A_553, %swap3A_554], %swap3A_557 {strides = array<i32>} : memref<32x1024xf32, #tpu.memory_space<vmem>>, vector<1x16xf32>,
        %get3A_558 = arith.index_cast %scan3A_28 : i32 to index
        %get3A_559 = arith.constant 528 : index
        %get3A_560 = tpu.vector_load %arg11[%get3A_558, %get3A_559] {strides = array<i32>} : memref<32x1024xf32, #tpu.memory_space<vmem>>, vector<1x16xf32>,
        %get3A_561 = vector.shape_cast %get3A_560 : vector<1x16xf32> to vector<16xf32>
        %get3A_562 = arith.index_cast %scan3A_28 : i32 to index
        %get3A_563 = arith.constant 528 : index
        %get3A_564 = tpu.vector_load %arg10[%get3A_562, %get3A_563] {strides = array<i32>} : memref<32x1024xf32, #tpu.memory_space<vmem>>, vector<1x16xf32>,
        %get3A_565 = vector.shape_cast %get3A_564 : vector<1x16xf32> to vector<16xf32>
        %sub3A_566 = arith.subf %get3A_565, %get3A_561 : vector<16xf32>
        %mul3A_567 = arith.mulf %sub3A_566, %get3A_31 : vector<16xf32>
        %add3A_568 = arith.addf %get3A_561, %mul3A_567 : vector<16xf32>
        %swap3A_569 = arith.index_cast %scan3A_28 : i32 to index
        %swap3A_570 = arith.constant 528 : index
        %swap3A_571 = tpu.vector_load %arg10[%swap3A_569, %swap3A_570] {strides = array<i32>} : memref<32x1024xf32, #tpu.memory_space<vmem>>, vector<1x16xf32>,
        %swap3A_572 = vector.shape_cast %swap3A_571 : vector<1x16xf32> to vector<16xf32>
        %swap3A_573 = vector.shape_cast %add3A_568 : vector<16xf32> to vector<1x16xf32>
        tpu.vector_store %arg10[%swap3A_569, %swap3A_570], %swap3A_573 {strides = array<i32>} : memref<32x1024xf32, #tpu.memory_space<vmem>>, vector<1x16xf32>,
        %get3A_574 = arith.index_cast %scan3A_28 : i32 to index
        %get3A_575 = arith.constant 544 : index
        %get3A_576 = tpu.vector_load %arg11[%get3A_574, %get3A_575] {strides = array<i32>} : memref<32x1024xf32, #tpu.memory_space<vmem>>, vector<1x16xf32>,
        %get3A_577 = vector.shape_cast %get3A_576 : vector<1x16xf32> to vector<16xf32>
        %get3A_578 = arith.index_cast %scan3A_28 : i32 to index
        %get3A_579 = arith.constant 544 : index
        %get3A_580 = tpu.vector_load %arg10[%get3A_578, %get3A_579] {strides = array<i32>} : memref<32x1024xf32, #tpu.memory_space<vmem>>, vector<1x16xf32>,
        %get3A_581 = vector.shape_cast %get3A_580 : vector<1x16xf32> to vector<16xf32>
        %sub3A_582 = arith.subf %get3A_581, %get3A_577 : vector<16xf32>
        %mul3A_583 = arith.mulf %sub3A_582, %get3A_31 : vector<16xf32>
        %add3A_584 = arith.addf %get3A_577, %mul3A_583 : vector<16xf32>
        %swap3A_585 = arith.index_cast %scan3A_28 : i32 to index
        %swap3A_586 = arith.constant 544 : index
        %swap3A_587 = tpu.vector_load %arg10[%swap3A_585, %swap3A_586] {strides = array<i32>} : memref<32x1024xf32, #tpu.memory_space<vmem>>, vector<1x16xf32>,
        %swap3A_588 = vector.shape_cast %swap3A_587 : vector<1x16xf32> to vector<16xf32>
        %swap3A_589 = vector.shape_cast %add3A_584 : vector<16xf32> to vector<1x16xf32>
        tpu.vector_store %arg10[%swap3A_585, %swap3A_586], %swap3A_589 {strides = array<i32>} : memref<32x1024xf32, #tpu.memory_space<vmem>>, vector<1x16xf32>,
        %get3A_590 = arith.index_cast %scan3A_28 : i32 to index
        %get3A_591 = arith.constant 560 : index
        %get3A_592 = tpu.vector_load %arg11[%get3A_590, %get3A_591] {strides = array<i32>} : memref<32x1024xf32, #tpu.memory_space<vmem>>, vector<1x16xf32>,
        %get3A_593 = vector.shape_cast %get3A_592 : vector<1x16xf32> to vector<16xf32>
        %get3A_594 = arith.index_cast %scan3A_28 : i32 to index
        %get3A_595 = arith.constant 560 : index
        %get3A_596 = tpu.vector_load %arg10[%get3A_594, %get3A_595] {strides = array<i32>} : memref<32x1024xf32, #tpu.memory_space<vmem>>, vector<1x16xf32>,
        %get3A_597 = vector.shape_cast %get3A_596 : vector<1x16xf32> to vector<16xf32>
        %sub3A_598 = arith.subf %get3A_597, %get3A_593 : vector<16xf32>
        %mul3A_599 = arith.mulf %sub3A_598, %get3A_31 : vector<16xf32>
        %add3A_600 = arith.addf %get3A_593, %mul3A_599 : vector<16xf32>
        %swap3A_601 = arith.index_cast %scan3A_28 : i32 to index
        %swap3A_602 = arith.constant 560 : index
        %swap3A_603 = tpu.vector_load %arg10[%swap3A_601, %swap3A_602] {strides = array<i32>} : memref<32x1024xf32, #tpu.memory_space<vmem>>, vector<1x16xf32>,
        %swap3A_604 = vector.shape_cast %swap3A_603 : vector<1x16xf32> to vector<16xf32>
        %swap3A_605 = vector.shape_cast %add3A_600 : vector<16xf32> to vector<1x16xf32>
        tpu.vector_store %arg10[%swap3A_601, %swap3A_602], %swap3A_605 {strides = array<i32>} : memref<32x1024xf32, #tpu.memory_space<vmem>>, vector<1x16xf32>,
        %get3A_606 = arith.index_cast %scan3A_28 : i32 to index
        %get3A_607 = arith.constant 576 : index
        %get3A_608 = tpu.vector_load %arg11[%get3A_606, %get3A_607] {strides = array<i32>} : memref<32x1024xf32, #tpu.memory_space<vmem>>, vector<1x16xf32>,
        %get3A_609 = vector.shape_cast %get3A_608 : vector<1x16xf32> to vector<16xf32>
        %get3A_610 = arith.index_cast %scan3A_28 : i32 to index
        %get3A_611 = arith.constant 576 : index
        %get3A_612 = tpu.vector_load %arg10[%get3A_610, %get3A_611] {strides = array<i32>} : memref<32x1024xf32, #tpu.memory_space<vmem>>, vector<1x16xf32>,
        %get3A_613 = vector.shape_cast %get3A_612 : vector<1x16xf32> to vector<16xf32>
        %sub3A_614 = arith.subf %get3A_613, %get3A_609 : vector<16xf32>
        %mul3A_615 = arith.mulf %sub3A_614, %get3A_31 : vector<16xf32>
        %add3A_616 = arith.addf %get3A_609, %mul3A_615 : vector<16xf32>
        %swap3A_617 = arith.index_cast %scan3A_28 : i32 to index
        %swap3A_618 = arith.constant 576 : index
        %swap3A_619 = tpu.vector_load %arg10[%swap3A_617, %swap3A_618] {strides = array<i32>} : memref<32x1024xf32, #tpu.memory_space<vmem>>, vector<1x16xf32>,
        %swap3A_620 = vector.shape_cast %swap3A_619 : vector<1x16xf32> to vector<16xf32>
        %swap3A_621 = vector.shape_cast %add3A_616 : vector<16xf32> to vector<1x16xf32>
        tpu.vector_store %arg10[%swap3A_617, %swap3A_618], %swap3A_621 {strides = array<i32>} : memref<32x1024xf32, #tpu.memory_space<vmem>>, vector<1x16xf32>,
        %get3A_622 = arith.index_cast %scan3A_28 : i32 to index
        %get3A_623 = arith.constant 592 : index
        %get3A_624 = tpu.vector_load %arg11[%get3A_622, %get3A_623] {strides = array<i32>} : memref<32x1024xf32, #tpu.memory_space<vmem>>, vector<1x16xf32>,
        %get3A_625 = vector.shape_cast %get3A_624 : vector<1x16xf32> to vector<16xf32>
        %get3A_626 = arith.index_cast %scan3A_28 : i32 to index
        %get3A_627 = arith.constant 592 : index
        %get3A_628 = tpu.vector_load %arg10[%get3A_626, %get3A_627] {strides = array<i32>} : memref<32x1024xf32, #tpu.memory_space<vmem>>, vector<1x16xf32>,
        %get3A_629 = vector.shape_cast %get3A_628 : vector<1x16xf32> to vector<16xf32>
        %sub3A_630 = arith.subf %get3A_629, %get3A_625 : vector<16xf32>
        %mul3A_631 = arith.mulf %sub3A_630, %get3A_31 : vector<16xf32>
        %add3A_632 = arith.addf %get3A_625, %mul3A_631 : vector<16xf32>
        %swap3A_633 = arith.index_cast %scan3A_28 : i32 to index
        %swap3A_634 = arith.constant 592 : index
        %swap3A_635 = tpu.vector_load %arg10[%swap3A_633, %swap3A_634] {strides = array<i32>} : memref<32x1024xf32, #tpu.memory_space<vmem>>, vector<1x16xf32>,
        %swap3A_636 = vector.shape_cast %swap3A_635 : vector<1x16xf32> to vector<16xf32>
        %swap3A_637 = vector.shape_cast %add3A_632 : vector<16xf32> to vector<1x16xf32>
        tpu.vector_store %arg10[%swap3A_633, %swap3A_634], %swap3A_637 {strides = array<i32>} : memref<32x1024xf32, #tpu.memory_space<vmem>>, vector<1x16xf32>,
        %get3A_638 = arith.index_cast %scan3A_28 : i32 to index
        %get3A_639 = arith.constant 608 : index
        %get3A_640 = tpu.vector_load %arg11[%get3A_638, %get3A_639] {strides = array<i32>} : memref<32x1024xf32, #tpu.memory_space<vmem>>, vector<1x16xf32>,
        %get3A_641 = vector.shape_cast %get3A_640 : vector<1x16xf32> to vector<16xf32>
        %get3A_642 = arith.index_cast %scan3A_28 : i32 to index
        %get3A_643 = arith.constant 608 : index
        %get3A_644 = tpu.vector_load %arg10[%get3A_642, %get3A_643] {strides = array<i32>} : memref<32x1024xf32, #tpu.memory_space<vmem>>, vector<1x16xf32>,
        %get3A_645 = vector.shape_cast %get3A_644 : vector<1x16xf32> to vector<16xf32>
        %sub3A_646 = arith.subf %get3A_645, %get3A_641 : vector<16xf32>
        %mul3A_647 = arith.mulf %sub3A_646, %get3A_31 : vector<16xf32>
        %add3A_648 = arith.addf %get3A_641, %mul3A_647 : vector<16xf32>
        %swap3A_649 = arith.index_cast %scan3A_28 : i32 to index
        %swap3A_650 = arith.constant 608 : index
        %swap3A_651 = tpu.vector_load %arg10[%swap3A_649, %swap3A_650] {strides = array<i32>} : memref<32x1024xf32, #tpu.memory_space<vmem>>, vector<1x16xf32>,
        %swap3A_652 = vector.shape_cast %swap3A_651 : vector<1x16xf32> to vector<16xf32>
        %swap3A_653 = vector.shape_cast %add3A_648 : vector<16xf32> to vector<1x16xf32>
        tpu.vector_store %arg10[%swap3A_649, %swap3A_650], %swap3A_653 {strides = array<i32>} : memref<32x1024xf32, #tpu.memory_space<vmem>>, vector<1x16xf32>,
        %get3A_654 = arith.index_cast %scan3A_28 : i32 to index
        %get3A_655 = arith.constant 624 : index
        %get3A_656 = tpu.vector_load %arg11[%get3A_654, %get3A_655] {strides = array<i32>} : memref<32x1024xf32, #tpu.memory_space<vmem>>, vector<1x16xf32>,
        %get3A_657 = vector.shape_cast %get3A_656 : vector<1x16xf32> to vector<16xf32>
        %get3A_658 = arith.index_cast %scan3A_28 : i32 to index
        %get3A_659 = arith.constant 624 : index
        %get3A_660 = tpu.vector_load %arg10[%get3A_658, %get3A_659] {strides = array<i32>} : memref<32x1024xf32, #tpu.memory_space<vmem>>, vector<1x16xf32>,
        %get3A_661 = vector.shape_cast %get3A_660 : vector<1x16xf32> to vector<16xf32>
        %sub3A_662 = arith.subf %get3A_661, %get3A_657 : vector<16xf32>
        %mul3A_663 = arith.mulf %sub3A_662, %get3A_31 : vector<16xf32>
        %add3A_664 = arith.addf %get3A_657, %mul3A_663 : vector<16xf32>
        %swap3A_665 = arith.index_cast %scan3A_28 : i32 to index
        %swap3A_666 = arith.constant 624 : index
        %swap3A_667 = tpu.vector_load %arg10[%swap3A_665, %swap3A_666] {strides = array<i32>} : memref<32x1024xf32, #tpu.memory_space<vmem>>, vector<1x16xf32>,
        %swap3A_668 = vector.shape_cast %swap3A_667 : vector<1x16xf32> to vector<16xf32>
        %swap3A_669 = vector.shape_cast %add3A_664 : vector<16xf32> to vector<1x16xf32>
        tpu.vector_store %arg10[%swap3A_665, %swap3A_666], %swap3A_669 {strides = array<i32>} : memref<32x1024xf32, #tpu.memory_space<vmem>>, vector<1x16xf32>,
        %get3A_670 = arith.index_cast %scan3A_28 : i32 to index
        %get3A_671 = arith.constant 640 : index
        %get3A_672 = tpu.vector_load %arg11[%get3A_670, %get3A_671] {strides = array<i32>} : memref<32x1024xf32, #tpu.memory_space<vmem>>, vector<1x16xf32>,
        %get3A_673 = vector.shape_cast %get3A_672 : vector<1x16xf32> to vector<16xf32>
        %get3A_674 = arith.index_cast %scan3A_28 : i32 to index
        %get3A_675 = arith.constant 640 : index
        %get3A_676 = tpu.vector_load %arg10[%get3A_674, %get3A_675] {strides = array<i32>} : memref<32x1024xf32, #tpu.memory_space<vmem>>, vector<1x16xf32>,
        %get3A_677 = vector.shape_cast %get3A_676 : vector<1x16xf32> to vector<16xf32>
        %sub3A_678 = arith.subf %get3A_677, %get3A_673 : vector<16xf32>
        %mul3A_679 = arith.mulf %sub3A_678, %get3A_31 : vector<16xf32>
        %add3A_680 = arith.addf %get3A_673, %mul3A_679 : vector<16xf32>
        %swap3A_681 = arith.index_cast %scan3A_28 : i32 to index
        %swap3A_682 = arith.constant 640 : index
        %swap3A_683 = tpu.vector_load %arg10[%swap3A_681, %swap3A_682] {strides = array<i32>} : memref<32x1024xf32, #tpu.memory_space<vmem>>, vector<1x16xf32>,
        %swap3A_684 = vector.shape_cast %swap3A_683 : vector<1x16xf32> to vector<16xf32>
        %swap3A_685 = vector.shape_cast %add3A_680 : vector<16xf32> to vector<1x16xf32>
        tpu.vector_store %arg10[%swap3A_681, %swap3A_682], %swap3A_685 {strides = array<i32>} : memref<32x1024xf32, #tpu.memory_space<vmem>>, vector<1x16xf32>,
        %get3A_686 = arith.index_cast %scan3A_28 : i32 to index
        %get3A_687 = arith.constant 656 : index
        %get3A_688 = tpu.vector_load %arg11[%get3A_686, %get3A_687] {strides = array<i32>} : memref<32x1024xf32, #tpu.memory_space<vmem>>, vector<1x16xf32>,
        %get3A_689 = vector.shape_cast %get3A_688 : vector<1x16xf32> to vector<16xf32>
        %get3A_690 = arith.index_cast %scan3A_28 : i32 to index
        %get3A_691 = arith.constant 656 : index
        %get3A_692 = tpu.vector_load %arg10[%get3A_690, %get3A_691] {strides = array<i32>} : memref<32x1024xf32, #tpu.memory_space<vmem>>, vector<1x16xf32>,
        %get3A_693 = vector.shape_cast %get3A_692 : vector<1x16xf32> to vector<16xf32>
        %sub3A_694 = arith.subf %get3A_693, %get3A_689 : vector<16xf32>
        %mul3A_695 = arith.mulf %sub3A_694, %get3A_31 : vector<16xf32>
        %add3A_696 = arith.addf %get3A_689, %mul3A_695 : vector<16xf32>
        %swap3A_697 = arith.index_cast %scan3A_28 : i32 to index
        %swap3A_698 = arith.constant 656 : index
        %swap3A_699 = tpu.vector_load %arg10[%swap3A_697, %swap3A_698] {strides = array<i32>} : memref<32x1024xf32, #tpu.memory_space<vmem>>, vector<1x16xf32>,
        %swap3A_700 = vector.shape_cast %swap3A_699 : vector<1x16xf32> to vector<16xf32>
        %swap3A_701 = vector.shape_cast %add3A_696 : vector<16xf32> to vector<1x16xf32>
        tpu.vector_store %arg10[%swap3A_697, %swap3A_698], %swap3A_701 {strides = array<i32>} : memref<32x1024xf32, #tpu.memory_space<vmem>>, vector<1x16xf32>,
        %get3A_702 = arith.index_cast %scan3A_28 : i32 to index
        %get3A_703 = arith.constant 672 : index
        %get3A_704 = tpu.vector_load %arg11[%get3A_702, %get3A_703] {strides = array<i32>} : memref<32x1024xf32, #tpu.memory_space<vmem>>, vector<1x16xf32>,
        %get3A_705 = vector.shape_cast %get3A_704 : vector<1x16xf32> to vector<16xf32>
        %get3A_706 = arith.index_cast %scan3A_28 : i32 to index
        %get3A_707 = arith.constant 672 : index
        %get3A_708 = tpu.vector_load %arg10[%get3A_706, %get3A_707] {strides = array<i32>} : memref<32x1024xf32, #tpu.memory_space<vmem>>, vector<1x16xf32>,
        %get3A_709 = vector.shape_cast %get3A_708 : vector<1x16xf32> to vector<16xf32>
        %sub3A_710 = arith.subf %get3A_709, %get3A_705 : vector<16xf32>
        %mul3A_711 = arith.mulf %sub3A_710, %get3A_31 : vector<16xf32>
        %add3A_712 = arith.addf %get3A_705, %mul3A_711 : vector<16xf32>
        %swap3A_713 = arith.index_cast %scan3A_28 : i32 to index
        %swap3A_714 = arith.constant 672 : index
        %swap3A_715 = tpu.vector_load %arg10[%swap3A_713, %swap3A_714] {strides = array<i32>} : memref<32x1024xf32, #tpu.memory_space<vmem>>, vector<1x16xf32>,
        %swap3A_716 = vector.shape_cast %swap3A_715 : vector<1x16xf32> to vector<16xf32>
        %swap3A_717 = vector.shape_cast %add3A_712 : vector<16xf32> to vector<1x16xf32>
        tpu.vector_store %arg10[%swap3A_713, %swap3A_714], %swap3A_717 {strides = array<i32>} : memref<32x1024xf32, #tpu.memory_space<vmem>>, vector<1x16xf32>,
        %get3A_718 = arith.index_cast %scan3A_28 : i32 to index
        %get3A_719 = arith.constant 688 : index
        %get3A_720 = tpu.vector_load %arg11[%get3A_718, %get3A_719] {strides = array<i32>} : memref<32x1024xf32, #tpu.memory_space<vmem>>, vector<1x16xf32>,
        %get3A_721 = vector.shape_cast %get3A_720 : vector<1x16xf32> to vector<16xf32>
        %get3A_722 = arith.index_cast %scan3A_28 : i32 to index
        %get3A_723 = arith.constant 688 : index
        %get3A_724 = tpu.vector_load %arg10[%get3A_722, %get3A_723] {strides = array<i32>} : memref<32x1024xf32, #tpu.memory_space<vmem>>, vector<1x16xf32>,
        %get3A_725 = vector.shape_cast %get3A_724 : vector<1x16xf32> to vector<16xf32>
        %sub3A_726 = arith.subf %get3A_725, %get3A_721 : vector<16xf32>
        %mul3A_727 = arith.mulf %sub3A_726, %get3A_31 : vector<16xf32>
        %add3A_728 = arith.addf %get3A_721, %mul3A_727 : vector<16xf32>
        %swap3A_729 = arith.index_cast %scan3A_28 : i32 to index
        %swap3A_730 = arith.constant 688 : index
        %swap3A_731 = tpu.vector_load %arg10[%swap3A_729, %swap3A_730] {strides = array<i32>} : memref<32x1024xf32, #tpu.memory_space<vmem>>, vector<1x16xf32>,
        %swap3A_732 = vector.shape_cast %swap3A_731 : vector<1x16xf32> to vector<16xf32>
        %swap3A_733 = vector.shape_cast %add3A_728 : vector<16xf32> to vector<1x16xf32>
        tpu.vector_store %arg10[%swap3A_729, %swap3A_730], %swap3A_733 {strides = array<i32>} : memref<32x1024xf32, #tpu.memory_space<vmem>>, vector<1x16xf32>,
        %get3A_734 = arith.index_cast %scan3A_28 : i32 to index
        %get3A_735 = arith.constant 704 : index
        %get3A_736 = tpu.vector_load %arg11[%get3A_734, %get3A_735] {strides = array<i32>} : memref<32x1024xf32, #tpu.memory_space<vmem>>, vector<1x16xf32>,
        %get3A_737 = vector.shape_cast %get3A_736 : vector<1x16xf32> to vector<16xf32>
        %get3A_738 = arith.index_cast %scan3A_28 : i32 to index
        %get3A_739 = arith.constant 704 : index
        %get3A_740 = tpu.vector_load %arg10[%get3A_738, %get3A_739] {strides = array<i32>} : memref<32x1024xf32, #tpu.memory_space<vmem>>, vector<1x16xf32>,
        %get3A_741 = vector.shape_cast %get3A_740 : vector<1x16xf32> to vector<16xf32>
        %sub3A_742 = arith.subf %get3A_741, %get3A_737 : vector<16xf32>
        %mul3A_743 = arith.mulf %sub3A_742, %get3A_31 : vector<16xf32>
        %add3A_744 = arith.addf %get3A_737, %mul3A_743 : vector<16xf32>
        %swap3A_745 = arith.index_cast %scan3A_28 : i32 to index
        %swap3A_746 = arith.constant 704 : index
        %swap3A_747 = tpu.vector_load %arg10[%swap3A_745, %swap3A_746] {strides = array<i32>} : memref<32x1024xf32, #tpu.memory_space<vmem>>, vector<1x16xf32>,
        %swap3A_748 = vector.shape_cast %swap3A_747 : vector<1x16xf32> to vector<16xf32>
        %swap3A_749 = vector.shape_cast %add3A_744 : vector<16xf32> to vector<1x16xf32>
        tpu.vector_store %arg10[%swap3A_745, %swap3A_746], %swap3A_749 {strides = array<i32>} : memref<32x1024xf32, #tpu.memory_space<vmem>>, vector<1x16xf32>,
        %get3A_750 = arith.index_cast %scan3A_28 : i32 to index
        %get3A_751 = arith.constant 720 : index
        %get3A_752 = tpu.vector_load %arg11[%get3A_750, %get3A_751] {strides = array<i32>} : memref<32x1024xf32, #tpu.memory_space<vmem>>, vector<1x16xf32>,
        %get3A_753 = vector.shape_cast %get3A_752 : vector<1x16xf32> to vector<16xf32>
        %get3A_754 = arith.index_cast %scan3A_28 : i32 to index
        %get3A_755 = arith.constant 720 : index
        %get3A_756 = tpu.vector_load %arg10[%get3A_754, %get3A_755] {strides = array<i32>} : memref<32x1024xf32, #tpu.memory_space<vmem>>, vector<1x16xf32>,
        %get3A_757 = vector.shape_cast %get3A_756 : vector<1x16xf32> to vector<16xf32>
        %sub3A_758 = arith.subf %get3A_757, %get3A_753 : vector<16xf32>
        %mul3A_759 = arith.mulf %sub3A_758, %get3A_31 : vector<16xf32>
        %add3A_760 = arith.addf %get3A_753, %mul3A_759 : vector<16xf32>
        %swap3A_761 = arith.index_cast %scan3A_28 : i32 to index
        %swap3A_762 = arith.constant 720 : index
        %swap3A_763 = tpu.vector_load %arg10[%swap3A_761, %swap3A_762] {strides = array<i32>} : memref<32x1024xf32, #tpu.memory_space<vmem>>, vector<1x16xf32>,
        %swap3A_764 = vector.shape_cast %swap3A_763 : vector<1x16xf32> to vector<16xf32>
        %swap3A_765 = vector.shape_cast %add3A_760 : vector<16xf32> to vector<1x16xf32>
        tpu.vector_store %arg10[%swap3A_761, %swap3A_762], %swap3A_765 {strides = array<i32>} : memref<32x1024xf32, #tpu.memory_space<vmem>>, vector<1x16xf32>,
        %get3A_766 = arith.index_cast %scan3A_28 : i32 to index
        %get3A_767 = arith.constant 736 : index
        %get3A_768 = tpu.vector_load %arg11[%get3A_766, %get3A_767] {strides = array<i32>} : memref<32x1024xf32, #tpu.memory_space<vmem>>, vector<1x16xf32>,
        %get3A_769 = vector.shape_cast %get3A_768 : vector<1x16xf32> to vector<16xf32>
        %get3A_770 = arith.index_cast %scan3A_28 : i32 to index
        %get3A_771 = arith.constant 736 : index
        %get3A_772 = tpu.vector_load %arg10[%get3A_770, %get3A_771] {strides = array<i32>} : memref<32x1024xf32, #tpu.memory_space<vmem>>, vector<1x16xf32>,
        %get3A_773 = vector.shape_cast %get3A_772 : vector<1x16xf32> to vector<16xf32>
        %sub3A_774 = arith.subf %get3A_773, %get3A_769 : vector<16xf32>
        %mul3A_775 = arith.mulf %sub3A_774, %get3A_31 : vector<16xf32>
        %add3A_776 = arith.addf %get3A_769, %mul3A_775 : vector<16xf32>
        %swap3A_777 = arith.index_cast %scan3A_28 : i32 to index
        %swap3A_778 = arith.constant 736 : index
        %swap3A_779 = tpu.vector_load %arg10[%swap3A_777, %swap3A_778] {strides = array<i32>} : memref<32x1024xf32, #tpu.memory_space<vmem>>, vector<1x16xf32>,
        %swap3A_780 = vector.shape_cast %swap3A_779 : vector<1x16xf32> to vector<16xf32>
        %swap3A_781 = vector.shape_cast %add3A_776 : vector<16xf32> to vector<1x16xf32>
        tpu.vector_store %arg10[%swap3A_777, %swap3A_778], %swap3A_781 {strides = array<i32>} : memref<32x1024xf32, #tpu.memory_space<vmem>>, vector<1x16xf32>,
        %get3A_782 = arith.index_cast %scan3A_28 : i32 to index
        %get3A_783 = arith.constant 752 : index
        %get3A_784 = tpu.vector_load %arg11[%get3A_782, %get3A_783] {strides = array<i32>} : memref<32x1024xf32, #tpu.memory_space<vmem>>, vector<1x16xf32>,
        %get3A_785 = vector.shape_cast %get3A_784 : vector<1x16xf32> to vector<16xf32>
        %get3A_786 = arith.index_cast %scan3A_28 : i32 to index
        %get3A_787 = arith.constant 752 : index
        %get3A_788 = tpu.vector_load %arg10[%get3A_786, %get3A_787] {strides = array<i32>} : memref<32x1024xf32, #tpu.memory_space<vmem>>, vector<1x16xf32>,
        %get3A_789 = vector.shape_cast %get3A_788 : vector<1x16xf32> to vector<16xf32>
        %sub3A_790 = arith.subf %get3A_789, %get3A_785 : vector<16xf32>
        %mul3A_791 = arith.mulf %sub3A_790, %get3A_31 : vector<16xf32>
        %add3A_792 = arith.addf %get3A_785, %mul3A_791 : vector<16xf32>
        %swap3A_793 = arith.index_cast %scan3A_28 : i32 to index
        %swap3A_794 = arith.constant 752 : index
        %swap3A_795 = tpu.vector_load %arg10[%swap3A_793, %swap3A_794] {strides = array<i32>} : memref<32x1024xf32, #tpu.memory_space<vmem>>, vector<1x16xf32>,
        %swap3A_796 = vector.shape_cast %swap3A_795 : vector<1x16xf32> to vector<16xf32>
        %swap3A_797 = vector.shape_cast %add3A_792 : vector<16xf32> to vector<1x16xf32>
        tpu.vector_store %arg10[%swap3A_793, %swap3A_794], %swap3A_797 {strides = array<i32>} : memref<32x1024xf32, #tpu.memory_space<vmem>>, vector<1x16xf32>,
        %get3A_798 = arith.index_cast %scan3A_28 : i32 to index
        %get3A_799 = arith.constant 768 : index
        %get3A_800 = tpu.vector_load %arg11[%get3A_798, %get3A_799] {strides = array<i32>} : memref<32x1024xf32, #tpu.memory_space<vmem>>, vector<1x16xf32>,
        %get3A_801 = vector.shape_cast %get3A_800 : vector<1x16xf32> to vector<16xf32>
        %get3A_802 = arith.index_cast %scan3A_28 : i32 to index
        %get3A_803 = arith.constant 768 : index
        %get3A_804 = tpu.vector_load %arg10[%get3A_802, %get3A_803] {strides = array<i32>} : memref<32x1024xf32, #tpu.memory_space<vmem>>, vector<1x16xf32>,
        %get3A_805 = vector.shape_cast %get3A_804 : vector<1x16xf32> to vector<16xf32>
        %sub3A_806 = arith.subf %get3A_805, %get3A_801 : vector<16xf32>
        %mul3A_807 = arith.mulf %sub3A_806, %get3A_31 : vector<16xf32>
        %add3A_808 = arith.addf %get3A_801, %mul3A_807 : vector<16xf32>
        %swap3A_809 = arith.index_cast %scan3A_28 : i32 to index
        %swap3A_810 = arith.constant 768 : index
        %swap3A_811 = tpu.vector_load %arg10[%swap3A_809, %swap3A_810] {strides = array<i32>} : memref<32x1024xf32, #tpu.memory_space<vmem>>, vector<1x16xf32>,
        %swap3A_812 = vector.shape_cast %swap3A_811 : vector<1x16xf32> to vector<16xf32>
        %swap3A_813 = vector.shape_cast %add3A_808 : vector<16xf32> to vector<1x16xf32>
        tpu.vector_store %arg10[%swap3A_809, %swap3A_810], %swap3A_813 {strides = array<i32>} : memref<32x1024xf32, #tpu.memory_space<vmem>>, vector<1x16xf32>,
        %get3A_814 = arith.index_cast %scan3A_28 : i32 to index
        %get3A_815 = arith.constant 784 : index
        %get3A_816 = tpu.vector_load %arg11[%get3A_814, %get3A_815] {strides = array<i32>} : memref<32x1024xf32, #tpu.memory_space<vmem>>, vector<1x16xf32>,
        %get3A_817 = vector.shape_cast %get3A_816 : vector<1x16xf32> to vector<16xf32>
        %get3A_818 = arith.index_cast %scan3A_28 : i32 to index
        %get3A_819 = arith.constant 784 : index
        %get3A_820 = tpu.vector_load %arg10[%get3A_818, %get3A_819] {strides = array<i32>} : memref<32x1024xf32, #tpu.memory_space<vmem>>, vector<1x16xf32>,
        %get3A_821 = vector.shape_cast %get3A_820 : vector<1x16xf32> to vector<16xf32>
        %sub3A_822 = arith.subf %get3A_821, %get3A_817 : vector<16xf32>
        %mul3A_823 = arith.mulf %sub3A_822, %get3A_31 : vector<16xf32>
        %add3A_824 = arith.addf %get3A_817, %mul3A_823 : vector<16xf32>
        %swap3A_825 = arith.index_cast %scan3A_28 : i32 to index
        %swap3A_826 = arith.constant 784 : index
        %swap3A_827 = tpu.vector_load %arg10[%swap3A_825, %swap3A_826] {strides = array<i32>} : memref<32x1024xf32, #tpu.memory_space<vmem>>, vector<1x16xf32>,
        %swap3A_828 = vector.shape_cast %swap3A_827 : vector<1x16xf32> to vector<16xf32>
        %swap3A_829 = vector.shape_cast %add3A_824 : vector<16xf32> to vector<1x16xf32>
        tpu.vector_store %arg10[%swap3A_825, %swap3A_826], %swap3A_829 {strides = array<i32>} : memref<32x1024xf32, #tpu.memory_space<vmem>>, vector<1x16xf32>,
        %get3A_830 = arith.index_cast %scan3A_28 : i32 to index
        %get3A_831 = arith.constant 800 : index
        %get3A_832 = tpu.vector_load %arg11[%get3A_830, %get3A_831] {strides = array<i32>} : memref<32x1024xf32, #tpu.memory_space<vmem>>, vector<1x16xf32>,
        %get3A_833 = vector.shape_cast %get3A_832 : vector<1x16xf32> to vector<16xf32>
        %get3A_834 = arith.index_cast %scan3A_28 : i32 to index
        %get3A_835 = arith.constant 800 : index
        %get3A_836 = tpu.vector_load %arg10[%get3A_834, %get3A_835] {strides = array<i32>} : memref<32x1024xf32, #tpu.memory_space<vmem>>, vector<1x16xf32>,
        %get3A_837 = vector.shape_cast %get3A_836 : vector<1x16xf32> to vector<16xf32>
        %sub3A_838 = arith.subf %get3A_837, %get3A_833 : vector<16xf32>
        %mul3A_839 = arith.mulf %sub3A_838, %get3A_31 : vector<16xf32>
        %add3A_840 = arith.addf %get3A_833, %mul3A_839 : vector<16xf32>
        %swap3A_841 = arith.index_cast %scan3A_28 : i32 to index
        %swap3A_842 = arith.constant 800 : index
        %swap3A_843 = tpu.vector_load %arg10[%swap3A_841, %swap3A_842] {strides = array<i32>} : memref<32x1024xf32, #tpu.memory_space<vmem>>, vector<1x16xf32>,
        %swap3A_844 = vector.shape_cast %swap3A_843 : vector<1x16xf32> to vector<16xf32>
        %swap3A_845 = vector.shape_cast %add3A_840 : vector<16xf32> to vector<1x16xf32>
        tpu.vector_store %arg10[%swap3A_841, %swap3A_842], %swap3A_845 {strides = array<i32>} : memref<32x1024xf32, #tpu.memory_space<vmem>>, vector<1x16xf32>,
        %get3A_846 = arith.index_cast %scan3A_28 : i32 to index
        %get3A_847 = arith.constant 816 : index
        %get3A_848 = tpu.vector_load %arg11[%get3A_846, %get3A_847] {strides = array<i32>} : memref<32x1024xf32, #tpu.memory_space<vmem>>, vector<1x16xf32>,
        %get3A_849 = vector.shape_cast %get3A_848 : vector<1x16xf32> to vector<16xf32>
        %get3A_850 = arith.index_cast %scan3A_28 : i32 to index
        %get3A_851 = arith.constant 816 : index
        %get3A_852 = tpu.vector_load %arg10[%get3A_850, %get3A_851] {strides = array<i32>} : memref<32x1024xf32, #tpu.memory_space<vmem>>, vector<1x16xf32>,
        %get3A_853 = vector.shape_cast %get3A_852 : vector<1x16xf32> to vector<16xf32>
        %sub3A_854 = arith.subf %get3A_853, %get3A_849 : vector<16xf32>
        %mul3A_855 = arith.mulf %sub3A_854, %get3A_31 : vector<16xf32>
        %add3A_856 = arith.addf %get3A_849, %mul3A_855 : vector<16xf32>
        %swap3A_857 = arith.index_cast %scan3A_28 : i32 to index
        %swap3A_858 = arith.constant 816 : index
        %swap3A_859 = tpu.vector_load %arg10[%swap3A_857, %swap3A_858] {strides = array<i32>} : memref<32x1024xf32, #tpu.memory_space<vmem>>, vector<1x16xf32>,
        %swap3A_860 = vector.shape_cast %swap3A_859 : vector<1x16xf32> to vector<16xf32>
        %swap3A_861 = vector.shape_cast %add3A_856 : vector<16xf32> to vector<1x16xf32>
        tpu.vector_store %arg10[%swap3A_857, %swap3A_858], %swap3A_861 {strides = array<i32>} : memref<32x1024xf32, #tpu.memory_space<vmem>>, vector<1x16xf32>,
        %get3A_862 = arith.index_cast %scan3A_28 : i32 to index
        %get3A_863 = arith.constant 832 : index
        %get3A_864 = tpu.vector_load %arg11[%get3A_862, %get3A_863] {strides = array<i32>} : memref<32x1024xf32, #tpu.memory_space<vmem>>, vector<1x16xf32>,
        %get3A_865 = vector.shape_cast %get3A_864 : vector<1x16xf32> to vector<16xf32>
        %get3A_866 = arith.index_cast %scan3A_28 : i32 to index
        %get3A_867 = arith.constant 832 : index
        %get3A_868 = tpu.vector_load %arg10[%get3A_866, %get3A_867] {strides = array<i32>} : memref<32x1024xf32, #tpu.memory_space<vmem>>, vector<1x16xf32>,
        %get3A_869 = vector.shape_cast %get3A_868 : vector<1x16xf32> to vector<16xf32>
        %sub3A_870 = arith.subf %get3A_869, %get3A_865 : vector<16xf32>
        %mul3A_871 = arith.mulf %sub3A_870, %get3A_31 : vector<16xf32>
        %add3A_872 = arith.addf %get3A_865, %mul3A_871 : vector<16xf32>
        %swap3A_873 = arith.index_cast %scan3A_28 : i32 to index
        %swap3A_874 = arith.constant 832 : index
        %swap3A_875 = tpu.vector_load %arg10[%swap3A_873, %swap3A_874] {strides = array<i32>} : memref<32x1024xf32, #tpu.memory_space<vmem>>, vector<1x16xf32>,
        %swap3A_876 = vector.shape_cast %swap3A_875 : vector<1x16xf32> to vector<16xf32>
        %swap3A_877 = vector.shape_cast %add3A_872 : vector<16xf32> to vector<1x16xf32>
        tpu.vector_store %arg10[%swap3A_873, %swap3A_874], %swap3A_877 {strides = array<i32>} : memref<32x1024xf32, #tpu.memory_space<vmem>>, vector<1x16xf32>,
        %get3A_878 = arith.index_cast %scan3A_28 : i32 to index
        %get3A_879 = arith.constant 848 : index
        %get3A_880 = tpu.vector_load %arg11[%get3A_878, %get3A_879] {strides = array<i32>} : memref<32x1024xf32, #tpu.memory_space<vmem>>, vector<1x16xf32>,
        %get3A_881 = vector.shape_cast %get3A_880 : vector<1x16xf32> to vector<16xf32>
        %get3A_882 = arith.index_cast %scan3A_28 : i32 to index
        %get3A_883 = arith.constant 848 : index
        %get3A_884 = tpu.vector_load %arg10[%get3A_882, %get3A_883] {strides = array<i32>} : memref<32x1024xf32, #tpu.memory_space<vmem>>, vector<1x16xf32>,
        %get3A_885 = vector.shape_cast %get3A_884 : vector<1x16xf32> to vector<16xf32>
        %sub3A_886 = arith.subf %get3A_885, %get3A_881 : vector<16xf32>
        %mul3A_887 = arith.mulf %sub3A_886, %get3A_31 : vector<16xf32>
        %add3A_888 = arith.addf %get3A_881, %mul3A_887 : vector<16xf32>
        %swap3A_889 = arith.index_cast %scan3A_28 : i32 to index
        %swap3A_890 = arith.constant 848 : index
        %swap3A_891 = tpu.vector_load %arg10[%swap3A_889, %swap3A_890] {strides = array<i32>} : memref<32x1024xf32, #tpu.memory_space<vmem>>, vector<1x16xf32>,
        %swap3A_892 = vector.shape_cast %swap3A_891 : vector<1x16xf32> to vector<16xf32>
        %swap3A_893 = vector.shape_cast %add3A_888 : vector<16xf32> to vector<1x16xf32>
        tpu.vector_store %arg10[%swap3A_889, %swap3A_890], %swap3A_893 {strides = array<i32>} : memref<32x1024xf32, #tpu.memory_space<vmem>>, vector<1x16xf32>,
        %get3A_894 = arith.index_cast %scan3A_28 : i32 to index
        %get3A_895 = arith.constant 864 : index
        %get3A_896 = tpu.vector_load %arg11[%get3A_894, %get3A_895] {strides = array<i32>} : memref<32x1024xf32, #tpu.memory_space<vmem>>, vector<1x16xf32>,
        %get3A_897 = vector.shape_cast %get3A_896 : vector<1x16xf32> to vector<16xf32>
        %get3A_898 = arith.index_cast %scan3A_28 : i32 to index
        %get3A_899 = arith.constant 864 : index
        %get3A_900 = tpu.vector_load %arg10[%get3A_898, %get3A_899] {strides = array<i32>} : memref<32x1024xf32, #tpu.memory_space<vmem>>, vector<1x16xf32>,
        %get3A_901 = vector.shape_cast %get3A_900 : vector<1x16xf32> to vector<16xf32>
        %sub3A_902 = arith.subf %get3A_901, %get3A_897 : vector<16xf32>
        %mul3A_903 = arith.mulf %sub3A_902, %get3A_31 : vector<16xf32>
        %add3A_904 = arith.addf %get3A_897, %mul3A_903 : vector<16xf32>
        %swap3A_905 = arith.index_cast %scan3A_28 : i32 to index
        %swap3A_906 = arith.constant 864 : index
        %swap3A_907 = tpu.vector_load %arg10[%swap3A_905, %swap3A_906] {strides = array<i32>} : memref<32x1024xf32, #tpu.memory_space<vmem>>, vector<1x16xf32>,
        %swap3A_908 = vector.shape_cast %swap3A_907 : vector<1x16xf32> to vector<16xf32>
        %swap3A_909 = vector.shape_cast %add3A_904 : vector<16xf32> to vector<1x16xf32>
        tpu.vector_store %arg10[%swap3A_905, %swap3A_906], %swap3A_909 {strides = array<i32>} : memref<32x1024xf32, #tpu.memory_space<vmem>>, vector<1x16xf32>,
        %get3A_910 = arith.index_cast %scan3A_28 : i32 to index
        %get3A_911 = arith.constant 880 : index
        %get3A_912 = tpu.vector_load %arg11[%get3A_910, %get3A_911] {strides = array<i32>} : memref<32x1024xf32, #tpu.memory_space<vmem>>, vector<1x16xf32>,
        %get3A_913 = vector.shape_cast %get3A_912 : vector<1x16xf32> to vector<16xf32>
        %get3A_914 = arith.index_cast %scan3A_28 : i32 to index
        %get3A_915 = arith.constant 880 : index
        %get3A_916 = tpu.vector_load %arg10[%get3A_914, %get3A_915] {strides = array<i32>} : memref<32x1024xf32, #tpu.memory_space<vmem>>, vector<1x16xf32>,
        %get3A_917 = vector.shape_cast %get3A_916 : vector<1x16xf32> to vector<16xf32>
        %sub3A_918 = arith.subf %get3A_917, %get3A_913 : vector<16xf32>
        %mul3A_919 = arith.mulf %sub3A_918, %get3A_31 : vector<16xf32>
        %add3A_920 = arith.addf %get3A_913, %mul3A_919 : vector<16xf32>
        %swap3A_921 = arith.index_cast %scan3A_28 : i32 to index
        %swap3A_922 = arith.constant 880 : index
        %swap3A_923 = tpu.vector_load %arg10[%swap3A_921, %swap3A_922] {strides = array<i32>} : memref<32x1024xf32, #tpu.memory_space<vmem>>, vector<1x16xf32>,
        %swap3A_924 = vector.shape_cast %swap3A_923 : vector<1x16xf32> to vector<16xf32>
        %swap3A_925 = vector.shape_cast %add3A_920 : vector<16xf32> to vector<1x16xf32>
        tpu.vector_store %arg10[%swap3A_921, %swap3A_922], %swap3A_925 {strides = array<i32>} : memref<32x1024xf32, #tpu.memory_space<vmem>>, vector<1x16xf32>,
        %get3A_926 = arith.index_cast %scan3A_28 : i32 to index
        %get3A_927 = arith.constant 896 : index
        %get3A_928 = tpu.vector_load %arg11[%get3A_926, %get3A_927] {strides = array<i32>} : memref<32x1024xf32, #tpu.memory_space<vmem>>, vector<1x16xf32>,
        %get3A_929 = vector.shape_cast %get3A_928 : vector<1x16xf32> to vector<16xf32>
        %get3A_930 = arith.index_cast %scan3A_28 : i32 to index
        %get3A_931 = arith.constant 896 : index
        %get3A_932 = tpu.vector_load %arg10[%get3A_930, %get3A_931] {strides = array<i32>} : memref<32x1024xf32, #tpu.memory_space<vmem>>, vector<1x16xf32>,
        %get3A_933 = vector.shape_cast %get3A_932 : vector<1x16xf32> to vector<16xf32>
        %sub3A_934 = arith.subf %get3A_933, %get3A_929 : vector<16xf32>
        %mul3A_935 = arith.mulf %sub3A_934, %get3A_31 : vector<16xf32>
        %add3A_936 = arith.addf %get3A_929, %mul3A_935 : vector<16xf32>
        %swap3A_937 = arith.index_cast %scan3A_28 : i32 to index
        %swap3A_938 = arith.constant 896 : index
        %swap3A_939 = tpu.vector_load %arg10[%swap3A_937, %swap3A_938] {strides = array<i32>} : memref<32x1024xf32, #tpu.memory_space<vmem>>, vector<1x16xf32>,
        %swap3A_940 = vector.shape_cast %swap3A_939 : vector<1x16xf32> to vector<16xf32>
        %swap3A_941 = vector.shape_cast %add3A_936 : vector<16xf32> to vector<1x16xf32>
        tpu.vector_store %arg10[%swap3A_937, %swap3A_938], %swap3A_941 {strides = array<i32>} : memref<32x1024xf32, #tpu.memory_space<vmem>>, vector<1x16xf32>,
        %get3A_942 = arith.index_cast %scan3A_28 : i32 to index
        %get3A_943 = arith.constant 912 : index
        %get3A_944 = tpu.vector_load %arg11[%get3A_942, %get3A_943] {strides = array<i32>} : memref<32x1024xf32, #tpu.memory_space<vmem>>, vector<1x16xf32>,
        %get3A_945 = vector.shape_cast %get3A_944 : vector<1x16xf32> to vector<16xf32>
        %get3A_946 = arith.index_cast %scan3A_28 : i32 to index
        %get3A_947 = arith.constant 912 : index
        %get3A_948 = tpu.vector_load %arg10[%get3A_946, %get3A_947] {strides = array<i32>} : memref<32x1024xf32, #tpu.memory_space<vmem>>, vector<1x16xf32>,
        %get3A_949 = vector.shape_cast %get3A_948 : vector<1x16xf32> to vector<16xf32>
        %sub3A_950 = arith.subf %get3A_949, %get3A_945 : vector<16xf32>
        %mul3A_951 = arith.mulf %sub3A_950, %get3A_31 : vector<16xf32>
        %add3A_952 = arith.addf %get3A_945, %mul3A_951 : vector<16xf32>
        %swap3A_953 = arith.index_cast %scan3A_28 : i32 to index
        %swap3A_954 = arith.constant 912 : index
        %swap3A_955 = tpu.vector_load %arg10[%swap3A_953, %swap3A_954] {strides = array<i32>} : memref<32x1024xf32, #tpu.memory_space<vmem>>, vector<1x16xf32>,
        %swap3A_956 = vector.shape_cast %swap3A_955 : vector<1x16xf32> to vector<16xf32>
        %swap3A_957 = vector.shape_cast %add3A_952 : vector<16xf32> to vector<1x16xf32>
        tpu.vector_store %arg10[%swap3A_953, %swap3A_954], %swap3A_957 {strides = array<i32>} : memref<32x1024xf32, #tpu.memory_space<vmem>>, vector<1x16xf32>,
        %get3A_958 = arith.index_cast %scan3A_28 : i32 to index
        %get3A_959 = arith.constant 928 : index
        %get3A_960 = tpu.vector_load %arg11[%get3A_958, %get3A_959] {strides = array<i32>} : memref<32x1024xf32, #tpu.memory_space<vmem>>, vector<1x16xf32>,
        %get3A_961 = vector.shape_cast %get3A_960 : vector<1x16xf32> to vector<16xf32>
        %get3A_962 = arith.index_cast %scan3A_28 : i32 to index
        %get3A_963 = arith.constant 928 : index
        %get3A_964 = tpu.vector_load %arg10[%get3A_962, %get3A_963] {strides = array<i32>} : memref<32x1024xf32, #tpu.memory_space<vmem>>, vector<1x16xf32>,
        %get3A_965 = vector.shape_cast %get3A_964 : vector<1x16xf32> to vector<16xf32>
        %sub3A_966 = arith.subf %get3A_965, %get3A_961 : vector<16xf32>
        %mul3A_967 = arith.mulf %sub3A_966, %get3A_31 : vector<16xf32>
        %add3A_968 = arith.addf %get3A_961, %mul3A_967 : vector<16xf32>
        %swap3A_969 = arith.index_cast %scan3A_28 : i32 to index
        %swap3A_970 = arith.constant 928 : index
        %swap3A_971 = tpu.vector_load %arg10[%swap3A_969, %swap3A_970] {strides = array<i32>} : memref<32x1024xf32, #tpu.memory_space<vmem>>, vector<1x16xf32>,
        %swap3A_972 = vector.shape_cast %swap3A_971 : vector<1x16xf32> to vector<16xf32>
        %swap3A_973 = vector.shape_cast %add3A_968 : vector<16xf32> to vector<1x16xf32>
        tpu.vector_store %arg10[%swap3A_969, %swap3A_970], %swap3A_973 {strides = array<i32>} : memref<32x1024xf32, #tpu.memory_space<vmem>>, vector<1x16xf32>,
        %get3A_974 = arith.index_cast %scan3A_28 : i32 to index
        %get3A_975 = arith.constant 944 : index
        %get3A_976 = tpu.vector_load %arg11[%get3A_974, %get3A_975] {strides = array<i32>} : memref<32x1024xf32, #tpu.memory_space<vmem>>, vector<1x16xf32>,
        %get3A_977 = vector.shape_cast %get3A_976 : vector<1x16xf32> to vector<16xf32>
        %get3A_978 = arith.index_cast %scan3A_28 : i32 to index
        %get3A_979 = arith.constant 944 : index
        %get3A_980 = tpu.vector_load %arg10[%get3A_978, %get3A_979] {strides = array<i32>} : memref<32x1024xf32, #tpu.memory_space<vmem>>, vector<1x16xf32>,
        %get3A_981 = vector.shape_cast %get3A_980 : vector<1x16xf32> to vector<16xf32>
        %sub3A_982 = arith.subf %get3A_981, %get3A_977 : vector<16xf32>
        %mul3A_983 = arith.mulf %sub3A_982, %get3A_31 : vector<16xf32>
        %add3A_984 = arith.addf %get3A_977, %mul3A_983 : vector<16xf32>
        %swap3A_985 = arith.index_cast %scan3A_28 : i32 to index
        %swap3A_986 = arith.constant 944 : index
        %swap3A_987 = tpu.vector_load %arg10[%swap3A_985, %swap3A_986] {strides = array<i32>} : memref<32x1024xf32, #tpu.memory_space<vmem>>, vector<1x16xf32>,
        %swap3A_988 = vector.shape_cast %swap3A_987 : vector<1x16xf32> to vector<16xf32>
        %swap3A_989 = vector.shape_cast %add3A_984 : vector<16xf32> to vector<1x16xf32>
        tpu.vector_store %arg10[%swap3A_985, %swap3A_986], %swap3A_989 {strides = array<i32>} : memref<32x1024xf32, #tpu.memory_space<vmem>>, vector<1x16xf32>,
        %get3A_990 = arith.index_cast %scan3A_28 : i32 to index
        %get3A_991 = arith.constant 960 : index
        %get3A_992 = tpu.vector_load %arg11[%get3A_990, %get3A_991] {strides = array<i32>} : memref<32x1024xf32, #tpu.memory_space<vmem>>, vector<1x16xf32>,
        %get3A_993 = vector.shape_cast %get3A_992 : vector<1x16xf32> to vector<16xf32>
        %get3A_994 = arith.index_cast %scan3A_28 : i32 to index
        %get3A_995 = arith.constant 960 : index
        %get3A_996 = tpu.vector_load %arg10[%get3A_994, %get3A_995] {strides = array<i32>} : memref<32x1024xf32, #tpu.memory_space<vmem>>, vector<1x16xf32>,
        %get3A_997 = vector.shape_cast %get3A_996 : vector<1x16xf32> to vector<16xf32>
        %sub3A_998 = arith.subf %get3A_997, %get3A_993 : vector<16xf32>
        %mul3A_999 = arith.mulf %sub3A_998, %get3A_31 : vector<16xf32>
        %add3A_1000 = arith.addf %get3A_993, %mul3A_999 : vector<16xf32>
        %swap3A_1001 = arith.index_cast %scan3A_28 : i32 to index
        %swap3A_1002 = arith.constant 960 : index
        %swap3A_1003 = tpu.vector_load %arg10[%swap3A_1001, %swap3A_1002] {strides = array<i32>} : memref<32x1024xf32, #tpu.memory_space<vmem>>, vector<1x16xf32>,
        %swap3A_1004 = vector.shape_cast %swap3A_1003 : vector<1x16xf32> to vector<16xf32>
        %swap3A_1005 = vector.shape_cast %add3A_1000 : vector<16xf32> to vector<1x16xf32>
        tpu.vector_store %arg10[%swap3A_1001, %swap3A_1002], %swap3A_1005 {strides = array<i32>} : memref<32x1024xf32, #tpu.memory_space<vmem>>, vector<1x16xf32>,
        %get3A_1006 = arith.index_cast %scan3A_28 : i32 to index
        %get3A_1007 = arith.constant 976 : index
        %get3A_1008 = tpu.vector_load %arg11[%get3A_1006, %get3A_1007] {strides = array<i32>} : memref<32x1024xf32, #tpu.memory_space<vmem>>, vector<1x16xf32>,
        %get3A_1009 = vector.shape_cast %get3A_1008 : vector<1x16xf32> to vector<16xf32>
        %get3A_1010 = arith.index_cast %scan3A_28 : i32 to index
        %get3A_1011 = arith.constant 976 : index
        %get3A_1012 = tpu.vector_load %arg10[%get3A_1010, %get3A_1011] {strides = array<i32>} : memref<32x1024xf32, #tpu.memory_space<vmem>>, vector<1x16xf32>,
        %get3A_1013 = vector.shape_cast %get3A_1012 : vector<1x16xf32> to vector<16xf32>
        %sub3A_1014 = arith.subf %get3A_1013, %get3A_1009 : vector<16xf32>
        %mul3A_1015 = arith.mulf %sub3A_1014, %get3A_31 : vector<16xf32>
        %add3A_1016 = arith.addf %get3A_1009, %mul3A_1015 : vector<16xf32>
        %swap3A_1017 = arith.index_cast %scan3A_28 : i32 to index
        %swap3A_1018 = arith.constant 976 : index
        %swap3A_1019 = tpu.vector_load %arg10[%swap3A_1017, %swap3A_1018] {strides = array<i32>} : memref<32x1024xf32, #tpu.memory_space<vmem>>, vector<1x16xf32>,
        %swap3A_1020 = vector.shape_cast %swap3A_1019 : vector<1x16xf32> to vector<16xf32>
        %swap3A_1021 = vector.shape_cast %add3A_1016 : vector<16xf32> to vector<1x16xf32>
        tpu.vector_store %arg10[%swap3A_1017, %swap3A_1018], %swap3A_1021 {strides = array<i32>} : memref<32x1024xf32, #tpu.memory_space<vmem>>, vector<1x16xf32>,
        %get3A_1022 = arith.index_cast %scan3A_28 : i32 to index
        %get3A_1023 = arith.constant 992 : index
        %get3A_1024 = tpu.vector_load %arg11[%get3A_1022, %get3A_1023] {strides = array<i32>} : memref<32x1024xf32, #tpu.memory_space<vmem>>, vector<1x16xf32>,
        %get3A_1025 = vector.shape_cast %get3A_1024 : vector<1x16xf32> to vector<16xf32>
        %get3A_1026 = arith.index_cast %scan3A_28 : i32 to index
        %get3A_1027 = arith.constant 992 : index
        %get3A_1028 = tpu.vector_load %arg10[%get3A_1026, %get3A_1027] {strides = array<i32>} : memref<32x1024xf32, #tpu.memory_space<vmem>>, vector<1x16xf32>,
        %get3A_1029 = vector.shape_cast %get3A_1028 : vector<1x16xf32> to vector<16xf32>
        %sub3A_1030 = arith.subf %get3A_1029, %get3A_1025 : vector<16xf32>
        %mul3A_1031 = arith.mulf %sub3A_1030, %get3A_31 : vector<16xf32>
        %add3A_1032 = arith.addf %get3A_1025, %mul3A_1031 : vector<16xf32>
        %swap3A_1033 = arith.index_cast %scan3A_28 : i32 to index
        %swap3A_1034 = arith.constant 992 : index
        %swap3A_1035 = tpu.vector_load %arg10[%swap3A_1033, %swap3A_1034] {strides = array<i32>} : memref<32x1024xf32, #tpu.memory_space<vmem>>, vector<1x16xf32>,
        %swap3A_1036 = vector.shape_cast %swap3A_1035 : vector<1x16xf32> to vector<16xf32>
        %swap3A_1037 = vector.shape_cast %add3A_1032 : vector<16xf32> to vector<1x16xf32>
        tpu.vector_store %arg10[%swap3A_1033, %swap3A_1034], %swap3A_1037 {strides = array<i32>} : memref<32x1024xf32, #tpu.memory_space<vmem>>, vector<1x16xf32>,
        %get3A_1038 = arith.index_cast %scan3A_28 : i32 to index
        %get3A_1039 = arith.constant 1008 : index
        %get3A_1040 = tpu.vector_load %arg11[%get3A_1038, %get3A_1039] {strides = array<i32>} : memref<32x1024xf32, #tpu.memory_space<vmem>>, vector<1x16xf32>,
        %get3A_1041 = vector.shape_cast %get3A_1040 : vector<1x16xf32> to vector<16xf32>
        %get3A_1042 = arith.index_cast %scan3A_28 : i32 to index
        %get3A_1043 = arith.constant 1008 : index
        %get3A_1044 = tpu.vector_load %arg10[%get3A_1042, %get3A_1043] {strides = array<i32>} : memref<32x1024xf32, #tpu.memory_space<vmem>>, vector<1x16xf32>,
        %get3A_1045 = vector.shape_cast %get3A_1044 : vector<1x16xf32> to vector<16xf32>
        %sub3A_1046 = arith.subf %get3A_1045, %get3A_1041 : vector<16xf32>
        %mul3A_1047 = arith.mulf %sub3A_1046, %get3A_31 : vector<16xf32>
        %add3A_1048 = arith.addf %get3A_1041, %mul3A_1047 : vector<16xf32>
        %swap3A_1049 = arith.index_cast %scan3A_28 : i32 to index
        %swap3A_1050 = arith.constant 1008 : index
        %swap3A_1051 = tpu.vector_load %arg10[%swap3A_1049, %swap3A_1050] {strides = array<i32>} : memref<32x1024xf32, #tpu.memory_space<vmem>>, vector<1x16xf32>,
        %swap3A_1052 = vector.shape_cast %swap3A_1051 : vector<1x16xf32> to vector<16xf32>
        %swap3A_1053 = vector.shape_cast %add3A_1048 : vector<16xf32> to vector<1x16xf32>
        tpu.vector_store %arg10[%swap3A_1049, %swap3A_1050], %swap3A_1053 {strides = array<i32>} : memref<32x1024xf32, #tpu.memory_space<vmem>>, vector<1x16xf32>,
      }
      %scan3A_27 = arith.constant 32 : i32
      "tpu.region"() ({
        %run_scoped3A = tpu.sem_alloc : memref<!tpu.dma_semaphore, #tpu.memory_space<semaphore_mem>>
        %dma_start3A_28 = arith.constant 0 : i32
        %dma_start3A_29 = tpu.memref_slice %arg6[%add3A_11, %dma_start3A_28] : memref<2048x1024xf32, #tpu.memory_space<hbm>> -> memref<32x1024xf32, #tpu.memory_space<hbm>>
        %dma_start3A_30 = arith.constant 0 : i32
        %dma_start3A_31 = tpu.memref_slice %arg6[%add3A_11, %dma_start3A_30] : memref<2048x1024xf32, #tpu.memory_space<hbm>> -> memref<32x1024xf32, #tpu.memory_space<hbm>>
        tpu.enqueue_dma source(%arg10 : memref<32x1024xf32, #tpu.memory_space<vmem>>) target(%dma_start3A_31 : memref<32x1024xf32, #tpu.memory_space<hbm>>) target_semaphore(%run_scoped3A : memref<!tpu.dma_semaphore, #tpu.memory_space<semaphore_mem>>)
        %dma_wait3A_32 = arith.constant 0 : i32
        %dma_wait3A_33 = tpu.memref_slice %arg6[%add3A_11, %dma_wait3A_32] : memref<2048x1024xf32, #tpu.memory_space<hbm>> -> memref<32x1024xf32, #tpu.memory_space<hbm>>
        %dma_wait3A_34 = arith.constant 0 : i32
        %dma_wait3A_35 = tpu.memref_slice %arg6[%add3A_11, %dma_wait3A_34] : memref<2048x1024xf32, #tpu.memory_space<hbm>> -> memref<32x1024xf32, #tpu.memory_space<hbm>>
        tpu.wait_dma2 semaphore(%run_scoped3A : memref<!tpu.dma_semaphore, #tpu.memory_space<semaphore_mem>>) src(%arg10 : memref<32x1024xf32, #tpu.memory_space<vmem>>) dst(%dma_wait3A_35 : memref<32x1024xf32, #tpu.memory_space<hbm>>)
        tpu.yield
      }) : () -> ()
    }
    %scan3A_7 = arith.constant 2 : i32
    return
  }
}

#map = affine_map<(d0, d1) -> (0, 0)>
#map1 = affine_map<(d0, d1) -> (0)>
module attributes {stable_mosaic.version = 14 : i64} {
  func.func @_gather_body(%arg0: i32, %arg1: i32, %arg2: memref<2048x1024xf32, #tpu.memory_space<hbm>>, %arg3: memref<8192xi32, #tpu.memory_space<hbm>>, %arg4: memref<8192x1024xf32, #tpu.memory_space<hbm>>, %arg5: memref<256xi32, #tpu.memory_space<vmem>>, %arg6: memref<32x1024xf32, #tpu.memory_space<vmem>>, %arg7: memref<32x1024xf32, #tpu.memory_space<vmem>>, %arg8: memref<32x1024xf32, #tpu.memory_space<vmem>>, %arg9: memref<!tpu.dma_semaphore, #tpu.memory_space<semaphore_mem>>, %arg10: memref<!tpu.dma_semaphore, #tpu.memory_space<semaphore_mem>>, %arg11: memref<!tpu.dma_semaphore, #tpu.memory_space<semaphore_mem>>, %arg12: memref<!tpu.dma_semaphore, #tpu.memory_space<semaphore_mem>>, %arg13: memref<!tpu.dma_semaphore, #tpu.memory_space<semaphore_mem>>, %arg14: memref<!tpu.dma_semaphore, #tpu.memory_space<semaphore_mem>>) attributes {dimension_semantics = [#tpu.dimension_semantics<core_parallel>, #tpu.dimension_semantics<subcore_parallel>], iteration_bounds = array<i64: 2, 16>, scalar_prefetch = 0 : i64, scratch_operands = 10 : i64, tpu.core_type = #tpu.core_type<sc_vector_subcore>, window_params = [{transform_indices = #map}, {transform_indices = #map1}, {transform_indices = #map}]} {
    %mul3A = arith.constant 2 : i32
    %mul3A_0 = arith.muli %arg1, %mul3A : i32
    %add3A = arith.addi %mul3A_0, %arg0 : i32
    %mul3A_1 = arith.constant 256 : i32
    %mul3A_2 = arith.muli %add3A, %mul3A_1 : i32
    "tpu.region"() ({
      %run_scoped3A = tpu.sem_alloc : memref<!tpu.dma_semaphore, #tpu.memory_space<semaphore_mem>>
      %dma_start3A_161 = tpu.memref_slice %arg3[%mul3A_2] : memref<8192xi32, #tpu.memory_space<hbm>> -> memref<256xi32, #tpu.memory_space<hbm>>
      %dma_start3A_162 = tpu.memref_slice %arg3[%mul3A_2] : memref<8192xi32, #tpu.memory_space<hbm>> -> memref<256xi32, #tpu.memory_space<hbm>>
      tpu.enqueue_dma source(%dma_start3A_162 : memref<256xi32, #tpu.memory_space<hbm>>) target(%arg5 : memref<256xi32, #tpu.memory_space<vmem>>) target_semaphore(%run_scoped3A : memref<!tpu.dma_semaphore, #tpu.memory_space<semaphore_mem>>)
      %dma_wait3A_163 = tpu.memref_slice %arg3[%mul3A_2] : memref<8192xi32, #tpu.memory_space<hbm>> -> memref<256xi32, #tpu.memory_space<hbm>>
      %dma_wait3A_164 = tpu.memref_slice %arg3[%mul3A_2] : memref<8192xi32, #tpu.memory_space<hbm>> -> memref<256xi32, #tpu.memory_space<hbm>>
      tpu.wait_dma2 semaphore(%run_scoped3A : memref<!tpu.dma_semaphore, #tpu.memory_space<semaphore_mem>>) src(%dma_wait3A_164 : memref<256xi32, #tpu.memory_space<hbm>>) dst(%arg5 : memref<256xi32, #tpu.memory_space<vmem>>)
      tpu.yield
    }) : () -> ()
    %dma_start3A = arith.constant 0 : i32
    %dma_start3A_3 = tpu.memref_slice %arg5[%dma_start3A] : memref<256xi32, #tpu.memory_space<vmem>> -> memref<32xi32, #tpu.memory_space<vmem>>
    %dma_start3A_4 = arith.constant 0 : i32
    %dma_start3A_5 = arith.constant 0 : i32
    %dma_start3A_6 = tpu.memref_slice %arg2[%dma_start3A_4, %dma_start3A_5] : memref<2048x1024xf32, #tpu.memory_space<hbm>> -> memref<2048x1024xf32, #tpu.memory_space<hbm>>
    tpu.enqueue_indirect_dma source(%dma_start3A_6 : memref<2048x1024xf32, #tpu.memory_space<hbm>>) target(%arg6 : memref<32x1024xf32, #tpu.memory_space<vmem>>) offsets(%dma_start3A_3 : memref<32xi32, #tpu.memory_space<vmem>>) semaphore(%arg9 : memref<!tpu.dma_semaphore, #tpu.memory_space<semaphore_mem>>)
    %dma_start3A_7 = arith.constant 32 : i32
    %dma_start3A_8 = tpu.memref_slice %arg5[%dma_start3A_7] : memref<256xi32, #tpu.memory_space<vmem>> -> memref<32xi32, #tpu.memory_space<vmem>>
    %dma_start3A_9 = arith.constant 0 : i32
    %dma_start3A_10 = arith.constant 0 : i32
    %dma_start3A_11 = tpu.memref_slice %arg2[%dma_start3A_9, %dma_start3A_10] : memref<2048x1024xf32, #tpu.memory_space<hbm>> -> memref<2048x1024xf32, #tpu.memory_space<hbm>>
    tpu.enqueue_indirect_dma source(%dma_start3A_11 : memref<2048x1024xf32, #tpu.memory_space<hbm>>) target(%arg7 : memref<32x1024xf32, #tpu.memory_space<vmem>>) offsets(%dma_start3A_8 : memref<32xi32, #tpu.memory_space<vmem>>) semaphore(%arg10 : memref<!tpu.dma_semaphore, #tpu.memory_space<semaphore_mem>>)
    %dma_wait3A = arith.constant 0 : i32
    %dma_wait3A_12 = tpu.memref_slice %arg5[%dma_wait3A] : memref<256xi32, #tpu.memory_space<vmem>> -> memref<32xi32, #tpu.memory_space<vmem>>
    %dma_wait3A_13 = arith.constant 0 : i32
    %dma_wait3A_14 = arith.constant 0 : i32
    %dma_wait3A_15 = tpu.memref_slice %arg2[%dma_wait3A_13, %dma_wait3A_14] : memref<2048x1024xf32, #tpu.memory_space<hbm>> -> memref<2048x1024xf32, #tpu.memory_space<hbm>>
    tpu.wait_indirect_dma semaphore(%arg9 : memref<!tpu.dma_semaphore, #tpu.memory_space<semaphore_mem>>) src(%dma_wait3A_15 : memref<2048x1024xf32, #tpu.memory_space<hbm>>) dst(%arg6 : memref<32x1024xf32, #tpu.memory_space<vmem>>)
    %add3A_16 = arith.constant 0 : i32
    %add3A_17 = arith.addi %mul3A_2, %add3A_16 : i32
    %dma_start3A_18 = arith.constant 0 : i32
    %dma_start3A_19 = tpu.memref_slice %arg4[%add3A_17, %dma_start3A_18] : memref<8192x1024xf32, #tpu.memory_space<hbm>> -> memref<32x1024xf32, #tpu.memory_space<hbm>>
    %dma_start3A_20 = arith.constant 0 : i32
    %dma_start3A_21 = tpu.memref_slice %arg4[%add3A_17, %dma_start3A_20] : memref<8192x1024xf32, #tpu.memory_space<hbm>> -> memref<32x1024xf32, #tpu.memory_space<hbm>>
    tpu.enqueue_dma source(%arg6 : memref<32x1024xf32, #tpu.memory_space<vmem>>) target(%dma_start3A_21 : memref<32x1024xf32, #tpu.memory_space<hbm>>) target_semaphore(%arg12 : memref<!tpu.dma_semaphore, #tpu.memory_space<semaphore_mem>>)
    %dma_start3A_22 = arith.constant 64 : i32
    %dma_start3A_23 = tpu.memref_slice %arg5[%dma_start3A_22] : memref<256xi32, #tpu.memory_space<vmem>> -> memref<32xi32, #tpu.memory_space<vmem>>
    %dma_start3A_24 = arith.constant 0 : i32
    %dma_start3A_25 = arith.constant 0 : i32
    %dma_start3A_26 = tpu.memref_slice %arg2[%dma_start3A_24, %dma_start3A_25] : memref<2048x1024xf32, #tpu.memory_space<hbm>> -> memref<2048x1024xf32, #tpu.memory_space<hbm>>
    tpu.enqueue_indirect_dma source(%dma_start3A_26 : memref<2048x1024xf32, #tpu.memory_space<hbm>>) target(%arg8 : memref<32x1024xf32, #tpu.memory_space<vmem>>) offsets(%dma_start3A_23 : memref<32xi32, #tpu.memory_space<vmem>>) semaphore(%arg11 : memref<!tpu.dma_semaphore, #tpu.memory_space<semaphore_mem>>)
    %dma_wait3A_27 = arith.constant 32 : i32
    %dma_wait3A_28 = tpu.memref_slice %arg5[%dma_wait3A_27] : memref<256xi32, #tpu.memory_space<vmem>> -> memref<32xi32, #tpu.memory_space<vmem>>
    %dma_wait3A_29 = arith.constant 0 : i32
    %dma_wait3A_30 = arith.constant 0 : i32
    %dma_wait3A_31 = tpu.memref_slice %arg2[%dma_wait3A_29, %dma_wait3A_30] : memref<2048x1024xf32, #tpu.memory_space<hbm>> -> memref<2048x1024xf32, #tpu.memory_space<hbm>>
    tpu.wait_indirect_dma semaphore(%arg10 : memref<!tpu.dma_semaphore, #tpu.memory_space<semaphore_mem>>) src(%dma_wait3A_31 : memref<2048x1024xf32, #tpu.memory_space<hbm>>) dst(%arg7 : memref<32x1024xf32, #tpu.memory_space<vmem>>)
    %add3A_32 = arith.constant 32 : i32
    %add3A_33 = arith.addi %mul3A_2, %add3A_32 : i32
    %dma_start3A_34 = arith.constant 0 : i32
    %dma_start3A_35 = tpu.memref_slice %arg4[%add3A_33, %dma_start3A_34] : memref<8192x1024xf32, #tpu.memory_space<hbm>> -> memref<32x1024xf32, #tpu.memory_space<hbm>>
    %dma_start3A_36 = arith.constant 0 : i32
    %dma_start3A_37 = tpu.memref_slice %arg4[%add3A_33, %dma_start3A_36] : memref<8192x1024xf32, #tpu.memory_space<hbm>> -> memref<32x1024xf32, #tpu.memory_space<hbm>>
    tpu.enqueue_dma source(%arg7 : memref<32x1024xf32, #tpu.memory_space<vmem>>) target(%dma_start3A_37 : memref<32x1024xf32, #tpu.memory_space<hbm>>) target_semaphore(%arg13 : memref<!tpu.dma_semaphore, #tpu.memory_space<semaphore_mem>>)
    %dma_wait3A_38 = arith.constant 0 : i32
    %dma_wait3A_39 = tpu.memref_slice %arg4[%add3A_17, %dma_wait3A_38] : memref<8192x1024xf32, #tpu.memory_space<hbm>> -> memref<32x1024xf32, #tpu.memory_space<hbm>>
    %dma_wait3A_40 = arith.constant 0 : i32
    %dma_wait3A_41 = tpu.memref_slice %arg4[%add3A_17, %dma_wait3A_40] : memref<8192x1024xf32, #tpu.memory_space<hbm>> -> memref<32x1024xf32, #tpu.memory_space<hbm>>
    tpu.wait_dma2 semaphore(%arg12 : memref<!tpu.dma_semaphore, #tpu.memory_space<semaphore_mem>>) src(%arg6 : memref<32x1024xf32, #tpu.memory_space<vmem>>) dst(%dma_wait3A_41 : memref<32x1024xf32, #tpu.memory_space<hbm>>)
    %dma_start3A_42 = arith.constant 96 : i32
    %dma_start3A_43 = tpu.memref_slice %arg5[%dma_start3A_42] : memref<256xi32, #tpu.memory_space<vmem>> -> memref<32xi32, #tpu.memory_space<vmem>>
    %dma_start3A_44 = arith.constant 0 : i32
    %dma_start3A_45 = arith.constant 0 : i32
    %dma_start3A_46 = tpu.memref_slice %arg2[%dma_start3A_44, %dma_start3A_45] : memref<2048x1024xf32, #tpu.memory_space<hbm>> -> memref<2048x1024xf32, #tpu.memory_space<hbm>>
    tpu.enqueue_indirect_dma source(%dma_start3A_46 : memref<2048x1024xf32, #tpu.memory_space<hbm>>) target(%arg6 : memref<32x1024xf32, #tpu.memory_space<vmem>>) offsets(%dma_start3A_43 : memref<32xi32, #tpu.memory_space<vmem>>) semaphore(%arg9 : memref<!tpu.dma_semaphore, #tpu.memory_space<semaphore_mem>>)
    %dma_wait3A_47 = arith.constant 64 : i32
    %dma_wait3A_48 = tpu.memref_slice %arg5[%dma_wait3A_47] : memref<256xi32, #tpu.memory_space<vmem>> -> memref<32xi32, #tpu.memory_space<vmem>>
    %dma_wait3A_49 = arith.constant 0 : i32
    %dma_wait3A_50 = arith.constant 0 : i32
    %dma_wait3A_51 = tpu.memref_slice %arg2[%dma_wait3A_49, %dma_wait3A_50] : memref<2048x1024xf32, #tpu.memory_space<hbm>> -> memref<2048x1024xf32, #tpu.memory_space<hbm>>
    tpu.wait_indirect_dma semaphore(%arg11 : memref<!tpu.dma_semaphore, #tpu.memory_space<semaphore_mem>>) src(%dma_wait3A_51 : memref<2048x1024xf32, #tpu.memory_space<hbm>>) dst(%arg8 : memref<32x1024xf32, #tpu.memory_space<vmem>>)
    %add3A_52 = arith.constant 64 : i32
    %add3A_53 = arith.addi %mul3A_2, %add3A_52 : i32
    %dma_start3A_54 = arith.constant 0 : i32
    %dma_start3A_55 = tpu.memref_slice %arg4[%add3A_53, %dma_start3A_54] : memref<8192x1024xf32, #tpu.memory_space<hbm>> -> memref<32x1024xf32, #tpu.memory_space<hbm>>
    %dma_start3A_56 = arith.constant 0 : i32
    %dma_start3A_57 = tpu.memref_slice %arg4[%add3A_53, %dma_start3A_56] : memref<8192x1024xf32, #tpu.memory_space<hbm>> -> memref<32x1024xf32, #tpu.memory_space<hbm>>
    tpu.enqueue_dma source(%arg8 : memref<32x1024xf32, #tpu.memory_space<vmem>>) target(%dma_start3A_57 : memref<32x1024xf32, #tpu.memory_space<hbm>>) target_semaphore(%arg14 : memref<!tpu.dma_semaphore, #tpu.memory_space<semaphore_mem>>)
    %dma_wait3A_58 = arith.constant 0 : i32
    %dma_wait3A_59 = tpu.memref_slice %arg4[%add3A_33, %dma_wait3A_58] : memref<8192x1024xf32, #tpu.memory_space<hbm>> -> memref<32x1024xf32, #tpu.memory_space<hbm>>
    %dma_wait3A_60 = arith.constant 0 : i32
    %dma_wait3A_61 = tpu.memref_slice %arg4[%add3A_33, %dma_wait3A_60] : memref<8192x1024xf32, #tpu.memory_space<hbm>> -> memref<32x1024xf32, #tpu.memory_space<hbm>>
    tpu.wait_dma2 semaphore(%arg13 : memref<!tpu.dma_semaphore, #tpu.memory_space<semaphore_mem>>) src(%arg7 : memref<32x1024xf32, #tpu.memory_space<vmem>>) dst(%dma_wait3A_61 : memref<32x1024xf32, #tpu.memory_space<hbm>>)
    %dma_start3A_62 = arith.constant 128 : i32
    %dma_start3A_63 = tpu.memref_slice %arg5[%dma_start3A_62] : memref<256xi32, #tpu.memory_space<vmem>> -> memref<32xi32, #tpu.memory_space<vmem>>
    %dma_start3A_64 = arith.constant 0 : i32
    %dma_start3A_65 = arith.constant 0 : i32
    %dma_start3A_66 = tpu.memref_slice %arg2[%dma_start3A_64, %dma_start3A_65] : memref<2048x1024xf32, #tpu.memory_space<hbm>> -> memref<2048x1024xf32, #tpu.memory_space<hbm>>
    tpu.enqueue_indirect_dma source(%dma_start3A_66 : memref<2048x1024xf32, #tpu.memory_space<hbm>>) target(%arg7 : memref<32x1024xf32, #tpu.memory_space<vmem>>) offsets(%dma_start3A_63 : memref<32xi32, #tpu.memory_space<vmem>>) semaphore(%arg10 : memref<!tpu.dma_semaphore, #tpu.memory_space<semaphore_mem>>)
    %dma_wait3A_67 = arith.constant 96 : i32
    %dma_wait3A_68 = tpu.memref_slice %arg5[%dma_wait3A_67] : memref<256xi32, #tpu.memory_space<vmem>> -> memref<32xi32, #tpu.memory_space<vmem>>
    %dma_wait3A_69 = arith.constant 0 : i32
    %dma_wait3A_70 = arith.constant 0 : i32
    %dma_wait3A_71 = tpu.memref_slice %arg2[%dma_wait3A_69, %dma_wait3A_70] : memref<2048x1024xf32, #tpu.memory_space<hbm>> -> memref<2048x1024xf32, #tpu.memory_space<hbm>>
    tpu.wait_indirect_dma semaphore(%arg9 : memref<!tpu.dma_semaphore, #tpu.memory_space<semaphore_mem>>) src(%dma_wait3A_71 : memref<2048x1024xf32, #tpu.memory_space<hbm>>) dst(%arg6 : memref<32x1024xf32, #tpu.memory_space<vmem>>)
    %add3A_72 = arith.constant 96 : i32
    %add3A_73 = arith.addi %mul3A_2, %add3A_72 : i32
    %dma_start3A_74 = arith.constant 0 : i32
    %dma_start3A_75 = tpu.memref_slice %arg4[%add3A_73, %dma_start3A_74] : memref<8192x1024xf32, #tpu.memory_space<hbm>> -> memref<32x1024xf32, #tpu.memory_space<hbm>>
    %dma_start3A_76 = arith.constant 0 : i32
    %dma_start3A_77 = tpu.memref_slice %arg4[%add3A_73, %dma_start3A_76] : memref<8192x1024xf32, #tpu.memory_space<hbm>> -> memref<32x1024xf32, #tpu.memory_space<hbm>>
    tpu.enqueue_dma source(%arg6 : memref<32x1024xf32, #tpu.memory_space<vmem>>) target(%dma_start3A_77 : memref<32x1024xf32, #tpu.memory_space<hbm>>) target_semaphore(%arg12 : memref<!tpu.dma_semaphore, #tpu.memory_space<semaphore_mem>>)
    %dma_wait3A_78 = arith.constant 0 : i32
    %dma_wait3A_79 = tpu.memref_slice %arg4[%add3A_53, %dma_wait3A_78] : memref<8192x1024xf32, #tpu.memory_space<hbm>> -> memref<32x1024xf32, #tpu.memory_space<hbm>>
    %dma_wait3A_80 = arith.constant 0 : i32
    %dma_wait3A_81 = tpu.memref_slice %arg4[%add3A_53, %dma_wait3A_80] : memref<8192x1024xf32, #tpu.memory_space<hbm>> -> memref<32x1024xf32, #tpu.memory_space<hbm>>
    tpu.wait_dma2 semaphore(%arg14 : memref<!tpu.dma_semaphore, #tpu.memory_space<semaphore_mem>>) src(%arg8 : memref<32x1024xf32, #tpu.memory_space<vmem>>) dst(%dma_wait3A_81 : memref<32x1024xf32, #tpu.memory_space<hbm>>)
    %dma_start3A_82 = arith.constant 160 : i32
    %dma_start3A_83 = tpu.memref_slice %arg5[%dma_start3A_82] : memref<256xi32, #tpu.memory_space<vmem>> -> memref<32xi32, #tpu.memory_space<vmem>>
    %dma_start3A_84 = arith.constant 0 : i32
    %dma_start3A_85 = arith.constant 0 : i32
    %dma_start3A_86 = tpu.memref_slice %arg2[%dma_start3A_84, %dma_start3A_85] : memref<2048x1024xf32, #tpu.memory_space<hbm>> -> memref<2048x1024xf32, #tpu.memory_space<hbm>>
    tpu.enqueue_indirect_dma source(%dma_start3A_86 : memref<2048x1024xf32, #tpu.memory_space<hbm>>) target(%arg8 : memref<32x1024xf32, #tpu.memory_space<vmem>>) offsets(%dma_start3A_83 : memref<32xi32, #tpu.memory_space<vmem>>) semaphore(%arg11 : memref<!tpu.dma_semaphore, #tpu.memory_space<semaphore_mem>>)
    %dma_wait3A_87 = arith.constant 128 : i32
    %dma_wait3A_88 = tpu.memref_slice %arg5[%dma_wait3A_87] : memref<256xi32, #tpu.memory_space<vmem>> -> memref<32xi32, #tpu.memory_space<vmem>>
    %dma_wait3A_89 = arith.constant 0 : i32
    %dma_wait3A_90 = arith.constant 0 : i32
    %dma_wait3A_91 = tpu.memref_slice %arg2[%dma_wait3A_89, %dma_wait3A_90] : memref<2048x1024xf32, #tpu.memory_space<hbm>> -> memref<2048x1024xf32, #tpu.memory_space<hbm>>
    tpu.wait_indirect_dma semaphore(%arg10 : memref<!tpu.dma_semaphore, #tpu.memory_space<semaphore_mem>>) src(%dma_wait3A_91 : memref<2048x1024xf32, #tpu.memory_space<hbm>>) dst(%arg7 : memref<32x1024xf32, #tpu.memory_space<vmem>>)
    %add3A_92 = arith.constant 128 : i32
    %add3A_93 = arith.addi %mul3A_2, %add3A_92 : i32
    %dma_start3A_94 = arith.constant 0 : i32
    %dma_start3A_95 = tpu.memref_slice %arg4[%add3A_93, %dma_start3A_94] : memref<8192x1024xf32, #tpu.memory_space<hbm>> -> memref<32x1024xf32, #tpu.memory_space<hbm>>
    %dma_start3A_96 = arith.constant 0 : i32
    %dma_start3A_97 = tpu.memref_slice %arg4[%add3A_93, %dma_start3A_96] : memref<8192x1024xf32, #tpu.memory_space<hbm>> -> memref<32x1024xf32, #tpu.memory_space<hbm>>
    tpu.enqueue_dma source(%arg7 : memref<32x1024xf32, #tpu.memory_space<vmem>>) target(%dma_start3A_97 : memref<32x1024xf32, #tpu.memory_space<hbm>>) target_semaphore(%arg13 : memref<!tpu.dma_semaphore, #tpu.memory_space<semaphore_mem>>)
    %dma_wait3A_98 = arith.constant 0 : i32
    %dma_wait3A_99 = tpu.memref_slice %arg4[%add3A_73, %dma_wait3A_98] : memref<8192x1024xf32, #tpu.memory_space<hbm>> -> memref<32x1024xf32, #tpu.memory_space<hbm>>
    %dma_wait3A_100 = arith.constant 0 : i32
    %dma_wait3A_101 = tpu.memref_slice %arg4[%add3A_73, %dma_wait3A_100] : memref<8192x1024xf32, #tpu.memory_space<hbm>> -> memref<32x1024xf32, #tpu.memory_space<hbm>>
    tpu.wait_dma2 semaphore(%arg12 : memref<!tpu.dma_semaphore, #tpu.memory_space<semaphore_mem>>) src(%arg6 : memref<32x1024xf32, #tpu.memory_space<vmem>>) dst(%dma_wait3A_101 : memref<32x1024xf32, #tpu.memory_space<hbm>>)
    %dma_start3A_102 = arith.constant 192 : i32
    %dma_start3A_103 = tpu.memref_slice %arg5[%dma_start3A_102] : memref<256xi32, #tpu.memory_space<vmem>> -> memref<32xi32, #tpu.memory_space<vmem>>
    %dma_start3A_104 = arith.constant 0 : i32
    %dma_start3A_105 = arith.constant 0 : i32
    %dma_start3A_106 = tpu.memref_slice %arg2[%dma_start3A_104, %dma_start3A_105] : memref<2048x1024xf32, #tpu.memory_space<hbm>> -> memref<2048x1024xf32, #tpu.memory_space<hbm>>
    tpu.enqueue_indirect_dma source(%dma_start3A_106 : memref<2048x1024xf32, #tpu.memory_space<hbm>>) target(%arg6 : memref<32x1024xf32, #tpu.memory_space<vmem>>) offsets(%dma_start3A_103 : memref<32xi32, #tpu.memory_space<vmem>>) semaphore(%arg9 : memref<!tpu.dma_semaphore, #tpu.memory_space<semaphore_mem>>)
    %dma_wait3A_107 = arith.constant 160 : i32
    %dma_wait3A_108 = tpu.memref_slice %arg5[%dma_wait3A_107] : memref<256xi32, #tpu.memory_space<vmem>> -> memref<32xi32, #tpu.memory_space<vmem>>
    %dma_wait3A_109 = arith.constant 0 : i32
    %dma_wait3A_110 = arith.constant 0 : i32
    %dma_wait3A_111 = tpu.memref_slice %arg2[%dma_wait3A_109, %dma_wait3A_110] : memref<2048x1024xf32, #tpu.memory_space<hbm>> -> memref<2048x1024xf32, #tpu.memory_space<hbm>>
    tpu.wait_indirect_dma semaphore(%arg11 : memref<!tpu.dma_semaphore, #tpu.memory_space<semaphore_mem>>) src(%dma_wait3A_111 : memref<2048x1024xf32, #tpu.memory_space<hbm>>) dst(%arg8 : memref<32x1024xf32, #tpu.memory_space<vmem>>)
    %add3A_112 = arith.constant 160 : i32
    %add3A_113 = arith.addi %mul3A_2, %add3A_112 : i32
    %dma_start3A_114 = arith.constant 0 : i32
    %dma_start3A_115 = tpu.memref_slice %arg4[%add3A_113, %dma_start3A_114] : memref<8192x1024xf32, #tpu.memory_space<hbm>> -> memref<32x1024xf32, #tpu.memory_space<hbm>>
    %dma_start3A_116 = arith.constant 0 : i32
    %dma_start3A_117 = tpu.memref_slice %arg4[%add3A_113, %dma_start3A_116] : memref<8192x1024xf32, #tpu.memory_space<hbm>> -> memref<32x1024xf32, #tpu.memory_space<hbm>>
    tpu.enqueue_dma source(%arg8 : memref<32x1024xf32, #tpu.memory_space<vmem>>) target(%dma_start3A_117 : memref<32x1024xf32, #tpu.memory_space<hbm>>) target_semaphore(%arg14 : memref<!tpu.dma_semaphore, #tpu.memory_space<semaphore_mem>>)
    %dma_wait3A_118 = arith.constant 0 : i32
    %dma_wait3A_119 = tpu.memref_slice %arg4[%add3A_93, %dma_wait3A_118] : memref<8192x1024xf32, #tpu.memory_space<hbm>> -> memref<32x1024xf32, #tpu.memory_space<hbm>>
    %dma_wait3A_120 = arith.constant 0 : i32
    %dma_wait3A_121 = tpu.memref_slice %arg4[%add3A_93, %dma_wait3A_120] : memref<8192x1024xf32, #tpu.memory_space<hbm>> -> memref<32x1024xf32, #tpu.memory_space<hbm>>
    tpu.wait_dma2 semaphore(%arg13 : memref<!tpu.dma_semaphore, #tpu.memory_space<semaphore_mem>>) src(%arg7 : memref<32x1024xf32, #tpu.memory_space<vmem>>) dst(%dma_wait3A_121 : memref<32x1024xf32, #tpu.memory_space<hbm>>)
    %dma_start3A_122 = arith.constant 224 : i32
    %dma_start3A_123 = tpu.memref_slice %arg5[%dma_start3A_122] : memref<256xi32, #tpu.memory_space<vmem>> -> memref<32xi32, #tpu.memory_space<vmem>>
    %dma_start3A_124 = arith.constant 0 : i32
    %dma_start3A_125 = arith.constant 0 : i32
    %dma_start3A_126 = tpu.memref_slice %arg2[%dma_start3A_124, %dma_start3A_125] : memref<2048x1024xf32, #tpu.memory_space<hbm>> -> memref<2048x1024xf32, #tpu.memory_space<hbm>>
    tpu.enqueue_indirect_dma source(%dma_start3A_126 : memref<2048x1024xf32, #tpu.memory_space<hbm>>) target(%arg7 : memref<32x1024xf32, #tpu.memory_space<vmem>>) offsets(%dma_start3A_123 : memref<32xi32, #tpu.memory_space<vmem>>) semaphore(%arg10 : memref<!tpu.dma_semaphore, #tpu.memory_space<semaphore_mem>>)
    %dma_wait3A_127 = arith.constant 192 : i32
    %dma_wait3A_128 = tpu.memref_slice %arg5[%dma_wait3A_127] : memref<256xi32, #tpu.memory_space<vmem>> -> memref<32xi32, #tpu.memory_space<vmem>>
    %dma_wait3A_129 = arith.constant 0 : i32
    %dma_wait3A_130 = arith.constant 0 : i32
    %dma_wait3A_131 = tpu.memref_slice %arg2[%dma_wait3A_129, %dma_wait3A_130] : memref<2048x1024xf32, #tpu.memory_space<hbm>> -> memref<2048x1024xf32, #tpu.memory_space<hbm>>
    tpu.wait_indirect_dma semaphore(%arg9 : memref<!tpu.dma_semaphore, #tpu.memory_space<semaphore_mem>>) src(%dma_wait3A_131 : memref<2048x1024xf32, #tpu.memory_space<hbm>>) dst(%arg6 : memref<32x1024xf32, #tpu.memory_space<vmem>>)
    %add3A_132 = arith.constant 192 : i32
    %add3A_133 = arith.addi %mul3A_2, %add3A_132 : i32
    %dma_start3A_134 = arith.constant 0 : i32
    %dma_start3A_135 = tpu.memref_slice %arg4[%add3A_133, %dma_start3A_134] : memref<8192x1024xf32, #tpu.memory_space<hbm>> -> memref<32x1024xf32, #tpu.memory_space<hbm>>
    %dma_start3A_136 = arith.constant 0 : i32
    %dma_start3A_137 = tpu.memref_slice %arg4[%add3A_133, %dma_start3A_136] : memref<8192x1024xf32, #tpu.memory_space<hbm>> -> memref<32x1024xf32, #tpu.memory_space<hbm>>
    tpu.enqueue_dma source(%arg6 : memref<32x1024xf32, #tpu.memory_space<vmem>>) target(%dma_start3A_137 : memref<32x1024xf32, #tpu.memory_space<hbm>>) target_semaphore(%arg12 : memref<!tpu.dma_semaphore, #tpu.memory_space<semaphore_mem>>)
    %dma_wait3A_138 = arith.constant 224 : i32
    %dma_wait3A_139 = tpu.memref_slice %arg5[%dma_wait3A_138] : memref<256xi32, #tpu.memory_space<vmem>> -> memref<32xi32, #tpu.memory_space<vmem>>
    %dma_wait3A_140 = arith.constant 0 : i32
    %dma_wait3A_141 = arith.constant 0 : i32
    %dma_wait3A_142 = tpu.memref_slice %arg2[%dma_wait3A_140, %dma_wait3A_141] : memref<2048x1024xf32, #tpu.memory_space<hbm>> -> memref<2048x1024xf32, #tpu.memory_space<hbm>>
    tpu.wait_indirect_dma semaphore(%arg10 : memref<!tpu.dma_semaphore, #tpu.memory_space<semaphore_mem>>) src(%dma_wait3A_142 : memref<2048x1024xf32, #tpu.memory_space<hbm>>) dst(%arg7 : memref<32x1024xf32, #tpu.memory_space<vmem>>)
    %add3A_143 = arith.constant 224 : i32
    %add3A_144 = arith.addi %mul3A_2, %add3A_143 : i32
    %dma_start3A_145 = arith.constant 0 : i32
    %dma_start3A_146 = tpu.memref_slice %arg4[%add3A_144, %dma_start3A_145] : memref<8192x1024xf32, #tpu.memory_space<hbm>> -> memref<32x1024xf32, #tpu.memory_space<hbm>>
    %dma_start3A_147 = arith.constant 0 : i32
    %dma_start3A_148 = tpu.memref_slice %arg4[%add3A_144, %dma_start3A_147] : memref<8192x1024xf32, #tpu.memory_space<hbm>> -> memref<32x1024xf32, #tpu.memory_space<hbm>>
    tpu.enqueue_dma source(%arg7 : memref<32x1024xf32, #tpu.memory_space<vmem>>) target(%dma_start3A_148 : memref<32x1024xf32, #tpu.memory_space<hbm>>) target_semaphore(%arg13 : memref<!tpu.dma_semaphore, #tpu.memory_space<semaphore_mem>>)
    %dma_wait3A_149 = arith.constant 0 : i32
    %dma_wait3A_150 = tpu.memref_slice %arg4[%add3A_113, %dma_wait3A_149] : memref<8192x1024xf32, #tpu.memory_space<hbm>> -> memref<32x1024xf32, #tpu.memory_space<hbm>>
    %dma_wait3A_151 = arith.constant 0 : i32
    %dma_wait3A_152 = tpu.memref_slice %arg4[%add3A_113, %dma_wait3A_151] : memref<8192x1024xf32, #tpu.memory_space<hbm>> -> memref<32x1024xf32, #tpu.memory_space<hbm>>
    tpu.wait_dma2 semaphore(%arg14 : memref<!tpu.dma_semaphore, #tpu.memory_space<semaphore_mem>>) src(%arg8 : memref<32x1024xf32, #tpu.memory_space<vmem>>) dst(%dma_wait3A_152 : memref<32x1024xf32, #tpu.memory_space<hbm>>)
    %dma_wait3A_153 = arith.constant 0 : i32
    %dma_wait3A_154 = tpu.memref_slice %arg4[%add3A_133, %dma_wait3A_153] : memref<8192x1024xf32, #tpu.memory_space<hbm>> -> memref<32x1024xf32, #tpu.memory_space<hbm>>
    %dma_wait3A_155 = arith.constant 0 : i32
    %dma_wait3A_156 = tpu.memref_slice %arg4[%add3A_133, %dma_wait3A_155] : memref<8192x1024xf32, #tpu.memory_space<hbm>> -> memref<32x1024xf32, #tpu.memory_space<hbm>>
    tpu.wait_dma2 semaphore(%arg12 : memref<!tpu.dma_semaphore, #tpu.memory_space<semaphore_mem>>) src(%arg6 : memref<32x1024xf32, #tpu.memory_space<vmem>>) dst(%dma_wait3A_156 : memref<32x1024xf32, #tpu.memory_space<hbm>>)
    %dma_wait3A_157 = arith.constant 0 : i32
    %dma_wait3A_158 = tpu.memref_slice %arg4[%add3A_144, %dma_wait3A_157] : memref<8192x1024xf32, #tpu.memory_space<hbm>> -> memref<32x1024xf32, #tpu.memory_space<hbm>>
    %dma_wait3A_159 = arith.constant 0 : i32
    %dma_wait3A_160 = tpu.memref_slice %arg4[%add3A_144, %dma_wait3A_159] : memref<8192x1024xf32, #tpu.memory_space<hbm>> -> memref<32x1024xf32, #tpu.memory_space<hbm>>
    tpu.wait_dma2 semaphore(%arg13 : memref<!tpu.dma_semaphore, #tpu.memory_space<semaphore_mem>>) src(%arg7 : memref<32x1024xf32, #tpu.memory_space<vmem>>) dst(%dma_wait3A_160 : memref<32x1024xf32, #tpu.memory_space<hbm>>)
    return
  }
}

module attributes {stable_mosaic.version = 14 : i64} {
  func.func @_router_body(%arg0: memref<2048x1024xf32, #tpu.memory_space<vmem>>, %arg1: memref<64x1024xf32, #tpu.memory_space<vmem>>, %arg2: memref<2048x1xf32, #tpu.memory_space<vmem>>, %arg3: memref<4096x1xi32, #tpu.memory_space<vmem>>, %arg4: memref<128x1xi32, #tpu.memory_space<vmem>>, %arg5: memref<1x1xi32, #tpu.memory_space<vmem>>, %arg6: memref<4096x64xf32, #tpu.memory_space<vmem>>, %arg7: memref<4096x1xf32, #tpu.memory_space<vmem>>) attributes {dimension_semantics = [], scalar_prefetch = 0 : i64, scratch_operands = 2 : i64, tpu.core_type = #tpu.core_type<tc>} {
    %get3A = arith.constant 0 : index
    %get3A_0 = arith.constant 0 : index
    %get3A_1 = vector.load %arg0[%get3A, %get3A_0] : memref<2048x1024xf32, #tpu.memory_space<vmem>>, vector<2048x1024xf32>
    %get3A_2 = arith.constant 0 : index
    %get3A_3 = arith.constant 0 : index
    %get3A_4 = vector.load %arg1[%get3A_2, %get3A_3] : memref<64x1024xf32, #tpu.memory_space<vmem>>, vector<64x1024xf32>
    %dot_general3A = arith.constant dense<0.000000e+00> : vector<2048x64xf32>
    %dot_general3A_5 = tpu.matmul %get3A_1, %get3A_4, %dot_general3A {dimension_numbers = #tpu.dot_dimension_numbers<[1], [1], [0], [0], [0, 0, 1, 0], [], []>, transpose_lhs_hint = false} : vector<2048x1024xf32>, vector<64x1024xf32>, vector<2048x64xf32> -> vector<2048x64xf32>
    %iota3A = tpu.iota {dimensions = array<i32: 1>} : vector<2048x64xi32>
    %reduce_max3A = arith.constant dense<0xFF800000> : vector<2048xf32>
    %reduce_max3A_6 = vector.multi_reduction <maximumf>, %dot_general3A_5, %reduce_max3A [1] : vector<2048x64xf32> to vector<2048xf32>
    %broadcast_in_dim3A = vector.shape_cast %reduce_max3A_6 : vector<2048xf32> to vector<2048x1xf32>
    %eq3A = vector.broadcast %broadcast_in_dim3A : vector<2048x1xf32> to vector<2048x64xf32>
    %eq3A_7 = arith.cmpf oeq, %dot_general3A_5, %eq3A : vector<2048x64xf32>
    %jit3A = arith.constant 64 : i32
    %broadcast_in_dim3A_8 = vector.broadcast %jit3A : i32 to vector<2048x64xi32>
    %select_n3A = arith.select %eq3A_7, %iota3A, %broadcast_in_dim3A_8 : vector<2048x64xi1>, vector<2048x64xi32>
    %reduce_min3A = arith.constant dense<2147483647> : vector<2048xi32>
    %reduce_min3A_9 = vector.multi_reduction <minsi>, %select_n3A, %reduce_min3A [1] : vector<2048x64xi32> to vector<2048xi32>
    %broadcast_in_dim3A_10 = vector.shape_cast %reduce_min3A_9 : vector<2048xi32> to vector<2048x1xi32>
    %eq3A_11 = vector.broadcast %broadcast_in_dim3A_10 : vector<2048x1xi32> to vector<2048x64xi32>
    %eq3A_12 = arith.cmpi eq, %iota3A, %eq3A_11 : vector<2048x64xi32>
    %jit3A_13 = arith.constant 0xFF800000 : f32
    %broadcast_in_dim3A_14 = vector.broadcast %jit3A_13 : f32 to vector<2048x64xf32>
    %select_n3A_15 = arith.select %eq3A_12, %broadcast_in_dim3A_14, %dot_general3A_5 : vector<2048x64xi1>, vector<2048x64xf32>
    %reduce_max3A_16 = arith.constant dense<0xFF800000> : vector<2048xf32>
    %reduce_max3A_17 = vector.multi_reduction <maximumf>, %select_n3A_15, %reduce_max3A_16 [1] : vector<2048x64xf32> to vector<2048xf32>
    %broadcast_in_dim3A_18 = vector.shape_cast %reduce_max3A_17 : vector<2048xf32> to vector<2048x1xf32>
    %eq3A_19 = vector.broadcast %broadcast_in_dim3A_18 : vector<2048x1xf32> to vector<2048x64xf32>
    %eq3A_20 = arith.cmpf oeq, %select_n3A_15, %eq3A_19 : vector<2048x64xf32>
    %jit3A_21 = arith.constant 64 : i32
    %broadcast_in_dim3A_22 = vector.broadcast %jit3A_21 : i32 to vector<2048x64xi32>
    %select_n3A_23 = arith.select %eq3A_20, %iota3A, %broadcast_in_dim3A_22 : vector<2048x64xi1>, vector<2048x64xi32>
    %reduce_min3A_24 = arith.constant dense<2147483647> : vector<2048xi32>
    %reduce_min3A_25 = vector.multi_reduction <minsi>, %select_n3A_23, %reduce_min3A_24 [1] : vector<2048x64xi32> to vector<2048xi32>
    %broadcast_in_dim3A_26 = vector.shape_cast %reduce_min3A_25 : vector<2048xi32> to vector<2048x1xi32>
    %sub3A = arith.subf %broadcast_in_dim3A_18, %broadcast_in_dim3A : vector<2048x1xf32>
    %exp3A = math.exp %sub3A : vector<2048x1xf32>
    %add3A = arith.constant 1.000000e+00 : f32
    %add3A_27 = vector.broadcast %add3A : f32 to vector<2048x1xf32>
    %add3A_28 = arith.addf %add3A_27, %exp3A : vector<2048x1xf32>
    %div3A = arith.constant 1.000000e+00 : f32
    %div3A_29 = vector.broadcast %div3A : f32 to vector<2048x1xf32>
    %div3A_30 = arith.divf %div3A_29, %add3A_28 : vector<2048x1xf32>
    %swap3A = arith.constant 0 : index
    %swap3A_31 = arith.constant 0 : index
    %swap3A_32 = vector.load %arg2[%swap3A, %swap3A_31] : memref<2048x1xf32, #tpu.memory_space<vmem>>, vector<2048x1xf32>
    tpu.vector_store %arg2[%swap3A, %swap3A_31], %div3A_30 {strides = array<i32>} : memref<2048x1xf32, #tpu.memory_space<vmem>>, vector<2048x1xf32>,
    %eq3A_33 = vector.broadcast %broadcast_in_dim3A_10 : vector<2048x1xi32> to vector<2048x64xi32>
    %eq3A_34 = arith.cmpi eq, %iota3A, %eq3A_33 : vector<2048x64xi32>
    %convert_element_type3A = arith.extui %eq3A_34 : vector<2048x64xi1> to vector<2048x64xi32>
    %convert_element_type3A_35 = arith.sitofp %convert_element_type3A : vector<2048x64xi32> to vector<2048x64xf32>
    %swap3A_36 = arith.constant 0 : index
    %swap3A_37 = arith.constant 0 : index
    %swap3A_38 = vector.load %arg6[%swap3A_36, %swap3A_37] : memref<4096x64xf32, #tpu.memory_space<vmem>>, vector<2048x64xf32>
    tpu.vector_store %arg6[%swap3A_36, %swap3A_37], %convert_element_type3A_35 {strides = array<i32>} : memref<4096x64xf32, #tpu.memory_space<vmem>>, vector<2048x64xf32>,
    %eq3A_39 = vector.broadcast %broadcast_in_dim3A_26 : vector<2048x1xi32> to vector<2048x64xi32>
    %eq3A_40 = arith.cmpi eq, %iota3A, %eq3A_39 : vector<2048x64xi32>
    %convert_element_type3A_41 = arith.extui %eq3A_40 : vector<2048x64xi1> to vector<2048x64xi32>
    %convert_element_type3A_42 = arith.sitofp %convert_element_type3A_41 : vector<2048x64xi32> to vector<2048x64xf32>
    %swap3A_43 = arith.constant 2048 : index
    %swap3A_44 = arith.constant 0 : index
    %swap3A_45 = vector.load %arg6[%swap3A_43, %swap3A_44] : memref<4096x64xf32, #tpu.memory_space<vmem>>, vector<2048x64xf32>
    tpu.vector_store %arg6[%swap3A_43, %swap3A_44], %convert_element_type3A_42 {strides = array<i32>} : memref<4096x64xf32, #tpu.memory_space<vmem>>, vector<2048x64xf32>,
    %iota3A_46 = tpu.iota {dimensions = array<i32: 0>} : vector<128x128xi32>
    %iota3A_47 = tpu.iota {dimensions = array<i32: 1>} : vector<128x128xi32>
    %ge3A = arith.cmpi sge, %iota3A_46, %iota3A_47 : vector<128x128xi32>
    %convert_element_type3A_48 = arith.extui %ge3A : vector<128x128xi1> to vector<128x128xi32>
    %convert_element_type3A_49 = arith.sitofp %convert_element_type3A_48 : vector<128x128xi32> to vector<128x128xf32>
    %broadcast_in_dim3A_50 = arith.constant 0.000000e+00 : f32
    %broadcast_in_dim3A_51 = vector.broadcast %broadcast_in_dim3A_50 : f32 to vector<1x64xf32>
    %scan3A = arith.constant 0 : i32
    %scan3A_52 = arith.constant 32 : i32
    %scan3A_53 = arith.addi %scan3A, %scan3A_52 : i32
    %scan3A_54 = arith.constant 1 : i32
    %scan3A_55 = scf.for %scan3A_184 = %scan3A to %scan3A_53 step %scan3A_54 iter_args(%scan3A_185 = %broadcast_in_dim3A_51) -> (vector<1x64xf32>)  : i32 {
      %mul3A_186 = arith.constant 128 : i32
      %mul3A_187 = arith.muli %scan3A_184, %mul3A_186 : i32
      %get3A_188 = arith.index_cast %mul3A_187 : i32 to index
      %get3A_189 = arith.constant 0 : index
      %get3A_190 = vector.load %arg6[%get3A_188, %get3A_189] : memref<4096x64xf32, #tpu.memory_space<vmem>>, vector<128x64xf32>
      %dot_general3A_191 = arith.constant dense<0.000000e+00> : vector<128x64xf32>
      %dot_general3A_192 = tpu.matmul %convert_element_type3A_49, %get3A_190, %dot_general3A_191 {dimension_numbers = #tpu.dot_dimension_numbers<[1], [0], [0], [1], [0, 0, 1, 1], [], []>, transpose_lhs_hint = false} : vector<128x128xf32>, vector<128x64xf32>, vector<128x64xf32> -> vector<128x64xf32>
      %add3A_193 = vector.broadcast %scan3A_185 : vector<1x64xf32> to vector<128x64xf32>
      %add3A_194 = arith.addf %dot_general3A_192, %add3A_193 : vector<128x64xf32>
      %mul3A_195 = arith.mulf %add3A_194, %get3A_190 : vector<128x64xf32>
      %reduce_sum3A_196 = arith.constant dense<0.000000e+00> : vector<128xf32>
      %reduce_sum3A_197 = vector.multi_reduction <add>, %mul3A_195, %reduce_sum3A_196 [1] : vector<128x64xf32> to vector<128xf32>
      %broadcast_in_dim3A_198 = vector.shape_cast %reduce_sum3A_197 : vector<128xf32> to vector<128x1xf32>
      %sub3A_199 = arith.constant 1.000000e+00 : f32
      %sub3A_200 = vector.broadcast %sub3A_199 : f32 to vector<128x1xf32>
      %sub3A_201 = arith.subf %broadcast_in_dim3A_198, %sub3A_200 : vector<128x1xf32>
      %mul3A_202 = arith.constant 128 : i32
      %mul3A_203 = arith.muli %scan3A_184, %mul3A_202 : i32
      %swap3A_204 = arith.index_cast %mul3A_203 : i32 to index
      %swap3A_205 = arith.constant 0 : index
      %swap3A_206 = vector.load %arg7[%swap3A_204, %swap3A_205] : memref<4096x1xf32, #tpu.memory_space<vmem>>, vector<128x1xf32>
      tpu.vector_store %arg7[%swap3A_204, %swap3A_205], %sub3A_201 {strides = array<i32>} : memref<4096x1xf32, #tpu.memory_space<vmem>>, vector<128x1xf32>,
      %slice3A_207 = vector.extract_strided_slice %dot_general3A_192 {offsets = [127, 0], sizes = [1, 64], strides = [1, 1]} : vector<128x64xf32> to vector<1x64xf32>
      %add3A_208 = arith.addf %scan3A_185, %slice3A_207 : vector<1x64xf32>
      scf.yield %add3A_208 : vector<1x64xf32>
    }
    %scan3A_56 = arith.constant 32 : i32
    %convert_element_type3A_57 = arith.fptosi %scan3A_55 : vector<1x64xf32> to vector<1x64xi32>
    %add3A_58 = arith.constant 64 : i32
    %add3A_59 = vector.broadcast %add3A_58 : i32 to vector<1x64xi32>
    %add3A_60 = arith.addi %convert_element_type3A_57, %add3A_59 : vector<1x64xi32>
    %sub3A_61 = arith.constant 1 : i32
    %sub3A_62 = vector.broadcast %sub3A_61 : i32 to vector<1x64xi32>
    %sub3A_63 = arith.subi %add3A_60, %sub3A_62 : vector<1x64xi32>
    %jit3A_64 = arith.constant 64 : i32
    %div3A_65 = vector.broadcast %jit3A_64 : i32 to vector<1x64xi32>
    %div3A_66 = arith.divsi %sub3A_63, %div3A_65 : vector<1x64xi32>
    %sign3A = arith.constant 0 : i32
    %sign3A_67 = vector.broadcast %sign3A : i32 to vector<1x64xi32>
    %sign3A_68 = arith.cmpi sgt, %sub3A_63, %sign3A_67 : vector<1x64xi32>
    %sign3A_69 = arith.extui %sign3A_68 : vector<1x64xi1> to vector<1x64xi32>
    %sign3A_70 = arith.constant 0 : i32
    %sign3A_71 = vector.broadcast %sign3A_70 : i32 to vector<1x64xi32>
    %sign3A_72 = arith.cmpi slt, %sub3A_63, %sign3A_71 : vector<1x64xi32>
    %sign3A_73 = arith.extui %sign3A_72 : vector<1x64xi1> to vector<1x64xi32>
    %sign3A_74 = arith.subi %sign3A_69, %sign3A_73 : vector<1x64xi32>
    %sign3A_75 = arith.constant 0 : i32
    %sign3A_76 = arith.cmpi sgt, %jit3A_64, %sign3A_75 : i32
    %sign3A_77 = arith.extui %sign3A_76 : i1 to i32
    %sign3A_78 = arith.constant 0 : i32
    %sign3A_79 = arith.cmpi slt, %jit3A_64, %sign3A_78 : i32
    %sign3A_80 = arith.extui %sign3A_79 : i1 to i32
    %sign3A_81 = arith.subi %sign3A_77, %sign3A_80 : i32
    %ne3A = vector.broadcast %sign3A_81 : i32 to vector<1x64xi32>
    %ne3A_82 = arith.cmpi ne, %sign3A_74, %ne3A : vector<1x64xi32>
    %rem3A = vector.broadcast %jit3A_64 : i32 to vector<1x64xi32>
    %rem3A_83 = arith.remsi %sub3A_63, %rem3A : vector<1x64xi32>
    %ne3A_84 = arith.constant 0 : i32
    %ne3A_85 = vector.broadcast %ne3A_84 : i32 to vector<1x64xi32>
    %ne3A_86 = arith.cmpi ne, %rem3A_83, %ne3A_85 : vector<1x64xi32>
    %and3A = arith.andi %ne3A_82, %ne3A_86 : vector<1x64xi1>
    %sub3A_87 = arith.constant 1 : i32
    %sub3A_88 = vector.broadcast %sub3A_87 : i32 to vector<1x64xi32>
    %sub3A_89 = arith.subi %div3A_66, %sub3A_88 : vector<1x64xi32>
    %select_n3A_90 = arith.select %and3A, %sub3A_89, %div3A_66 : vector<1x64xi1>, vector<1x64xi32>
    %mul3A = arith.constant 64 : i32
    %mul3A_91 = vector.broadcast %mul3A : i32 to vector<1x64xi32>
    %mul3A_92 = arith.muli %select_n3A_90, %mul3A_91 : vector<1x64xi32>
    %convert_element_type3A_93 = arith.sitofp %mul3A_92 : vector<1x64xi32> to vector<1x64xf32>
    %iota3A_94 = tpu.iota {dimensions = array<i32: 0>} : vector<64x64xi32>
    %iota3A_95 = tpu.iota {dimensions = array<i32: 1>} : vector<64x64xi32>
    %le3A = arith.cmpi sle, %iota3A_94, %iota3A_95 : vector<64x64xi32>
    %convert_element_type3A_96 = arith.extui %le3A : vector<64x64xi1> to vector<64x64xi32>
    %convert_element_type3A_97 = arith.sitofp %convert_element_type3A_96 : vector<64x64xi32> to vector<64x64xf32>
    %dot_general3A_98 = arith.constant dense<0.000000e+00> : vector<1x64xf32>
    %dot_general3A_99 = tpu.matmul %convert_element_type3A_93, %convert_element_type3A_97, %dot_general3A_98 {dimension_numbers = #tpu.dot_dimension_numbers<[1], [0], [0], [1], [0, 0, 1, 1], [], []>, transpose_lhs_hint = false} : vector<1x64xf32>, vector<64x64xf32>, vector<1x64xf32> -> vector<1x64xf32>
    %sub3A_100 = arith.subf %dot_general3A_99, %convert_element_type3A_93 : vector<1x64xf32>
    %get3A_101 = arith.constant 0 : index
    %get3A_102 = arith.constant 0 : index
    %get3A_103 = vector.load %arg6[%get3A_101, %get3A_102] : memref<4096x64xf32, #tpu.memory_space<vmem>>, vector<4096x64xf32>
    %mul3A_104 = vector.broadcast %sub3A_100 : vector<1x64xf32> to vector<4096x64xf32>
    %mul3A_105 = arith.mulf %get3A_103, %mul3A_104 : vector<4096x64xf32>
    %reduce_sum3A = arith.constant dense<0.000000e+00> : vector<4096xf32>
    %reduce_sum3A_106 = vector.multi_reduction <add>, %mul3A_105, %reduce_sum3A [1] : vector<4096x64xf32> to vector<4096xf32>
    %broadcast_in_dim3A_107 = vector.shape_cast %reduce_sum3A_106 : vector<4096xf32> to vector<4096x1xf32>
    %get3A_108 = arith.constant 0 : index
    %get3A_109 = arith.constant 0 : index
    %get3A_110 = vector.load %arg7[%get3A_108, %get3A_109] : memref<4096x1xf32, #tpu.memory_space<vmem>>, vector<4096x1xf32>
    %add3A_111 = arith.addf %broadcast_in_dim3A_107, %get3A_110 : vector<4096x1xf32>
    %convert_element_type3A_112 = arith.fptosi %add3A_111 : vector<4096x1xf32> to vector<4096x1xi32>
    %swap3A_113 = arith.constant 0 : index
    %swap3A_114 = arith.constant 0 : index
    %swap3A_115 = vector.load %arg3[%swap3A_113, %swap3A_114] : memref<4096x1xi32, #tpu.memory_space<vmem>>, vector<4096x1xi32>
    tpu.vector_store %arg3[%swap3A_113, %swap3A_114], %convert_element_type3A_112 {strides = array<i32>} : memref<4096x1xi32, #tpu.memory_space<vmem>>, vector<4096x1xi32>,
    %slice3A = vector.extract_strided_slice %dot_general3A_99 {offsets = [0, 63], sizes = [1, 1], strides = [1, 1]} : vector<1x64xf32> to vector<1x1xf32>
    %convert_element_type3A_116 = arith.fptosi %slice3A : vector<1x1xf32> to vector<1x1xi32>
    %jit3A_117 = arith.constant 64 : i32
    %div3A_118 = vector.broadcast %jit3A_117 : i32 to vector<1x1xi32>
    %div3A_119 = arith.divsi %convert_element_type3A_116, %div3A_118 : vector<1x1xi32>
    %sign3A_120 = arith.constant 0 : i32
    %sign3A_121 = vector.broadcast %sign3A_120 : i32 to vector<1x1xi32>
    %sign3A_122 = arith.cmpi sgt, %convert_element_type3A_116, %sign3A_121 : vector<1x1xi32>
    %sign3A_123 = arith.extui %sign3A_122 : vector<1x1xi1> to vector<1x1xi32>
    %sign3A_124 = arith.constant 0 : i32
    %sign3A_125 = vector.broadcast %sign3A_124 : i32 to vector<1x1xi32>
    %sign3A_126 = arith.cmpi slt, %convert_element_type3A_116, %sign3A_125 : vector<1x1xi32>
    %sign3A_127 = arith.extui %sign3A_126 : vector<1x1xi1> to vector<1x1xi32>
    %sign3A_128 = arith.subi %sign3A_123, %sign3A_127 : vector<1x1xi32>
    %sign3A_129 = arith.constant 0 : i32
    %sign3A_130 = arith.cmpi sgt, %jit3A_117, %sign3A_129 : i32
    %sign3A_131 = arith.extui %sign3A_130 : i1 to i32
    %sign3A_132 = arith.constant 0 : i32
    %sign3A_133 = arith.cmpi slt, %jit3A_117, %sign3A_132 : i32
    %sign3A_134 = arith.extui %sign3A_133 : i1 to i32
    %sign3A_135 = arith.subi %sign3A_131, %sign3A_134 : i32
    %ne3A_136 = vector.broadcast %sign3A_135 : i32 to vector<1x1xi32>
    %ne3A_137 = arith.cmpi ne, %sign3A_128, %ne3A_136 : vector<1x1xi32>
    %rem3A_138 = vector.broadcast %jit3A_117 : i32 to vector<1x1xi32>
    %rem3A_139 = arith.remsi %convert_element_type3A_116, %rem3A_138 : vector<1x1xi32>
    %ne3A_140 = arith.constant 0 : i32
    %ne3A_141 = vector.broadcast %ne3A_140 : i32 to vector<1x1xi32>
    %ne3A_142 = arith.cmpi ne, %rem3A_139, %ne3A_141 : vector<1x1xi32>
    %and3A_143 = arith.andi %ne3A_137, %ne3A_142 : vector<1x1xi1>
    %sub3A_144 = arith.constant 1 : i32
    %sub3A_145 = vector.broadcast %sub3A_144 : i32 to vector<1x1xi32>
    %sub3A_146 = arith.subi %div3A_119, %sub3A_145 : vector<1x1xi32>
    %select_n3A_147 = arith.select %and3A_143, %sub3A_146, %div3A_119 : vector<1x1xi1>, vector<1x1xi32>
    %swap3A_148 = arith.constant 0 : index
    %swap3A_149 = arith.constant 0 : index
    %swap3A_150 = vector.load %arg5[%swap3A_148, %swap3A_149] : memref<1x1xi32, #tpu.memory_space<vmem>>, vector<1x1xi32>
    tpu.vector_store %arg5[%swap3A_148, %swap3A_149], %select_n3A_147 {strides = array<i32>} : memref<1x1xi32, #tpu.memory_space<vmem>>, vector<1x1xi32>,
    %iota3A_151 = tpu.iota {dimensions = array<i32: 0>} : vector<128x64xi32>
    %mul3A_152 = arith.constant 64 : i32
    %mul3A_153 = vector.broadcast %mul3A_152 : i32 to vector<128x64xi32>
    %mul3A_154 = arith.muli %iota3A_151, %mul3A_153 : vector<128x64xi32>
    %convert_element_type3A_155 = arith.sitofp %mul3A_154 : vector<128x64xi32> to vector<128x64xf32>
    %le3A_156 = vector.broadcast %dot_general3A_99 : vector<1x64xf32> to vector<128x64xf32>
    %le3A_157 = arith.cmpf ole, %le3A_156, %convert_element_type3A_155 : vector<128x64xf32>
    %convert_element_type3A_158 = arith.extui %le3A_157 : vector<128x64xi1> to vector<128x64xi32>
    %convert_element_type3A_159 = arith.sitofp %convert_element_type3A_158 : vector<128x64xi32> to vector<128x64xf32>
    %reduce_sum3A_160 = arith.constant dense<0.000000e+00> : vector<128xf32>
    %reduce_sum3A_161 = vector.multi_reduction <add>, %convert_element_type3A_159, %reduce_sum3A_160 [1] : vector<128x64xf32> to vector<128xf32>
    %broadcast_in_dim3A_162 = vector.shape_cast %reduce_sum3A_161 : vector<128xf32> to vector<128x1xf32>
    %min3A = arith.constant 6.300000e+01 : f32
    %min3A_163 = vector.broadcast %min3A : f32 to vector<128x1xf32>
    %min3A_164 = arith.minimumf %broadcast_in_dim3A_162, %min3A_163 : vector<128x1xf32>
    %sub3A_165 = arith.constant 6.400000e+01 : f32
    %sub3A_166 = vector.broadcast %sub3A_165 : f32 to vector<1x1xf32>
    %sub3A_167 = arith.subf %slice3A, %sub3A_166 : vector<1x1xf32>
    %le3A_168 = vector.broadcast %sub3A_167 : vector<1x1xf32> to vector<1x64xf32>
    %le3A_169 = arith.cmpf ole, %dot_general3A_99, %le3A_168 : vector<1x64xf32>
    %convert_element_type3A_170 = arith.extui %le3A_169 : vector<1x64xi1> to vector<1x64xi32>
    %convert_element_type3A_171 = arith.sitofp %convert_element_type3A_170 : vector<1x64xi32> to vector<1x64xf32>
    %reduce_sum3A_172 = arith.constant dense<0.000000e+00> : vector<1xf32>
    %reduce_sum3A_173 = vector.multi_reduction <add>, %convert_element_type3A_171, %reduce_sum3A_172 [1] : vector<1x64xf32> to vector<1xf32>
    %broadcast_in_dim3A_174 = vector.shape_cast %reduce_sum3A_173 : vector<1xf32> to vector<1x1xf32>
    %slice3A_175 = vector.extract_strided_slice %convert_element_type3A_155 {offsets = [0, 0], sizes = [128, 1], strides = [1, 1]} : vector<128x64xf32> to vector<128x1xf32>
    %lt3A = vector.broadcast %slice3A : vector<1x1xf32> to vector<128x1xf32>
    %lt3A_176 = arith.cmpf olt, %slice3A_175, %lt3A : vector<128x1xf32>
    %broadcast_in_dim3A_177 = vector.shape_cast %broadcast_in_dim3A_174 : vector<1x1xf32> to vector<1x1xf32>
    %broadcast_in_dim3A_178 = vector.broadcast %broadcast_in_dim3A_177 : vector<1x1xf32> to vector<128x1xf32>
    %select_n3A_179 = arith.select %lt3A_176, %min3A_164, %broadcast_in_dim3A_178 : vector<128x1xi1>, vector<128x1xf32>
    %convert_element_type3A_180 = arith.fptosi %select_n3A_179 : vector<128x1xf32> to vector<128x1xi32>
    %swap3A_181 = arith.constant 0 : index
    %swap3A_182 = arith.constant 0 : index
    %swap3A_183 = vector.load %arg4[%swap3A_181, %swap3A_182] : memref<128x1xi32, #tpu.memory_space<vmem>>, vector<128x1xi32>
    tpu.vector_store %arg4[%swap3A_181, %swap3A_182], %convert_element_type3A_180 {strides = array<i32>} : memref<128x1xi32, #tpu.memory_space<vmem>>, vector<128x1xi32>,
    return
  }
}

module attributes {stable_mosaic.version = 14 : i64} {
  func.func @_ffn_body(%arg0: i32, %arg1: memref<128xi32, #tpu.memory_space<smem>>, %arg2: memref<1xi32, #tpu.memory_space<smem>>, %arg3: memref<64x1024xf32, #tpu.memory_space<vmem>>, %arg4: memref<1x1024x1024xf32, #tpu.memory_space<vmem>>, %arg5: memref<1x1x1024xf32, #tpu.memory_space<vmem>>, %arg6: memref<1x1024x1024xf32, #tpu.memory_space<vmem>>, %arg7: memref<1x1x1024xf32, #tpu.memory_space<vmem>>, %arg8: memref<64x1024xf32, #tpu.memory_space<vmem>>) attributes {dimension_semantics = [#tpu.dimension_semantics<arbitrary>], iteration_bounds = array<i64: 128>, scalar_prefetch = 2 : i64, scratch_operands = 0 : i64, tpu.core_type = #tpu.core_type<tc>, window_params = [{transform_indices = @transform_0, window_bounds = array<i64: 64, 1024>}, {transform_indices = @transform_1, window_bounds = array<i64: 1, 1024, 1024>}, {transform_indices = @transform_2, window_bounds = array<i64: 1, 1, 1024>}, {transform_indices = @transform_3, window_bounds = array<i64: 1, 1024, 1024>}, {transform_indices = @transform_4, window_bounds = array<i64: 1, 1, 1024>}, {transform_indices = @transform_5, window_bounds = array<i64: 64, 1024>}]} {
    %get3A = arith.constant 0 : index
    %get3A_0 = memref.load %arg2[%get3A] : memref<1xi32, #tpu.memory_space<smem>>
    %lt3A = arith.cmpi slt, %arg0, %get3A_0 : i32
    %convert_element_type3A = arith.extui %lt3A : i1 to i32
    %cond3A = arith.constant 0 : i32
    %cond3A_1 = arith.cmpi ne, %convert_element_type3A, %cond3A : i32
    scf.if %cond3A_1 {
      %get3A_2 = arith.constant 0 : index
      %get3A_3 = arith.constant 0 : index
      %get3A_4 = vector.load %arg3[%get3A_2, %get3A_3] : memref<64x1024xf32, #tpu.memory_space<vmem>>, vector<64x1024xf32>
      %get3A_5 = arith.constant 0 : index
      %get3A_6 = arith.constant 0 : index
      %get3A_7 = arith.constant 0 : index
      %get3A_8 = vector.load %arg4[%get3A_5, %get3A_6, %get3A_7] : memref<1x1024x1024xf32, #tpu.memory_space<vmem>>, vector<1x1024x1024xf32>
      %get3A_9 = vector.shape_cast %get3A_8 : vector<1x1024x1024xf32> to vector<1024x1024xf32>
      %dot_general3A = arith.constant dense<0.000000e+00> : vector<64x1024xf32>
      %dot_general3A_10 = tpu.matmul %get3A_4, %get3A_9, %dot_general3A {dimension_numbers = #tpu.dot_dimension_numbers<[1], [1], [0], [0], [0, 0, 1, 0], [], []>, transpose_lhs_hint = false} : vector<64x1024xf32>, vector<1024x1024xf32>, vector<64x1024xf32> -> vector<64x1024xf32>
      %get3A_11 = arith.constant 0 : index
      %get3A_12 = arith.constant 0 : index
      %get3A_13 = arith.constant 0 : index
      %get3A_14 = vector.load %arg5[%get3A_11, %get3A_12, %get3A_13] : memref<1x1x1024xf32, #tpu.memory_space<vmem>>, vector<1x1x1024xf32>
      %get3A_15 = vector.shape_cast %get3A_14 : vector<1x1x1024xf32> to vector<1x1024xf32>
      %add3A = vector.broadcast %get3A_15 : vector<1x1024xf32> to vector<64x1024xf32>
      %add3A_16 = arith.addf %dot_general3A_10, %add3A : vector<64x1024xf32>
      %mul3A = arith.constant 5.000000e-01 : f32
      %mul3A_17 = vector.broadcast %mul3A : f32 to vector<64x1024xf32>
      %mul3A_18 = arith.mulf %mul3A_17, %add3A_16 : vector<64x1024xf32>
      %mul3A_19 = arith.constant 0.707106769 : f32
      %mul3A_20 = vector.broadcast %mul3A_19 : f32 to vector<64x1024xf32>
      %mul3A_21 = arith.mulf %add3A_16, %mul3A_20 : vector<64x1024xf32>
      %erf3A = math.erf %mul3A_21 : vector<64x1024xf32>
      %add3A_22 = arith.constant 1.000000e+00 : f32
      %add3A_23 = vector.broadcast %add3A_22 : f32 to vector<64x1024xf32>
      %add3A_24 = arith.addf %add3A_23, %erf3A : vector<64x1024xf32>
      %mul3A_25 = arith.mulf %mul3A_18, %add3A_24 : vector<64x1024xf32>
      %get3A_26 = arith.constant 0 : index
      %get3A_27 = arith.constant 0 : index
      %get3A_28 = arith.constant 0 : index
      %get3A_29 = vector.load %arg6[%get3A_26, %get3A_27, %get3A_28] : memref<1x1024x1024xf32, #tpu.memory_space<vmem>>, vector<1x1024x1024xf32>
      %get3A_30 = vector.shape_cast %get3A_29 : vector<1x1024x1024xf32> to vector<1024x1024xf32>
      %dot_general3A_31 = arith.constant dense<0.000000e+00> : vector<64x1024xf32>
      %dot_general3A_32 = tpu.matmul %mul3A_25, %get3A_30, %dot_general3A_31 {dimension_numbers = #tpu.dot_dimension_numbers<[1], [1], [0], [0], [0, 0, 1, 0], [], []>, transpose_lhs_hint = false} : vector<64x1024xf32>, vector<1024x1024xf32>, vector<64x1024xf32> -> vector<64x1024xf32>
      %get3A_33 = arith.constant 0 : index
      %get3A_34 = arith.constant 0 : index
      %get3A_35 = arith.constant 0 : index
      %get3A_36 = vector.load %arg7[%get3A_33, %get3A_34, %get3A_35] : memref<1x1x1024xf32, #tpu.memory_space<vmem>>, vector<1x1x1024xf32>
      %get3A_37 = vector.shape_cast %get3A_36 : vector<1x1x1024xf32> to vector<1x1024xf32>
      %add3A_38 = vector.broadcast %get3A_37 : vector<1x1024xf32> to vector<64x1024xf32>
      %add3A_39 = arith.addf %dot_general3A_32, %add3A_38 : vector<64x1024xf32>
      %swap3A = arith.constant 0 : index
      %swap3A_40 = arith.constant 0 : index
      %swap3A_41 = vector.load %arg8[%swap3A, %swap3A_40] : memref<64x1024xf32, #tpu.memory_space<vmem>>, vector<64x1024xf32>
      tpu.vector_store %arg8[%swap3A, %swap3A_40], %add3A_39 {strides = array<i32>} : memref<64x1024xf32, #tpu.memory_space<vmem>>, vector<64x1024xf32>,
    } else {
    }
    return
  }
  func.func @transform_0(%arg0: i32, %arg1: memref<128xi32, #tpu.memory_space<smem>>, %arg2: memref<1xi32, #tpu.memory_space<smem>>) -> (i32, i32) {
    %get3A = arith.constant 0 : index
    %get3A_0 = memref.load %arg2[%get3A] : memref<1xi32, #tpu.memory_space<smem>>
    %sub3A = arith.constant 1 : i32
    %sub3A_1 = arith.subi %get3A_0, %sub3A : i32
    %min3A = arith.minsi %arg0, %sub3A_1 : i32
    %max3A = arith.constant 0 : i32
    %max3A_2 = arith.maxsi %min3A, %max3A : i32
    %c0_i32 = arith.constant 0 : i32
    %c0_i32_3 = arith.constant 0 : i32
    return %max3A_2, %c0_i32 : i32, i32
  }
  func.func @transform_1(%arg0: i32, %arg1: memref<128xi32, #tpu.memory_space<smem>>, %arg2: memref<1xi32, #tpu.memory_space<smem>>) -> (i32, i32, i32) {
    %get3A = arith.constant 0 : index
    %get3A_0 = memref.load %arg2[%get3A] : memref<1xi32, #tpu.memory_space<smem>>
    %sub3A = arith.constant 1 : i32
    %sub3A_1 = arith.subi %get3A_0, %sub3A : i32
    %min3A = arith.minsi %arg0, %sub3A_1 : i32
    %max3A = arith.constant 0 : i32
    %max3A_2 = arith.maxsi %min3A, %max3A : i32
    %get3A_3 = arith.index_cast %max3A_2 : i32 to index
    %get3A_4 = memref.load %arg1[%get3A_3] : memref<128xi32, #tpu.memory_space<smem>>
    %c0_i32 = arith.constant 0 : i32
    %c0_i32_5 = arith.constant 0 : i32
    %c0_i32_6 = arith.constant 0 : i32
    return %get3A_4, %c0_i32, %c0_i32_5 : i32, i32, i32
  }
  func.func @transform_2(%arg0: i32, %arg1: memref<128xi32, #tpu.memory_space<smem>>, %arg2: memref<1xi32, #tpu.memory_space<smem>>) -> (i32, i32, i32) {
    %get3A = arith.constant 0 : index
    %get3A_0 = memref.load %arg2[%get3A] : memref<1xi32, #tpu.memory_space<smem>>
    %sub3A = arith.constant 1 : i32
    %sub3A_1 = arith.subi %get3A_0, %sub3A : i32
    %min3A = arith.minsi %arg0, %sub3A_1 : i32
    %max3A = arith.constant 0 : i32
    %max3A_2 = arith.maxsi %min3A, %max3A : i32
    %get3A_3 = arith.index_cast %max3A_2 : i32 to index
    %get3A_4 = memref.load %arg1[%get3A_3] : memref<128xi32, #tpu.memory_space<smem>>
    %c0_i32 = arith.constant 0 : i32
    %c0_i32_5 = arith.constant 0 : i32
    %c0_i32_6 = arith.constant 0 : i32
    return %get3A_4, %c0_i32, %c0_i32_5 : i32, i32, i32
  }
  func.func @transform_3(%arg0: i32, %arg1: memref<128xi32, #tpu.memory_space<smem>>, %arg2: memref<1xi32, #tpu.memory_space<smem>>) -> (i32, i32, i32) {
    %get3A = arith.constant 0 : index
    %get3A_0 = memref.load %arg2[%get3A] : memref<1xi32, #tpu.memory_space<smem>>
    %sub3A = arith.constant 1 : i32
    %sub3A_1 = arith.subi %get3A_0, %sub3A : i32
    %min3A = arith.minsi %arg0, %sub3A_1 : i32
    %max3A = arith.constant 0 : i32
    %max3A_2 = arith.maxsi %min3A, %max3A : i32
    %get3A_3 = arith.index_cast %max3A_2 : i32 to index
    %get3A_4 = memref.load %arg1[%get3A_3] : memref<128xi32, #tpu.memory_space<smem>>
    %c0_i32 = arith.constant 0 : i32
    %c0_i32_5 = arith.constant 0 : i32
    %c0_i32_6 = arith.constant 0 : i32
    return %get3A_4, %c0_i32, %c0_i32_5 : i32, i32, i32
  }
  func.func @transform_4(%arg0: i32, %arg1: memref<128xi32, #tpu.memory_space<smem>>, %arg2: memref<1xi32, #tpu.memory_space<smem>>) -> (i32, i32, i32) {
    %get3A = arith.constant 0 : index
    %get3A_0 = memref.load %arg2[%get3A] : memref<1xi32, #tpu.memory_space<smem>>
    %sub3A = arith.constant 1 : i32
    %sub3A_1 = arith.subi %get3A_0, %sub3A : i32
    %min3A = arith.minsi %arg0, %sub3A_1 : i32
    %max3A = arith.constant 0 : i32
    %max3A_2 = arith.maxsi %min3A, %max3A : i32
    %get3A_3 = arith.index_cast %max3A_2 : i32 to index
    %get3A_4 = memref.load %arg1[%get3A_3] : memref<128xi32, #tpu.memory_space<smem>>
    %c0_i32 = arith.constant 0 : i32
    %c0_i32_5 = arith.constant 0 : i32
    %c0_i32_6 = arith.constant 0 : i32
    return %get3A_4, %c0_i32, %c0_i32_5 : i32, i32, i32
  }
  func.func @transform_5(%arg0: i32, %arg1: memref<128xi32, #tpu.memory_space<smem>>, %arg2: memref<1xi32, #tpu.memory_space<smem>>) -> (i32, i32) {
    %get3A = arith.constant 0 : index
    %get3A_0 = memref.load %arg2[%get3A] : memref<1xi32, #tpu.memory_space<smem>>
    %sub3A = arith.constant 1 : i32
    %sub3A_1 = arith.subi %get3A_0, %sub3A : i32
    %min3A = arith.minsi %arg0, %sub3A_1 : i32
    %max3A = arith.constant 0 : i32
    %max3A_2 = arith.maxsi %min3A, %max3A : i32
    %c0_i32 = arith.constant 0 : i32
    %c0_i32_3 = arith.constant 0 : i32
    return %max3A_2, %c0_i32 : i32, i32
  }
}

</mosaic_0001>

<sc_bundles>
// kernel: kernel.6.cloned.1.call-start
scs
__scs_entry_jumppad:
0x0: {  	(pc) =	sbr.rel $0x88, $3  }
0x1: {  	(tag) =	ssettag $0x0;
	lr =	simm.s32 $0x1  }
0x2: {  	[smem:$0x3F9B] =	sst lr;
	_ =	strace $0xD0000000  }
0x3: {  	_ = 	snop  }
0x4: {  	_ = 	snop  }
0x5: {  	_ = 	snop  }
0x6: {  	_ = 	snop  }
0x7: {  	_ = 	snop  }
__scs_overlays_trampoline_lowered:
0x8: {  	[smem:$0x3FAA] =	sst s0  }
0x9: {  	[smem:$0x3FAB] =	sst s1  }
0xa: {  	[smem:$0x3FAC] =	sst s2  }
0xb: {  	[smem:$0x3FAD] =	sst s3  }
0xc: {  	[smem:$0x3FAE] =	sst s4  }
0xd: {  	[smem:$0x3FAF] =	sst s5  }
0xe: {  	[smem:$0x3FB0] =	sst s6  }
0xf: {  	[smem:$0x3FB1] =	sst s7  }
0x10: {  	[smem:$0x3FB2] =	sst s8  }
0x11: {  	[smem:$0x3FB3] =	sst s9;
	s0 =	simm.s32 @!p0 $0x0  }
0x12: {  	s1 =	sld [smem:$0x3F99];
	s0 =	simm.s32 @p0 $0x1  }
0x13: {  	[smem:$0x3FB4] =	sst s0;
	s0 =	simm.s32 @!p1 $0x0  }
0x14: {  	s2 =	sld [smem:$0x3F98];
	s0 =	simm.s32 @p1 $0x1  }
0x15: {  	[smem:$0x3FB5] =	sst s0;
	s0 =	simm.s32 @!p2 $0x0  }
0x16: {  	s3 =	sld [smem:$0x3FDB];
	s0 =	simm.s32 @p2 $0x1  }
0x17: {  	s4 =	simm.s32 $0x1BF5;
	[smem:$0x3FB7] =	sst s0  }
0x18: {  	s0 =	sld [smem:$0x3F9A];
	_ =	swait.ge [sflag:s4], $0x0  }
0x19: {  	s7 =	sld [smem:$0x3F9B]  }
0x1a: {  	s8 =	sadd.s32 $0xFFFFE003, lr  }
0x1b: {  	s9 =	sadd.s32 $0xFFFFFEF7, lr;
	s5 =	simm.s32 $0xFFFFFFFF;
	p2 =	slt.u32 s8, $0xFFFFF086  }
0x1c: {  	p1 =	slt.u32 s9, $0xF7A;
	s5 =	simm.s32 @!p2 $0x0  }
0x1d: {  	s5 =	simm.s32 @p1 $0x1;
	p0 =	seq.s32 s7, s2  }
0x1e: {  	s7 =	smul.u32 @!p0 $0xF7A, s2;
	p2 =	seq.s32 @!p0 s5, $0x0  }
0x1f: {  	s9 =	smul.u32 $0xF7A, s1;
	s8 =	simm.s32 @!p0 $0x1BF5;
	p2 =	por !p2, p0  }
0x20: {  	[sflag:s8] =	ssyncset.s32 @!p0 $0xFFFFF086;
	s6 =	sadd.s32 @!p0 s3, s7;
	s7 =	simm.s32 @!p0 $0x108  }
0x21: {  	s3 =	sadd.s32 s3, s9;
	s6 =	sadd.s32 @!p0 $0x88, s6;
	s7 =	simm.s32 @p2 $0x1082  }
0x22: {  	[simem:s7], [sflag:s8] =	dma.local @!p0 [hbm:s6], $0xF7A  }
0x23: {  	s9 =	sor.u32 $0xD0000000, s2;
	s6 =	simm.s32 $0x108;
	_ =	swait.ge @!p0 [sflag:s8], $0x0  }
0x24: {  	s3 =	sadd.s32 $0x88, s3;
	s6 =	simm.s32 @!p1 $0x1082;
	[sflag:s4] =	ssyncset.s32 $0xFFFFF086  }
0x25: {  	[simem:s6], [sflag:s4] =	dma.local [hbm:s3], $0xF7A  }
0x26: {  	[smem:$0x3F9B] =	sst s1;
	(tag) =	ssettag s2;
	_ =	strace s9  }
0x27: {  	s1 =	sld [smem:$0x3FAB]  }
0x28: {  	s2 =	sld [smem:$0x3FAC]  }
0x29: {  	s4 =	sld [smem:$0x3FAE]  }
0x2a: {  	p0 =	seq.s32 s5, $0x0;
	s5 =	sld [smem:$0x3FAF]  }
0x2b: {  	s6 =	sld [smem:$0x3FB0]  }
0x2c: {  	s7 =	sld [smem:$0x3FB1]  }
0x2d: {  	s3 =	simm.s32 $0x108;
	s8 =	sld [smem:$0x3FB2]  }
0x2e: {  	s3 =	simm.s32 @!p0 $0x1082;
	s9 =	sld [smem:$0x3FB3]  }
0x2f: {  	lr =	sadd.s32 s0, s3;
	s0 =	sld [smem:$0x3FAA]  }
0x30: {  	s3 =	sld [smem:$0x3FAD]  }
0x31: {  	[smem:$0x3FB6] =	sst s10  }
0x32: {  	s10 =	sld [smem:$0x3FB4];
	_ =	sdelay $0x3  }
0x33: {  	p0 =	seq.s32 s10, $0x1;
	s10 =	sld [smem:$0x3FB6];
	_ =	sdelay $0x3  }
0x34: {  	[smem:$0x3FB6] =	sst s10  }
0x35: {  	s10 =	sld [smem:$0x3FB5];
	_ =	sdelay $0x3  }
0x36: {  	p1 =	seq.s32 s10, $0x1;
	s10 =	sld [smem:$0x3FB6];
	_ =	sdelay $0x3  }
0x37: {  	[smem:$0x3FB6] =	sst s10  }
0x38: {  	s10 =	sld [smem:$0x3FB7]  }
0x39: {  	_ = 	snop;
	(pc) =	sbr.ind lr, $3  }
0x3a: {  	_ = 	snop  }
0x3b: {  	_ = 	snop  }
0x3c: {  	p2 =	seq.s32 s10, $0x1;
	s10 =	sld [smem:$0x3FB6]  }
0x3d: {  	_ =	shalt  }
0x3e: {  	_ =	shalt  }
0x3f: {  	_ =	shalt  }
0x40: {  	_ =	shalt  }
0x41: {  	_ =	shalt  }
0x42: {  	_ =	shalt  }
0x43: {  	_ =	shalt  }
0x44: {  	_ =	shalt  }
0x45: {  	_ =	shalt  }
0x46: {  	_ =	shalt  }
0x47: {  	_ =	shalt  }
0x48: {  	_ =	shalt  }
0x49: {  	_ =	shalt  }
0x4a: {  	_ =	shalt  }
0x4b: {  	_ =	shalt  }
0x4c: {  	_ =	shalt  }
0x4d: {  	_ =	shalt  }
0x4e: {  	_ =	shalt  }
0x4f: {  	_ =	shalt  }
0x50: {  	_ =	shalt  }
0x51: {  	_ =	shalt  }
0x52: {  	_ =	shalt  }
0x53: {  	_ =	shalt  }
0x54: {  	_ =	shalt  }
0x55: {  	_ =	shalt  }
0x56: {  	_ =	shalt  }
0x57: {  	_ =	shalt  }
0x58: {  	_ =	shalt  }
0x59: {  	_ =	shalt  }
0x5a: {  	_ =	shalt  }
0x5b: {  	_ =	shalt  }
0x5c: {  	_ =	shalt  }
0x5d: {  	_ =	shalt  }
0x5e: {  	_ =	shalt  }
0x5f: {  	_ =	shalt  }
0x60: {  	_ =	shalt  }
0x61: {  	_ =	shalt  }
0x62: {  	_ =	shalt  }
0x63: {  	_ =	shalt  }
0x64: {  	_ =	shalt  }
0x65: {  	_ =	shalt  }
0x66: {  	_ =	shalt  }
0x67: {  	_ =	shalt  }
0x68: {  	_ =	shalt  }
0x69: {  	_ =	shalt  }
0x6a: {  	_ =	shalt  }
0x6b: {  	_ =	shalt  }
0x6c: {  	_ =	shalt  }
0x6d: {  	_ =	shalt  }
0x6e: {  	_ =	shalt  }
0x6f: {  	_ =	shalt  }
0x70: {  	_ =	shalt  }
0x71: {  	_ =	shalt  }
0x72: {  	_ =	shalt  }
0x73: {  	_ =	shalt  }
0x74: {  	_ =	shalt  }
0x75: {  	_ =	shalt  }
0x76: {  	_ =	shalt  }
0x77: {  	_ =	shalt  }
0x78: {  	_ =	shalt  }
0x79: {  	_ =	shalt  }
0x7a: {  	_ =	shalt  }
0x7b: {  	_ =	shalt  }
0x7c: {  	_ =	shalt  }
0x7d: {  	_ =	shalt  }
0x7e: {  	_ =	shalt  }
0x7f: {  	_ =	shalt  }
0x80: {  	_ =	shalt  }
0x81: {  	_ =	shalt  }
0x82: {  	_ =	shalt  }
0x83: {  	_ =	shalt  }
0x84: {  	_ =	shalt  }
0x85: {  	_ =	shalt  }
0x86: {  	_ =	shalt  }
0x87: {  	_ =	shalt  }
.Lfunc_end0:
.L_simem_size_0:
called_computation_lowered:
.L_overlay_start_0:
0x88: {  	s2 =	sld [smem:$0x3FD9]  }
0x89: {  	s3 =	sld [smem:$0x3FFE];
	_ =	sdelay $0x1  }
0x8a: {  	s1 =	srdreg.scid  }
0x8b: {  	s0 =	sand.u32 $0x1, s1  }
0x8c: {  	s17 =	sshll.u32 s0, $0xA;
	s2 =	sadd.s32 s3, s2  }
0x8d: {  	s2 =	sadd.s32 s2, s17  }
0x8e: {  	[smem:$0x3FC2] =	sst s2  }
0x8f: {  	_ = 	snop  }
0x90: {  	s2 =	sld [smem:$0x3FC9]  }
0x91: {  	s18 =	sld [smem:$0x3FD0];
	(tm) =	ssettm $0x1  }
0x92: {  	s4 =	sld [smem:$0x3FFB];
	_ =	sdelay $0x3  }
0x93: {  	_ =	strace s4  }
0x94: {  	s4 =	sld [smem:$0x3FFC];
	_ =	sdelay $0x3  }
0x95: {  	_ =	strace s4  }
0x96: {  	s4 =	sld [smem:$0x3FFD];
	_ =	sdelay $0x3  }
0x97: {  	_ =	strace s4  }
0x98: {  	_ =	strace $0x8FFFFFFF  }
0x99: {  	s19 =	sld [smem:$0x3FDB];
	_ =	sdelay $0x1  }
0x9a: {  	s5 =	simm.s32 $_scs_section_size  }
0x9b: {  	s6 =	simm.s32 $_size__tile_overlayer_lowered;
	s7 =	simm.s32 $_tile_overlayer_lowered  }
0x9c: {  	s22 =	simm.s32 $0x1BFF;
	s21 =	sshll.u32 s7, $0x1;
	s4 =	sadd.s32 s5, s19  }
0x9d: {  	s8 =	simm.s32 $0x0;
	s20 =	sshll.u32 s6, $0x1;
	s6 =	sadd.s32 s21, s4  }
0x9e: {  	[timem:s8], [sflag:s22] =	dma.local [hbm:s6], s20  }
0x9f: {  	_ =	swait.ge [sflag:s22], s20  }
0xa0: {  	s5 =	ssub.s32 $0x0, s20;
	[sflag:s22] =	ssyncset.done $0x0  }
0xa1: {  	[sflag:s22] =	ssyncadd.s32 s5;
	_ =	sdelay $0x1  }
0xa2: {  	s23 =	simm.s32 $0x1B8B  }
0xa3: {  	_ =	swait.ge [sflag:s23], $0x1  }
0xa4: {  	[sflag:s23] =	ssyncset.done $0x0  }
0xa5: {  	s25 =	simm.s32 $0x1B8E;
	s24 =	sld [smem:$0x3FFE];
	[sflag:s23] =	ssyncadd.s32 $0xFFFFFFFF  }
0xa6: {  	s26 =	simm.s32 $execute0_lowered;
	[smem:$0x3FD2] =	sst s25  }
0xa7: {  	s6 =	sshll.u32 s26, $0x1;
	_ =	strace $0x80000046;
	[dreg:$0x1] =	wrdreg $0xFFFFFFFF  }
0xa8: {  	s28 =	simm.s32 $_size_execute0_lowered;
	s4 =	sadd.s32 s4, s6;
	[dreg:$0x0] =	wrdreg $0x0  }
0xa9: {  	s6 =	sshll.u32 s28, $0x1;
	[dreg:$0x2] =	wrdreg s4  }
0xaa: {  	[dreg:$0x3] =	wrdreg s6  }
0xab: {  	[dreg:$0x4] =	wrdreg $0xC0  }
0xac: {  	_ =	task [dreg:s8], $0x5FFFF  }
0xad: {  	[dreg:$0x1] =	wrdreg $0xFFFFFFFF  }
0xae: {  	[dreg:$0x0] =	wrdreg $0x60  }
0xaf: {  	[dreg:$0x2] =	wrdreg s2  }
0xb0: {  	[dreg:$0x3] =	wrdreg s18  }
0xb1: {  	[dreg:$0x4] =	wrdreg s24  }
0xb2: {  	[dreg:$0x5] =	wrdreg $0x9  }
0xb3: {  	_ =	task.clear_ibuf [dreg:s8], $0x6FFFF;
	_ =	strace $0x90000046  }
0xb4: {  	s29 =	simm.s32 $0x9;
	_ =	strace $0x80000048  }
0xb5: {  	_ =	swait.ge [sflag:s29], $0x1  }
0xb6: {  	[sflag:s29] =	ssyncadd.s32 $0xFFFFFFFF  }
0xb7: {  	_ =	strace $0x90000048  }
0xb8: {  	_ =	sfence  }
0xb9: {  	s30 =	sld [smem:$0x0];
	_ =	sdelay $0x2  }
0xba: {  	s31 =	sshll.u32 s1, $0xD;
	s1 =	sshrl.u32 s1, $0x2  }
0xbb: {  	s3 =	sand.u32 $0x4000, s31;
	s1 =	sadd.s32 s1, s30  }
0xbc: {  	s0 =	sor.u32 s3, s0;
	s1 =	sshll.u32 s1, $0x11  }
0xbd: {  	s0 =	sor.u32 s1, s0  }
0xbe: {  	s0 =	sadd.s32 $0x8F2B, s0  }
0xbf: {  	[sflag:s0] =	ssyncadd.remote.s32 $0x1  }
0xc0: {  	_ =	sfence.sel $0xFFFF  }
0xc1: {  	[dreg:$0x0] =	wrdreg $0xFFFFFFFF;
	(pc) =	sbr.abs _section_cstart, $3  }
0xc2: {  	[dreg:$0x1] =	wrdreg $0xFFFFFFFF  }
0xc3: {  	_ =	task.clear_ibuf [dreg:s8], $0x2FFFF;
	_ =	strace $0x9FFFFFFF  }
0xc4: {  	(tm) =	ssettm $0x7FFFFFFF  }
0xc5: {  	_ =	shalt  }
tec
execute0_lowered:
.L_overlay_start_1:
0x0: {  	(tag) =	ssettag $0x1  }
0x1: {  	s1 =	rddreg [dreg:$0x0];
	s0 =	srdreg.scid  }
0x2: {  	s2 =	rddreg [dreg:$0x1];
	s3 =	stileid.u32  }
0x3: {  	s4 =	rddreg [dreg:$0x2];
	s17 =	simm.s32 $0x1;
	s31 =	simm.s32 $0x3  }
0x4: {  	s9 =	simm.s32 $0x11100;
	s10 =	simm.s32 $0x11900;
	s11 =	simm.s32 $0x12100  }
0x5: {  	s12 =	simm.s32 $0x12900;
	s13 =	simm.s32 $0x13100;
	s14 =	simm.s32 $0x13900  }
0x6: {  	s15 =	simm.s32 $0x14100;
	s16 =	simm.s32 $0x14900;
	s0 =	sand.u32 $0x1, s0  }
0x7: {  	s28 =	simm.s32 $0x16900;
	s5 =	sshll.u32 s3, $0x9;
	s6 =	sshll.u32 s0, $0x8  }
0x8: {  	s29 =	simm.s32 $0x17100;
	s30 =	simm.s32 $0x17900;
	s5 =	sor.u32 s6, s5  }
0x9: {  	s3 =	simm.s32 $0x0;
	s6 =	sshll.u32 s5, $0x7;
	s5 =	sshrl.u32 s5, $0x3  }
0xa: {  	[smem:$0x7FF] =	sst s3;
	s7 =	sadd.s32 s6, s4;
	s2 =	sadd.s32 s2, s5  }
0xb: {  	_ =	strace $0x80000047;
	[dreg:$0x4] =	wrdreg s2;
	s18 =	sadd.s32 $0x200, s7  }
0xc: {  	s0 =	ssub.s32 $0x2, s0;
	s19 =	sadd.s32 $0x1200, s7;
	[dreg:$0x5] =	wrdreg s18  }
0xd: {  	s21 =	sshrl.u32 s0, $0x1;
	s20 =	sadd.s32 $0x2200, s7;
	[dreg:$0x6] =	wrdreg s19  }
0xe: {  	s0 =	ssub.s32 s0, s21;
	s22 =	sadd.s32 $0x3200, s7;
	[dreg:$0x7] =	wrdreg s20  }
0xf: {  	s21 =	simm.s32 $0x15900;
	s23 =	sadd.s32 $0x4200, s7;
	[dreg:$0x8] =	wrdreg s22  }
0x10: {  	s4 =	sadd.s32 $0x100, s1;
	s24 =	sadd.s32 $0x5200, s7;
	[dreg:$0x9] =	wrdreg s23  }
0x11: {  	s5 =	sadd.s32 $0x200, s1;
	s25 =	sadd.s32 $0x6200, s7;
	[dreg:$0xa] =	wrdreg s24  }
0x12: {  	s6 =	sadd.s32 $0x300, s1;
	s26 =	sadd.s32 $0x7200, s7;
	[dreg:$0xb] =	wrdreg s25  }
0x13: {  	v2 =	vlaneseq.u32;
	s7 =	smax.u32 s0, $0x1;
	[dreg:$0xc] =	wrdreg s26;
	s19 =	simm.s32 $0x2  }
0x14: {  	vm0 =	vmmov $0xffff;
	v1 =	vshrl.u32 v2, $0x3;
	s20 =	simm.s32 $0x4;
	s22 =	simm.s32 $0x5;
	s23 =	simm.s32 $0x6  }
0x15: {  	v0 =	vand.u32 $0x7, v2;
	v2 =	vor.u32 $0x8, v2;
	v1 =	vmul.u32 $0x8, v1;
	s25 =	simm.s32 $0x100;
	s18 =	simm.s32 $0x15100;
	s26 =	simm.s32 $0x16100  }
.LBB2_1:
0x16: {  	s24 =	rddreg [dreg:$0x4];
	s8 =	simm.s32 $0x7  }
0x17: {  	[tilespmem:s3], [sflag:$0x7] =	stream.linear.gather [hbm4b:s24+s3], $0x100, $0x38;
	[tilespmem:$0x18100] =	vst v63  }
0x18: {  	_ =	swait.ge [sflag:s8], $0x100  }
0x19: {  	[sflag:s8] =	ssyncset.done $0x0  }
0x1a: {  	[sflag:s8] =	ssyncadd.s32 $0xFFFFFF00  }
0x1b: {  	v3 =	vld [tilespmem:$0x0];
	_ =	sdelay $0x4  }
0x1c: {  	v4 =	vshll.u32 v3, $0x3  }
0x1d: {  	v3 =	vand.u32 $0x7, v3;
	v4 =	vand.u32 $0xFFFFFFC0, v4  }
0x1e: {  	v3 =	vor.u32 v3, v4  }
0x1f: {  	v4 =	vperm.xlane v3, v0;
	_ =	sdelay $0x1  }
0x20: {  	v4 =	vadd.s32 v1, v4;
	_ =	sdelay $0x4  }
0x21: {  	[tilespmem:s25], [sflag:$0x1] =	stream.indirect_vreg.gather [hbm4b:s1+s3], $0x80, v4, vm0, $0xb8;
	[tilespmem:$0x18100] =	vst v63  }
0x22: {  	s0 =	simm.s32 $0x900;
	v3 =	vperm.xlane v3, v2  }
0x23: {  	[tilespmem:s0], [sflag:$0x1] =	stream.indirect_vreg.gather [hbm4b:s4+s3], $0x80, v4, vm0, $0xb8;
	[tilespmem:$0x18100] =	vst v63  }
0x24: {  	s24 =	simm.s32 $0x1100;
	v3 =	vadd.s32 v1, v3  }
0x25: {  	[tilespmem:s24], [sflag:$0x1] =	stream.indirect_vreg.gather [hbm4b:s5+s3], $0x80, v4, vm0, $0xb8;
	[tilespmem:$0x18100] =	vst v63  }
0x26: {  	s2 =	simm.s32 $0x1900  }
0x27: {  	[tilespmem:s2], [sflag:$0x1] =	stream.indirect_vreg.gather [hbm4b:s6+s3], $0x80, v4, vm0, $0xb8;
	[tilespmem:$0x18100] =	vst v63  }
0x28: {  	s8 =	simm.s32 $0x2100  }
0x29: {  	[tilespmem:s8], [sflag:$0x1] =	stream.indirect_vreg.gather [hbm4b:s1+s3], $0x80, v3, vm0, $0xb8;
	[tilespmem:$0x18100] =	vst v63  }
0x2a: {  	s24 =	simm.s32 $0x2900  }
0x2b: {  	[tilespmem:s24], [sflag:$0x1] =	stream.indirect_vreg.gather [hbm4b:s4+s3], $0x80, v3, vm0, $0xb8;
	[tilespmem:$0x18100] =	vst v63  }
0x2c: {  	s2 =	simm.s32 $0x3100  }
0x2d: {  	[tilespmem:s2], [sflag:$0x1] =	stream.indirect_vreg.gather [hbm4b:s5+s3], $0x80, v3, vm0, $0xb8;
	[tilespmem:$0x18100] =	vst v63  }
0x2e: {  	s8 =	simm.s32 $0x3900  }
0x2f: {  	[tilespmem:s8], [sflag:$0x1] =	stream.indirect_vreg.gather [hbm4b:s6+s3], $0x80, v3, vm0, $0xb8;
	[tilespmem:$0x18100] =	vst v63  }
0x30: {  	v3 =	vld [tilespmem:$0x10];
	_ =	sdelay $0x4  }
0x31: {  	v49 =	vshll.u32 v3, $0x3  }
0x32: {  	v3 =	vand.u32 $0x7, v3;
	v4 =	vand.u32 $0xFFFFFFC0, v49  }
0x33: {  	v3 =	vor.u32 v3, v4  }
0x34: {  	v4 =	vperm.xlane v3, v0;
	_ =	sdelay $0x1  }
0x35: {  	v4 =	vadd.s32 v1, v4;
	_ =	sdelay $0x3  }
0x36: {  	s24 =	simm.s32 $0x4100  }
0x37: {  	[tilespmem:s24], [sflag:$0x1] =	stream.indirect_vreg.gather [hbm4b:s1+s3], $0x80, v4, vm0, $0xb8;
	[tilespmem:$0x18100] =	vst v63  }
0x38: {  	s2 =	simm.s32 $0x4900;
	v3 =	vperm.xlane v3, v2  }
0x39: {  	[tilespmem:s2], [sflag:$0x1] =	stream.indirect_vreg.gather [hbm4b:s4+s3], $0x80, v4, vm0, $0xb8;
	[tilespmem:$0x18100] =	vst v63  }
0x3a: {  	s8 =	simm.s32 $0x5100;
	v3 =	vadd.s32 v1, v3  }
0x3b: {  	[tilespmem:s8], [sflag:$0x1] =	stream.indirect_vreg.gather [hbm4b:s5+s3], $0x80, v4, vm0, $0xb8;
	[tilespmem:$0x18100] =	vst v63  }
0x3c: {  	s24 =	simm.s32 $0x5900  }
0x3d: {  	[tilespmem:s24], [sflag:$0x1] =	stream.indirect_vreg.gather [hbm4b:s6+s3], $0x80, v4, vm0, $0xb8;
	[tilespmem:$0x18100] =	vst v63  }
0x3e: {  	s2 =	simm.s32 $0x6100  }
0x3f: {  	[tilespmem:s2], [sflag:$0x1] =	stream.indirect_vreg.gather [hbm4b:s1+s3], $0x80, v3, vm0, $0xb8;
	[tilespmem:$0x18100] =	vst v63  }
0x40: {  	s8 =	simm.s32 $0x6900  }
0x41: {  	[tilespmem:s8], [sflag:$0x1] =	stream.indirect_vreg.gather [hbm4b:s4+s3], $0x80, v3, vm0, $0xb8;
	[tilespmem:$0x18100] =	vst v63  }
0x42: {  	s24 =	simm.s32 $0x7100  }
0x43: {  	[tilespmem:s24], [sflag:$0x1] =	stream.indirect_vreg.gather [hbm4b:s5+s3], $0x80, v3, vm0, $0xb8;
	[tilespmem:$0x18100] =	vst v63  }
0x44: {  	s2 =	simm.s32 $0x7900  }
0x45: {  	[tilespmem:s2], [sflag:$0x1] =	stream.indirect_vreg.gather [hbm4b:s6+s3], $0x80, v3, vm0, $0xb8;
	[tilespmem:$0x18100] =	vst v63  }
0x46: {  	v3 =	vld [tilespmem:$0x20];
	_ =	sdelay $0x4  }
0x47: {  	v50 =	vshll.u32 v3, $0x3  }
0x48: {  	v3 =	vand.u32 $0x7, v3;
	v4 =	vand.u32 $0xFFFFFFC0, v50  }
0x49: {  	v3 =	vor.u32 v3, v4  }
0x4a: {  	v4 =	vperm.xlane v3, v0;
	_ =	sdelay $0x1  }
0x4b: {  	v4 =	vadd.s32 v1, v4;
	_ =	sdelay $0x3  }
0x4c: {  	s0 =	simm.s32 $0x8100  }
0x4d: {  	[tilespmem:s0], [sflag:$0x2] =	stream.indirect_vreg.gather [hbm4b:s1+s3], $0x80, v4, vm0, $0xb8;
	[tilespmem:$0x18100] =	vst v63  }
0x4e: {  	s2 =	simm.s32 $0x8900;
	v3 =	vperm.xlane v3, v2  }
0x4f: {  	[tilespmem:s2], [sflag:$0x2] =	stream.indirect_vreg.gather [hbm4b:s4+s3], $0x80, v4, vm0, $0xb8;
	[tilespmem:$0x18100] =	vst v63  }
0x50: {  	s8 =	simm.s32 $0x9100;
	v3 =	vadd.s32 v1, v3  }
0x51: {  	[tilespmem:s8], [sflag:$0x2] =	stream.indirect_vreg.gather [hbm4b:s5+s3], $0x80, v4, vm0, $0xb8;
	[tilespmem:$0x18100] =	vst v63  }
0x52: {  	s24 =	simm.s32 $0x9900  }
0x53: {  	[tilespmem:s24], [sflag:$0x2] =	stream.indirect_vreg.gather [hbm4b:s6+s3], $0x80, v4, vm0, $0xb8;
	[tilespmem:$0x18100] =	vst v63  }
0x54: {  	s8 =	simm.s32 $0xA100  }
0x55: {  	[tilespmem:s8], [sflag:$0x2] =	stream.indirect_vreg.gather [hbm4b:s1+s3], $0x80, v3, vm0, $0xb8;
	[tilespmem:$0x18100] =	vst v63  }
0x56: {  	s24 =	simm.s32 $0xA900  }
0x57: {  	[tilespmem:s24], [sflag:$0x2] =	stream.indirect_vreg.gather [hbm4b:s4+s3], $0x80, v3, vm0, $0xb8;
	[tilespmem:$0x18100] =	vst v63  }
0x58: {  	s8 =	simm.s32 $0xB100  }
0x59: {  	[tilespmem:s8], [sflag:$0x2] =	stream.indirect_vreg.gather [hbm4b:s5+s3], $0x80, v3, vm0, $0xb8;
	[tilespmem:$0x18100] =	vst v63  }
0x5a: {  	s24 =	simm.s32 $0xB900  }
0x5b: {  	[tilespmem:s24], [sflag:$0x2] =	stream.indirect_vreg.gather [hbm4b:s6+s3], $0x80, v3, vm0, $0xb8;
	[tilespmem:$0x18100] =	vst v63  }
0x5c: {  	v3 =	vld [tilespmem:$0x30];
	_ =	sdelay $0x4  }
0x5d: {  	v51 =	vshll.u32 v3, $0x3  }
0x5e: {  	v3 =	vand.u32 $0x7, v3;
	v4 =	vand.u32 $0xFFFFFFC0, v51  }
0x5f: {  	v3 =	vor.u32 v3, v4  }
0x60: {  	v4 =	vperm.xlane v3, v0;
	_ =	sdelay $0x1  }
0x61: {  	v4 =	vadd.s32 v1, v4;
	_ =	sdelay $0x3  }
0x62: {  	s8 =	simm.s32 $0xC100  }
0x63: {  	[tilespmem:s8], [sflag:$0x2] =	stream.indirect_vreg.gather [hbm4b:s1+s3], $0x80, v4, vm0, $0xb8;
	[tilespmem:$0x18100] =	vst v63  }
0x64: {  	s24 =	simm.s32 $0xC900;
	v3 =	vperm.xlane v3, v2  }
0x65: {  	[tilespmem:s24], [sflag:$0x2] =	stream.indirect_vreg.gather [hbm4b:s4+s3], $0x80, v4, vm0, $0xb8;
	[tilespmem:$0x18100] =	vst v63  }
0x66: {  	v3 =	vadd.s32 v1, v3;
	s8 =	simm.s32 $0xD100  }
0x67: {  	[tilespmem:s8], [sflag:$0x2] =	stream.indirect_vreg.gather [hbm4b:s5+s3], $0x80, v4, vm0, $0xb8;
	[tilespmem:$0x18100] =	vst v63  }
0x68: {  	s24 =	simm.s32 $0xD900  }
0x69: {  	[tilespmem:s24], [sflag:$0x2] =	stream.indirect_vreg.gather [hbm4b:s6+s3], $0x80, v4, vm0, $0xb8;
	[tilespmem:$0x18100] =	vst v63  }
0x6a: {  	s8 =	simm.s32 $0xE100  }
0x6b: {  	[tilespmem:s8], [sflag:$0x2] =	stream.indirect_vreg.gather [hbm4b:s1+s3], $0x80, v3, vm0, $0xb8;
	[tilespmem:$0x18100] =	vst v63  }
0x6c: {  	s24 =	simm.s32 $0xE900  }
0x6d: {  	[tilespmem:s24], [sflag:$0x2] =	stream.indirect_vreg.gather [hbm4b:s4+s3], $0x80, v3, vm0, $0xb8;
	[tilespmem:$0x18100] =	vst v63  }
0x6e: {  	s8 =	simm.s32 $0xF100  }
0x6f: {  	[tilespmem:s8], [sflag:$0x2] =	stream.indirect_vreg.gather [hbm4b:s5+s3], $0x80, v3, vm0, $0xb8;
	[tilespmem:$0x18100] =	vst v63  }
0x70: {  	s24 =	simm.s32 $0xF900  }
0x71: {  	[tilespmem:s24], [sflag:$0x2] =	stream.indirect_vreg.gather [hbm4b:s6+s3], $0x80, v3, vm0, $0xb8;
	[tilespmem:$0x18100] =	vst v63  }
0x72: {  	_ =	swait.ge [sflag:s17], $0x8000  }
0x73: {  	[sflag:s17] =	ssyncset.done $0x0  }
0x74: {  	s2 =	rddreg [dreg:$0x5];
	[sflag:s17] =	ssyncadd.s32 $0xFFFF8000  }
0x75: {  	[hbm4b:s2+s3] =	stream.linear.scatter [tilespmem:s25], [sflag:$0x4], $0x8000, $0x38;
	[tilespmem:$0x18100] =	vst v63  }
0x76: {  	v3 =	vld [tilespmem:$0x40];
	_ =	sdelay $0x4  }
0x77: {  	v52 =	vshll.u32 v3, $0x3  }
0x78: {  	v3 =	vand.u32 $0x7, v3;
	v4 =	vand.u32 $0xFFFFFFC0, v52  }
0x79: {  	v3 =	vor.u32 v3, v4  }
0x7a: {  	v4 =	vperm.xlane v3, v0;
	_ =	sdelay $0x1  }
0x7b: {  	v4 =	vadd.s32 v1, v4;
	_ =	sdelay $0x3  }
0x7c: {  	s2 =	simm.s32 $0x10100  }
0x7d: {  	[tilespmem:s2], [sflag:$0x3] =	stream.indirect_vreg.gather [hbm4b:s1+s3], $0x80, v4, vm0, $0xb8;
	[tilespmem:$0x18100] =	vst v63  }
0x7e: {  	s8 =	simm.s32 $0x10900;
	v3 =	vperm.xlane v3, v2  }
0x7f: {  	[tilespmem:s8], [sflag:$0x3] =	stream.indirect_vreg.gather [hbm4b:s4+s3], $0x80, v4, vm0, $0xb8;
	[tilespmem:$0x18100] =	vst v63  }
0x80: {  	v3 =	vadd.s32 v1, v3  }
0x81: {  	[tilespmem:s9], [sflag:$0x3] =	stream.indirect_vreg.gather [hbm4b:s5+s3], $0x80, v4, vm0, $0xb8;
	[tilespmem:$0x18100] =	vst v63  }
0x82: {  	_ = 	snop  }
0x83: {  	[tilespmem:s10], [sflag:$0x3] =	stream.indirect_vreg.gather [hbm4b:s6+s3], $0x80, v4, vm0, $0xb8;
	[tilespmem:$0x18100] =	vst v63  }
0x84: {  	_ = 	snop  }
0x85: {  	[tilespmem:s11], [sflag:$0x3] =	stream.indirect_vreg.gather [hbm4b:s1+s3], $0x80, v3, vm0, $0xb8;
	[tilespmem:$0x18100] =	vst v63  }
0x86: {  	_ = 	snop  }
0x87: {  	[tilespmem:s12], [sflag:$0x3] =	stream.indirect_vreg.gather [hbm4b:s4+s3], $0x80, v3, vm0, $0xb8;
	[tilespmem:$0x18100] =	vst v63  }
0x88: {  	_ = 	snop  }
0x89: {  	[tilespmem:s13], [sflag:$0x3] =	stream.indirect_vreg.gather [hbm4b:s5+s3], $0x80, v3, vm0, $0xb8;
	[tilespmem:$0x18100] =	vst v63  }
0x8a: {  	_ = 	snop  }
0x8b: {  	[tilespmem:s14], [sflag:$0x3] =	stream.indirect_vreg.gather [hbm4b:s6+s3], $0x80, v3, vm0, $0xb8;
	[tilespmem:$0x18100] =	vst v63  }
0x8c: {  	v3 =	vld [tilespmem:$0x50];
	_ =	sdelay $0x4  }
0x8d: {  	v53 =	vshll.u32 v3, $0x3  }
0x8e: {  	v3 =	vand.u32 $0x7, v3;
	v4 =	vand.u32 $0xFFFFFFC0, v53  }
0x8f: {  	v3 =	vor.u32 v3, v4  }
0x90: {  	v4 =	vperm.xlane v3, v0;
	_ =	sdelay $0x1  }
0x91: {  	v4 =	vadd.s32 v1, v4;
	_ =	sdelay $0x4  }
0x92: {  	[tilespmem:s15], [sflag:$0x3] =	stream.indirect_vreg.gather [hbm4b:s1+s3], $0x80, v4, vm0, $0xb8;
	[tilespmem:$0x18100] =	vst v63  }
0x93: {  	v3 =	vperm.xlane v3, v2  }
0x94: {  	[tilespmem:s16], [sflag:$0x3] =	stream.indirect_vreg.gather [hbm4b:s4+s3], $0x80, v4, vm0, $0xb8;
	[tilespmem:$0x18100] =	vst v63  }
0x95: {  	v3 =	vadd.s32 v1, v3  }
0x96: {  	[tilespmem:s18], [sflag:$0x3] =	stream.indirect_vreg.gather [hbm4b:s5+s3], $0x80, v4, vm0, $0xb8;
	[tilespmem:$0x18100] =	vst v63  }
0x97: {  	_ = 	snop  }
0x98: {  	[tilespmem:s21], [sflag:$0x3] =	stream.indirect_vreg.gather [hbm4b:s6+s3], $0x80, v4, vm0, $0xb8;
	[tilespmem:$0x18100] =	vst v63  }
0x99: {  	_ = 	snop  }
0x9a: {  	[tilespmem:s26], [sflag:$0x3] =	stream.indirect_vreg.gather [hbm4b:s1+s3], $0x80, v3, vm0, $0xb8;
	[tilespmem:$0x18100] =	vst v63  }
0x9b: {  	_ = 	snop  }
0x9c: {  	[tilespmem:s28], [sflag:$0x3] =	stream.indirect_vreg.gather [hbm4b:s4+s3], $0x80, v3, vm0, $0xb8;
	[tilespmem:$0x18100] =	vst v63  }
0x9d: {  	_ = 	snop  }
0x9e: {  	[tilespmem:s29], [sflag:$0x3] =	stream.indirect_vreg.gather [hbm4b:s5+s3], $0x80, v3, vm0, $0xb8;
	[tilespmem:$0x18100] =	vst v63  }
0x9f: {  	_ = 	snop  }
0xa0: {  	[tilespmem:s30], [sflag:$0x3] =	stream.indirect_vreg.gather [hbm4b:s6+s3], $0x80, v3, vm0, $0xb8;
	[tilespmem:$0x18100] =	vst v63  }
0xa1: {  	_ =	swait.ge [sflag:s19], $0x8000  }
0xa2: {  	[sflag:s19] =	ssyncset.done $0x0  }
0xa3: {  	s24 =	rddreg [dreg:$0x6];
	[sflag:s19] =	ssyncadd.s32 $0xFFFF8000  }
0xa4: {  	[hbm4b:s24+s3] =	stream.linear.scatter [tilespmem:s0], [sflag:$0x5], $0x8000, $0x38;
	[tilespmem:$0x18100] =	vst v63  }
0xa5: {  	_ =	swait.ge [sflag:s20], $0x8000  }
0xa6: {  	[sflag:s20] =	ssyncset.done $0x0  }
0xa7: {  	[sflag:s20] =	ssyncadd.s32 $0xFFFF8000  }
0xa8: {  	v3 =	vld [tilespmem:$0x60];
	_ =	sdelay $0x4  }
0xa9: {  	v54 =	vshll.u32 v3, $0x3  }
0xaa: {  	v3 =	vand.u32 $0x7, v3;
	v4 =	vand.u32 $0xFFFFFFC0, v54  }
0xab: {  	v3 =	vor.u32 v3, v4  }
0xac: {  	v4 =	vperm.xlane v3, v0;
	_ =	sdelay $0x1  }
0xad: {  	v4 =	vadd.s32 v1, v4;
	_ =	sdelay $0x4  }
0xae: {  	[tilespmem:s25], [sflag:$0x1] =	stream.indirect_vreg.gather [hbm4b:s1+s3], $0x80, v4, vm0, $0xb8;
	[tilespmem:$0x18100] =	vst v63  }
0xaf: {  	s24 =	simm.s32 $0x900;
	v3 =	vperm.xlane v3, v2  }
0xb0: {  	[tilespmem:s24], [sflag:$0x1] =	stream.indirect_vreg.gather [hbm4b:s4+s3], $0x80, v4, vm0, $0xb8;
	[tilespmem:$0x18100] =	vst v63  }
0xb1: {  	v3 =	vadd.s32 v1, v3;
	s24 =	simm.s32 $0x1100  }
0xb2: {  	[tilespmem:s24], [sflag:$0x1] =	stream.indirect_vreg.gather [hbm4b:s5+s3], $0x80, v4, vm0, $0xb8;
	[tilespmem:$0x18100] =	vst v63  }
0xb3: {  	s24 =	simm.s32 $0x1900  }
0xb4: {  	[tilespmem:s24], [sflag:$0x1] =	stream.indirect_vreg.gather [hbm4b:s6+s3], $0x80, v4, vm0, $0xb8;
	[tilespmem:$0x18100] =	vst v63  }
0xb5: {  	s24 =	simm.s32 $0x2100  }
0xb6: {  	[tilespmem:s24], [sflag:$0x1] =	stream.indirect_vreg.gather [hbm4b:s1+s3], $0x80, v3, vm0, $0xb8;
	[tilespmem:$0x18100] =	vst v63  }
0xb7: {  	s24 =	simm.s32 $0x2900  }
0xb8: {  	[tilespmem:s24], [sflag:$0x1] =	stream.indirect_vreg.gather [hbm4b:s4+s3], $0x80, v3, vm0, $0xb8;
	[tilespmem:$0x18100] =	vst v63  }
0xb9: {  	s24 =	simm.s32 $0x3100  }
0xba: {  	[tilespmem:s24], [sflag:$0x1] =	stream.indirect_vreg.gather [hbm4b:s5+s3], $0x80, v3, vm0, $0xb8;
	[tilespmem:$0x18100] =	vst v63  }
0xbb: {  	s24 =	simm.s32 $0x3900  }
0xbc: {  	[tilespmem:s24], [sflag:$0x1] =	stream.indirect_vreg.gather [hbm4b:s6+s3], $0x80, v3, vm0, $0xb8;
	[tilespmem:$0x18100] =	vst v63  }
0xbd: {  	v3 =	vld [tilespmem:$0x70];
	_ =	sdelay $0x4  }
0xbe: {  	v55 =	vshll.u32 v3, $0x3  }
0xbf: {  	v3 =	vand.u32 $0x7, v3;
	v4 =	vand.u32 $0xFFFFFFC0, v55  }
0xc0: {  	v3 =	vor.u32 v3, v4  }
0xc1: {  	v4 =	vperm.xlane v3, v0;
	_ =	sdelay $0x1  }
0xc2: {  	v4 =	vadd.s32 v1, v4;
	_ =	sdelay $0x3  }
0xc3: {  	s24 =	simm.s32 $0x4100  }
0xc4: {  	[tilespmem:s24], [sflag:$0x1] =	stream.indirect_vreg.gather [hbm4b:s1+s3], $0x80, v4, vm0, $0xb8;
	[tilespmem:$0x18100] =	vst v63  }
0xc5: {  	v3 =	vperm.xlane v3, v2;
	s24 =	simm.s32 $0x4900  }
0xc6: {  	[tilespmem:s24], [sflag:$0x1] =	stream.indirect_vreg.gather [hbm4b:s4+s3], $0x80, v4, vm0, $0xb8;
	[tilespmem:$0x18100] =	vst v63  }
0xc7: {  	v3 =	vadd.s32 v1, v3;
	s24 =	simm.s32 $0x5100  }
0xc8: {  	[tilespmem:s24], [sflag:$0x1] =	stream.indirect_vreg.gather [hbm4b:s5+s3], $0x80, v4, vm0, $0xb8;
	[tilespmem:$0x18100] =	vst v63  }
0xc9: {  	s24 =	simm.s32 $0x5900  }
0xca: {  	[tilespmem:s24], [sflag:$0x1] =	stream.indirect_vreg.gather [hbm4b:s6+s3], $0x80, v4, vm0, $0xb8;
	[tilespmem:$0x18100] =	vst v63  }
0xcb: {  	s24 =	simm.s32 $0x6100  }
0xcc: {  	[tilespmem:s24], [sflag:$0x1] =	stream.indirect_vreg.gather [hbm4b:s1+s3], $0x80, v3, vm0, $0xb8;
	[tilespmem:$0x18100] =	vst v63  }
0xcd: {  	s24 =	simm.s32 $0x6900  }
0xce: {  	[tilespmem:s24], [sflag:$0x1] =	stream.indirect_vreg.gather [hbm4b:s4+s3], $0x80, v3, vm0, $0xb8;
	[tilespmem:$0x18100] =	vst v63  }
0xcf: {  	s24 =	simm.s32 $0x7100  }
0xd0: {  	[tilespmem:s24], [sflag:$0x1] =	stream.indirect_vreg.gather [hbm4b:s5+s3], $0x80, v3, vm0, $0xb8;
	[tilespmem:$0x18100] =	vst v63  }
0xd1: {  	s24 =	simm.s32 $0x7900  }
0xd2: {  	[tilespmem:s24], [sflag:$0x1] =	stream.indirect_vreg.gather [hbm4b:s6+s3], $0x80, v3, vm0, $0xb8;
	[tilespmem:$0x18100] =	vst v63  }
0xd3: {  	_ =	swait.ge [sflag:s31], $0x8000  }
0xd4: {  	[sflag:s31] =	ssyncset.done $0x0  }
0xd5: {  	s24 =	rddreg [dreg:$0x7];
	[sflag:s31] =	ssyncadd.s32 $0xFFFF8000  }
0xd6: {  	[hbm4b:s24+s3] =	stream.linear.scatter [tilespmem:s2], [sflag:$0x6], $0x8000, $0x38;
	[tilespmem:$0x18100] =	vst v63  }
0xd7: {  	_ =	swait.ge [sflag:s22], $0x8000  }
0xd8: {  	[sflag:s22] =	ssyncset.done $0x0  }
0xd9: {  	[sflag:s22] =	ssyncadd.s32 $0xFFFF8000  }
0xda: {  	v3 =	vld [tilespmem:$0x80];
	_ =	sdelay $0x4  }
0xdb: {  	v56 =	vshll.u32 v3, $0x3  }
0xdc: {  	v3 =	vand.u32 $0x7, v3;
	v4 =	vand.u32 $0xFFFFFFC0, v56  }
0xdd: {  	v3 =	vor.u32 v3, v4  }
0xde: {  	v4 =	vperm.xlane v3, v0;
	_ =	sdelay $0x1  }
0xdf: {  	v4 =	vadd.s32 v1, v4;
	_ =	sdelay $0x4  }
0xe0: {  	[tilespmem:s0], [sflag:$0x2] =	stream.indirect_vreg.gather [hbm4b:s1+s3], $0x80, v4, vm0, $0xb8;
	[tilespmem:$0x18100] =	vst v63  }
0xe1: {  	s24 =	simm.s32 $0x8900;
	v3 =	vperm.xlane v3, v2  }
0xe2: {  	[tilespmem:s24], [sflag:$0x2] =	stream.indirect_vreg.gather [hbm4b:s4+s3], $0x80, v4, vm0, $0xb8;
	[tilespmem:$0x18100] =	vst v63  }
0xe3: {  	v3 =	vadd.s32 v1, v3;
	s24 =	simm.s32 $0x9100  }
0xe4: {  	[tilespmem:s24], [sflag:$0x2] =	stream.indirect_vreg.gather [hbm4b:s5+s3], $0x80, v4, vm0, $0xb8;
	[tilespmem:$0x18100] =	vst v63  }
0xe5: {  	s24 =	simm.s32 $0x9900  }
0xe6: {  	[tilespmem:s24], [sflag:$0x2] =	stream.indirect_vreg.gather [hbm4b:s6+s3], $0x80, v4, vm0, $0xb8;
	[tilespmem:$0x18100] =	vst v63  }
0xe7: {  	s24 =	simm.s32 $0xA100  }
0xe8: {  	[tilespmem:s24], [sflag:$0x2] =	stream.indirect_vreg.gather [hbm4b:s1+s3], $0x80, v3, vm0, $0xb8;
	[tilespmem:$0x18100] =	vst v63  }
0xe9: {  	s24 =	simm.s32 $0xA900  }
0xea: {  	[tilespmem:s24], [sflag:$0x2] =	stream.indirect_vreg.gather [hbm4b:s4+s3], $0x80, v3, vm0, $0xb8;
	[tilespmem:$0x18100] =	vst v63  }
0xeb: {  	s24 =	simm.s32 $0xB100  }
0xec: {  	[tilespmem:s24], [sflag:$0x2] =	stream.indirect_vreg.gather [hbm4b:s5+s3], $0x80, v3, vm0, $0xb8;
	[tilespmem:$0x18100] =	vst v63  }
0xed: {  	s24 =	simm.s32 $0xB900  }
0xee: {  	[tilespmem:s24], [sflag:$0x2] =	stream.indirect_vreg.gather [hbm4b:s6+s3], $0x80, v3, vm0, $0xb8;
	[tilespmem:$0x18100] =	vst v63  }
0xef: {  	v3 =	vld [tilespmem:$0x90];
	_ =	sdelay $0x4  }
0xf0: {  	v57 =	vshll.u32 v3, $0x3  }
0xf1: {  	v3 =	vand.u32 $0x7, v3;
	v4 =	vand.u32 $0xFFFFFFC0, v57  }
0xf2: {  	v3 =	vor.u32 v3, v4  }
0xf3: {  	v4 =	vperm.xlane v3, v0;
	_ =	sdelay $0x1  }
0xf4: {  	v4 =	vadd.s32 v1, v4;
	_ =	sdelay $0x3  }
0xf5: {  	s24 =	simm.s32 $0xC100  }
0xf6: {  	[tilespmem:s24], [sflag:$0x2] =	stream.indirect_vreg.gather [hbm4b:s1+s3], $0x80, v4, vm0, $0xb8;
	[tilespmem:$0x18100] =	vst v63  }
0xf7: {  	v3 =	vperm.xlane v3, v2;
	s24 =	simm.s32 $0xC900  }
0xf8: {  	[tilespmem:s24], [sflag:$0x2] =	stream.indirect_vreg.gather [hbm4b:s4+s3], $0x80, v4, vm0, $0xb8;
	[tilespmem:$0x18100] =	vst v63  }
0xf9: {  	v3 =	vadd.s32 v1, v3;
	s24 =	simm.s32 $0xD100  }
0xfa: {  	[tilespmem:s24], [sflag:$0x2] =	stream.indirect_vreg.gather [hbm4b:s5+s3], $0x80, v4, vm0, $0xb8;
	[tilespmem:$0x18100] =	vst v63  }
0xfb: {  	s24 =	simm.s32 $0xD900  }
0xfc: {  	[tilespmem:s24], [sflag:$0x2] =	stream.indirect_vreg.gather [hbm4b:s6+s3], $0x80, v4, vm0, $0xb8;
	[tilespmem:$0x18100] =	vst v63  }
0xfd: {  	s24 =	simm.s32 $0xE100  }
0xfe: {  	[tilespmem:s24], [sflag:$0x2] =	stream.indirect_vreg.gather [hbm4b:s1+s3], $0x80, v3, vm0, $0xb8;
	[tilespmem:$0x18100] =	vst v63  }
0xff: {  	s24 =	simm.s32 $0xE900  }
0x100: {  	[tilespmem:s24], [sflag:$0x2] =	stream.indirect_vreg.gather [hbm4b:s4+s3], $0x80, v3, vm0, $0xb8;
	[tilespmem:$0x18100] =	vst v63  }
0x101: {  	s24 =	simm.s32 $0xF100  }
0x102: {  	[tilespmem:s24], [sflag:$0x2] =	stream.indirect_vreg.gather [hbm4b:s5+s3], $0x80, v3, vm0, $0xb8;
	[tilespmem:$0x18100] =	vst v63  }
0x103: {  	s24 =	simm.s32 $0xF900  }
0x104: {  	[tilespmem:s24], [sflag:$0x2] =	stream.indirect_vreg.gather [hbm4b:s6+s3], $0x80, v3, vm0, $0xb8;
	[tilespmem:$0x18100] =	vst v63  }
0x105: {  	_ =	swait.ge [sflag:s17], $0x8000  }
0x106: {  	[sflag:s17] =	ssyncset.done $0x0  }
0x107: {  	s24 =	rddreg [dreg:$0x8];
	[sflag:s17] =	ssyncadd.s32 $0xFFFF8000  }
0x108: {  	[hbm4b:s24+s3] =	stream.linear.scatter [tilespmem:s25], [sflag:$0x4], $0x8000, $0x38;
	[tilespmem:$0x18100] =	vst v63  }
0x109: {  	_ =	swait.ge [sflag:s23], $0x8000  }
0x10a: {  	[sflag:s23] =	ssyncset.done $0x0  }
0x10b: {  	[sflag:s23] =	ssyncadd.s32 $0xFFFF8000  }
0x10c: {  	v3 =	vld [tilespmem:$0xA0];
	_ =	sdelay $0x4  }
0x10d: {  	v58 =	vshll.u32 v3, $0x3  }
0x10e: {  	v3 =	vand.u32 $0x7, v3;
	v4 =	vand.u32 $0xFFFFFFC0, v58  }
0x10f: {  	v3 =	vor.u32 v3, v4  }
0x110: {  	v4 =	vperm.xlane v3, v0;
	_ =	sdelay $0x1  }
0x111: {  	v4 =	vadd.s32 v1, v4;
	_ =	sdelay $0x4  }
0x112: {  	[tilespmem:s2], [sflag:$0x3] =	stream.indirect_vreg.gather [hbm4b:s1+s3], $0x80, v4, vm0, $0xb8;
	[tilespmem:$0x18100] =	vst v63  }
0x113: {  	v3 =	vperm.xlane v3, v2  }
0x114: {  	[tilespmem:s8], [sflag:$0x3] =	stream.indirect_vreg.gather [hbm4b:s4+s3], $0x80, v4, vm0, $0xb8;
	[tilespmem:$0x18100] =	vst v63  }
0x115: {  	v3 =	vadd.s32 v1, v3  }
0x116: {  	[tilespmem:s9], [sflag:$0x3] =	stream.indirect_vreg.gather [hbm4b:s5+s3], $0x80, v4, vm0, $0xb8;
	[tilespmem:$0x18100] =	vst v63  }
0x117: {  	_ = 	snop  }
0x118: {  	[tilespmem:s10], [sflag:$0x3] =	stream.indirect_vreg.gather [hbm4b:s6+s3], $0x80, v4, vm0, $0xb8;
	[tilespmem:$0x18100] =	vst v63  }
0x119: {  	_ = 	snop  }
0x11a: {  	[tilespmem:s11], [sflag:$0x3] =	stream.indirect_vreg.gather [hbm4b:s1+s3], $0x80, v3, vm0, $0xb8;
	[tilespmem:$0x18100] =	vst v63  }
0x11b: {  	_ = 	snop  }
0x11c: {  	[tilespmem:s12], [sflag:$0x3] =	stream.indirect_vreg.gather [hbm4b:s4+s3], $0x80, v3, vm0, $0xb8;
	[tilespmem:$0x18100] =	vst v63  }
0x11d: {  	_ = 	snop  }
0x11e: {  	[tilespmem:s13], [sflag:$0x3] =	stream.indirect_vreg.gather [hbm4b:s5+s3], $0x80, v3, vm0, $0xb8;
	[tilespmem:$0x18100] =	vst v63  }
0x11f: {  	_ = 	snop  }
0x120: {  	[tilespmem:s14], [sflag:$0x3] =	stream.indirect_vreg.gather [hbm4b:s6+s3], $0x80, v3, vm0, $0xb8;
	[tilespmem:$0x18100] =	vst v63  }
0x121: {  	v3 =	vld [tilespmem:$0xB0];
	_ =	sdelay $0x4  }
0x122: {  	v59 =	vshll.u32 v3, $0x3  }
0x123: {  	v3 =	vand.u32 $0x7, v3;
	v4 =	vand.u32 $0xFFFFFFC0, v59  }
0x124: {  	v3 =	vor.u32 v3, v4  }
0x125: {  	v4 =	vperm.xlane v3, v0;
	_ =	sdelay $0x1  }
0x126: {  	v4 =	vadd.s32 v1, v4;
	_ =	sdelay $0x4  }
0x127: {  	[tilespmem:s15], [sflag:$0x3] =	stream.indirect_vreg.gather [hbm4b:s1+s3], $0x80, v4, vm0, $0xb8;
	[tilespmem:$0x18100] =	vst v63  }
0x128: {  	v3 =	vperm.xlane v3, v2  }
0x129: {  	[tilespmem:s16], [sflag:$0x3] =	stream.indirect_vreg.gather [hbm4b:s4+s3], $0x80, v4, vm0, $0xb8;
	[tilespmem:$0x18100] =	vst v63  }
0x12a: {  	v3 =	vadd.s32 v1, v3  }
0x12b: {  	[tilespmem:s18], [sflag:$0x3] =	stream.indirect_vreg.gather [hbm4b:s5+s3], $0x80, v4, vm0, $0xb8;
	[tilespmem:$0x18100] =	vst v63  }
0x12c: {  	_ = 	snop  }
0x12d: {  	[tilespmem:s21], [sflag:$0x3] =	stream.indirect_vreg.gather [hbm4b:s6+s3], $0x80, v4, vm0, $0xb8;
	[tilespmem:$0x18100] =	vst v63  }
0x12e: {  	_ = 	snop  }
0x12f: {  	[tilespmem:s26], [sflag:$0x3] =	stream.indirect_vreg.gather [hbm4b:s1+s3], $0x80, v3, vm0, $0xb8;
	[tilespmem:$0x18100] =	vst v63  }
0x130: {  	_ = 	snop  }
0x131: {  	[tilespmem:s28], [sflag:$0x3] =	stream.indirect_vreg.gather [hbm4b:s4+s3], $0x80, v3, vm0, $0xb8;
	[tilespmem:$0x18100] =	vst v63  }
0x132: {  	_ = 	snop  }
0x133: {  	[tilespmem:s29], [sflag:$0x3] =	stream.indirect_vreg.gather [hbm4b:s5+s3], $0x80, v3, vm0, $0xb8;
	[tilespmem:$0x18100] =	vst v63  }
0x134: {  	_ = 	snop  }
0x135: {  	[tilespmem:s30], [sflag:$0x3] =	stream.indirect_vreg.gather [hbm4b:s6+s3], $0x80, v3, vm0, $0xb8;
	[tilespmem:$0x18100] =	vst v63  }
0x136: {  	_ =	swait.ge [sflag:s19], $0x8000  }
0x137: {  	[sflag:s19] =	ssyncset.done $0x0  }
0x138: {  	s8 =	rddreg [dreg:$0x9];
	[sflag:s19] =	ssyncadd.s32 $0xFFFF8000  }
0x139: {  	[hbm4b:s8+s3] =	stream.linear.scatter [tilespmem:s0], [sflag:$0x5], $0x8000, $0x38;
	[tilespmem:$0x18100] =	vst v63  }
0x13a: {  	_ =	swait.ge [sflag:s20], $0x8000  }
0x13b: {  	[sflag:s20] =	ssyncset.done $0x0  }
0x13c: {  	[sflag:s20] =	ssyncadd.s32 $0xFFFF8000  }
0x13d: {  	v3 =	vld [tilespmem:$0xC0];
	_ =	sdelay $0x4  }
0x13e: {  	v60 =	vshll.u32 v3, $0x3  }
0x13f: {  	v3 =	vand.u32 $0x7, v3;
	v4 =	vand.u32 $0xFFFFFFC0, v60  }
0x140: {  	v3 =	vor.u32 v3, v4  }
0x141: {  	v4 =	vperm.xlane v3, v0;
	_ =	sdelay $0x1  }
0x142: {  	v4 =	vadd.s32 v1, v4;
	_ =	sdelay $0x4  }
0x143: {  	[tilespmem:s25], [sflag:$0x1] =	stream.indirect_vreg.gather [hbm4b:s1+s3], $0x80, v4, vm0, $0xb8;
	[tilespmem:$0x18100] =	vst v63  }
0x144: {  	s24 =	simm.s32 $0x900;
	v3 =	vperm.xlane v3, v2  }
0x145: {  	[tilespmem:s24], [sflag:$0x1] =	stream.indirect_vreg.gather [hbm4b:s4+s3], $0x80, v4, vm0, $0xb8;
	[tilespmem:$0x18100] =	vst v63  }
0x146: {  	v3 =	vadd.s32 v1, v3;
	s24 =	simm.s32 $0x1100  }
0x147: {  	[tilespmem:s24], [sflag:$0x1] =	stream.indirect_vreg.gather [hbm4b:s5+s3], $0x80, v4, vm0, $0xb8;
	[tilespmem:$0x18100] =	vst v63  }
0x148: {  	s24 =	simm.s32 $0x1900  }
0x149: {  	[tilespmem:s24], [sflag:$0x1] =	stream.indirect_vreg.gather [hbm4b:s6+s3], $0x80, v4, vm0, $0xb8;
	[tilespmem:$0x18100] =	vst v63  }
0x14a: {  	s24 =	simm.s32 $0x2100  }
0x14b: {  	[tilespmem:s24], [sflag:$0x1] =	stream.indirect_vreg.gather [hbm4b:s1+s3], $0x80, v3, vm0, $0xb8;
	[tilespmem:$0x18100] =	vst v63  }
0x14c: {  	s24 =	simm.s32 $0x2900  }
0x14d: {  	[tilespmem:s24], [sflag:$0x1] =	stream.indirect_vreg.gather [hbm4b:s4+s3], $0x80, v3, vm0, $0xb8;
	[tilespmem:$0x18100] =	vst v63  }
0x14e: {  	s24 =	simm.s32 $0x3100  }
0x14f: {  	[tilespmem:s24], [sflag:$0x1] =	stream.indirect_vreg.gather [hbm4b:s5+s3], $0x80, v3, vm0, $0xb8;
	[tilespmem:$0x18100] =	vst v63  }
0x150: {  	s24 =	simm.s32 $0x3900  }
0x151: {  	[tilespmem:s24], [sflag:$0x1] =	stream.indirect_vreg.gather [hbm4b:s6+s3], $0x80, v3, vm0, $0xb8;
	[tilespmem:$0x18100] =	vst v63  }
0x152: {  	v3 =	vld [tilespmem:$0xD0];
	_ =	sdelay $0x4  }
0x153: {  	v61 =	vshll.u32 v3, $0x3  }
0x154: {  	v3 =	vand.u32 $0x7, v3;
	v4 =	vand.u32 $0xFFFFFFC0, v61  }
0x155: {  	v3 =	vor.u32 v3, v4  }
0x156: {  	v4 =	vperm.xlane v3, v0;
	_ =	sdelay $0x1  }
0x157: {  	v4 =	vadd.s32 v1, v4;
	_ =	sdelay $0x3  }
0x158: {  	s24 =	simm.s32 $0x4100  }
0x159: {  	[tilespmem:s24], [sflag:$0x1] =	stream.indirect_vreg.gather [hbm4b:s1+s3], $0x80, v4, vm0, $0xb8;
	[tilespmem:$0x18100] =	vst v63  }
0x15a: {  	v3 =	vperm.xlane v3, v2;
	s24 =	simm.s32 $0x4900  }
0x15b: {  	[tilespmem:s24], [sflag:$0x1] =	stream.indirect_vreg.gather [hbm4b:s4+s3], $0x80, v4, vm0, $0xb8;
	[tilespmem:$0x18100] =	vst v63  }
0x15c: {  	v3 =	vadd.s32 v1, v3;
	s24 =	simm.s32 $0x5100  }
0x15d: {  	[tilespmem:s24], [sflag:$0x1] =	stream.indirect_vreg.gather [hbm4b:s5+s3], $0x80, v4, vm0, $0xb8;
	[tilespmem:$0x18100] =	vst v63  }
0x15e: {  	s24 =	simm.s32 $0x5900  }
0x15f: {  	[tilespmem:s24], [sflag:$0x1] =	stream.indirect_vreg.gather [hbm4b:s6+s3], $0x80, v4, vm0, $0xb8;
	[tilespmem:$0x18100] =	vst v63  }
0x160: {  	s24 =	simm.s32 $0x6100  }
0x161: {  	[tilespmem:s24], [sflag:$0x1] =	stream.indirect_vreg.gather [hbm4b:s1+s3], $0x80, v3, vm0, $0xb8;
	[tilespmem:$0x18100] =	vst v63  }
0x162: {  	s24 =	simm.s32 $0x6900  }
0x163: {  	[tilespmem:s24], [sflag:$0x1] =	stream.indirect_vreg.gather [hbm4b:s4+s3], $0x80, v3, vm0, $0xb8;
	[tilespmem:$0x18100] =	vst v63  }
0x164: {  	s24 =	simm.s32 $0x7100  }
0x165: {  	[tilespmem:s24], [sflag:$0x1] =	stream.indirect_vreg.gather [hbm4b:s5+s3], $0x80, v3, vm0, $0xb8;
	[tilespmem:$0x18100] =	vst v63  }
0x166: {  	s24 =	simm.s32 $0x7900  }
0x167: {  	[tilespmem:s24], [sflag:$0x1] =	stream.indirect_vreg.gather [hbm4b:s6+s3], $0x80, v3, vm0, $0xb8;
	[tilespmem:$0x18100] =	vst v63  }
0x168: {  	_ =	swait.ge [sflag:s31], $0x8000  }
0x169: {  	[sflag:s31] =	ssyncset.done $0x0  }
0x16a: {  	s8 =	rddreg [dreg:$0xa];
	[sflag:s31] =	ssyncadd.s32 $0xFFFF8000  }
0x16b: {  	[hbm4b:s8+s3] =	stream.linear.scatter [tilespmem:s2], [sflag:$0x6], $0x8000, $0x38;
	[tilespmem:$0x18100] =	vst v63  }
0x16c: {  	_ =	swait.ge [sflag:s22], $0x8000  }
0x16d: {  	[sflag:s22] =	ssyncset.done $0x0  }
0x16e: {  	[sflag:s22] =	ssyncadd.s32 $0xFFFF8000  }
0x16f: {  	v3 =	vld [tilespmem:$0xE0];
	_ =	sdelay $0x4  }
0x170: {  	v62 =	vshll.u32 v3, $0x3  }
0x171: {  	v3 =	vand.u32 $0x7, v3;
	v4 =	vand.u32 $0xFFFFFFC0, v62  }
0x172: {  	v3 =	vor.u32 v3, v4  }
0x173: {  	v4 =	vperm.xlane v3, v0;
	_ =	sdelay $0x1  }
0x174: {  	v4 =	vadd.s32 v1, v4;
	_ =	sdelay $0x4  }
0x175: {  	[tilespmem:s0], [sflag:$0x2] =	stream.indirect_vreg.gather [hbm4b:s1+s3], $0x80, v4, vm0, $0xb8;
	[tilespmem:$0x18100] =	vst v63  }
0x176: {  	s24 =	simm.s32 $0x8900;
	v3 =	vperm.xlane v3, v2  }
0x177: {  	[tilespmem:s24], [sflag:$0x2] =	stream.indirect_vreg.gather [hbm4b:s4+s3], $0x80, v4, vm0, $0xb8;
	[tilespmem:$0x18100] =	vst v63  }
0x178: {  	s8 =	simm.s32 $0x9100;
	v3 =	vadd.s32 v1, v3  }
0x179: {  	[tilespmem:s8], [sflag:$0x2] =	stream.indirect_vreg.gather [hbm4b:s5+s3], $0x80, v4, vm0, $0xb8;
	[tilespmem:$0x18100] =	vst v63  }
0x17a: {  	s24 =	simm.s32 $0x9900  }
0x17b: {  	[tilespmem:s24], [sflag:$0x2] =	stream.indirect_vreg.gather [hbm4b:s6+s3], $0x80, v4, vm0, $0xb8;
	[tilespmem:$0x18100] =	vst v63  }
0x17c: {  	s8 =	simm.s32 $0xA100  }
0x17d: {  	[tilespmem:s8], [sflag:$0x2] =	stream.indirect_vreg.gather [hbm4b:s1+s3], $0x80, v3, vm0, $0xb8;
	[tilespmem:$0x18100] =	vst v63  }
0x17e: {  	s24 =	simm.s32 $0xA900  }
0x17f: {  	[tilespmem:s24], [sflag:$0x2] =	stream.indirect_vreg.gather [hbm4b:s4+s3], $0x80, v3, vm0, $0xb8;
	[tilespmem:$0x18100] =	vst v63  }
0x180: {  	s8 =	simm.s32 $0xB100  }
0x181: {  	[tilespmem:s8], [sflag:$0x2] =	stream.indirect_vreg.gather [hbm4b:s5+s3], $0x80, v3, vm0, $0xb8;
	[tilespmem:$0x18100] =	vst v63  }
0x182: {  	s24 =	simm.s32 $0xB900  }
0x183: {  	[tilespmem:s24], [sflag:$0x2] =	stream.indirect_vreg.gather [hbm4b:s6+s3], $0x80, v3, vm0, $0xb8;
	[tilespmem:$0x18100] =	vst v63  }
0x184: {  	v3 =	vld [tilespmem:$0xF0];
	_ =	sdelay $0x4  }
0x185: {  	v63 =	vshll.u32 v3, $0x3  }
0x186: {  	v3 =	vand.u32 $0x7, v3;
	v4 =	vand.u32 $0xFFFFFFC0, v63  }
0x187: {  	v3 =	vor.u32 v3, v4  }
0x188: {  	v4 =	vperm.xlane v3, v0;
	_ =	sdelay $0x1  }
0x189: {  	v4 =	vadd.s32 v1, v4;
	_ =	sdelay $0x3  }
0x18a: {  	s8 =	simm.s32 $0xC100  }
0x18b: {  	[tilespmem:s8], [sflag:$0x2] =	stream.indirect_vreg.gather [hbm4b:s1+s3], $0x80, v4, vm0, $0xb8;
	[tilespmem:$0x18100] =	vst v63  }
0x18c: {  	s24 =	simm.s32 $0xC900;
	v3 =	vperm.xlane v3, v2  }
0x18d: {  	[tilespmem:s24], [sflag:$0x2] =	stream.indirect_vreg.gather [hbm4b:s4+s3], $0x80, v4, vm0, $0xb8;
	[tilespmem:$0x18100] =	vst v63  }
0x18e: {  	v3 =	vadd.s32 v1, v3;
	s8 =	simm.s32 $0xD100  }
0x18f: {  	[tilespmem:s8], [sflag:$0x2] =	stream.indirect_vreg.gather [hbm4b:s5+s3], $0x80, v4, vm0, $0xb8;
	[tilespmem:$0x18100] =	vst v63  }
0x190: {  	s24 =	simm.s32 $0xD900  }
0x191: {  	[tilespmem:s24], [sflag:$0x2] =	stream.indirect_vreg.gather [hbm4b:s6+s3], $0x80, v4, vm0, $0xb8;
	[tilespmem:$0x18100] =	vst v63  }
0x192: {  	s8 =	simm.s32 $0xE100  }
0x193: {  	[tilespmem:s8], [sflag:$0x2] =	stream.indirect_vreg.gather [hbm4b:s1+s3], $0x80, v3, vm0, $0xb8;
	[tilespmem:$0x18100] =	vst v63  }
0x194: {  	s24 =	simm.s32 $0xE900  }
0x195: {  	[tilespmem:s24], [sflag:$0x2] =	stream.indirect_vreg.gather [hbm4b:s4+s3], $0x80, v3, vm0, $0xb8;
	[tilespmem:$0x18100] =	vst v63  }
0x196: {  	s8 =	simm.s32 $0xF100  }
0x197: {  	[tilespmem:s8], [sflag:$0x2] =	stream.indirect_vreg.gather [hbm4b:s5+s3], $0x80, v3, vm0, $0xb8;
	[tilespmem:$0x18100] =	vst v63  }
0x198: {  	s24 =	simm.s32 $0xF900  }
0x199: {  	[tilespmem:s24], [sflag:$0x2] =	stream.indirect_vreg.gather [hbm4b:s6+s3], $0x80, v3, vm0, $0xb8;
	[tilespmem:$0x18100] =	vst v63  }
0x19a: {  	_ =	swait.ge [sflag:s17], $0x8000  }
0x19b: {  	[sflag:s17] =	ssyncset.done $0x0  }
0x19c: {  	s2 =	rddreg [dreg:$0xb];
	[sflag:s17] =	ssyncadd.s32 $0xFFFF8000  }
0x19d: {  	[hbm4b:s2+s3] =	stream.linear.scatter [tilespmem:s25], [sflag:$0x4], $0x8000, $0x38;
	[tilespmem:$0x18100] =	vst v63  }
0x19e: {  	_ =	swait.ge [sflag:s19], $0x8000  }
0x19f: {  	[sflag:s19] =	ssyncset.done $0x0  }
0x1a0: {  	s8 =	rddreg [dreg:$0xc];
	[sflag:s19] =	ssyncadd.s32 $0xFFFF8000  }
0x1a1: {  	[hbm4b:s8+s3] =	stream.linear.scatter [tilespmem:s0], [sflag:$0x5], $0x8000, $0x38;
	[tilespmem:$0x18100] =	vst v63  }
0x1a2: {  	_ =	swait.ge [sflag:s23], $0x8000  }
0x1a3: {  	[sflag:s23] =	ssyncset.done $0x0  }
0x1a4: {  	[sflag:s23] =	ssyncadd.s32 $0xFFFF8000  }
0x1a5: {  	p0 =	sne.s32 s7, $0x1;
	_ =	swait.ge [sflag:s20], $0x8000  }
.Ltmp0:
0x1a6: {  	[sflag:s20] =	ssyncset.done $0x0;
	(pc) =	sbr.rel @p0 .LBB2_1-.Ltmp0, $4  }
0x1a7: {  	[sflag:s20] =	ssyncadd.s32 $0xFFFF8000  }
0x1a8: {  	_ =	swait.ge [sflag:s22], $0x8000  }
0x1a9: {  	[sflag:s22] =	ssyncset.done $0x0  }
0x1aa: {  	s7 =	sadd.s32 $0xFFFFFFFF, s7;
	[sflag:s22] =	ssyncadd.s32 $0xFFFF8000  }
0x1ab: {  	_ =	sfence.sel $0x180000  }
0x1ac: {  	[bflag:$0x0] =	sbarrier.arrive $0xFFFF  }
0x1ad: {  	_ =	strace $0x90000047  }
0x1ae: {  	s0 =	stileid.u32;
	[bflag:$0x2] =	sbarrier.arrive $0xFFFF  }
0x1af: {  	p0 =	sne.s32 s0, $0x0;
	s0 =	rddreg [dreg:$0x3]  }
0x1b0: {  	s0 =	sadd.s32 @!p0 $0x100000, s0  }
0x1b1: {  	[sflag:s0] =	ssyncadd.tile.s32 @!p0 $0x1;
	_ =	shalt  }
.Lfunc_end2:
_tile_overlayer_lowered:
.L_overlay_start_2:
0x1b2: {  	(tag) =	ssettag $0x2  }
0x1b3: {  	s0 =	rddreg [dreg:$0x0];
	s2 =	stileid.u32  }
0x1b4: {  	s1 =	rddreg [dreg:$0x1];
	p0 =	sne.s32 s2, $0x0  }
0x1b5: {  	s3 =	rddreg [dreg:$0x2];
	[bflag:$0x3] =	sbarrier.arrive $0xFFFF;
	s2 =	simm.s32 @!p0 $0x1C07  }
0x1b6: {  	[timem:s3], [sflag:s2] =	dma.local @!p0 [hbm:s0], s1  }
0x1b7: {  	s0 =	simm.s32 @!p0 $0x7  }
0x1b8: {  	_ =	swait.ge @!p0 [sflag:s0], s1  }
0x1b9: {  	s1 =	ssub.s32 @!p0 $0x0, s1;
	[sflag:s0] =	ssyncset.done @!p0 $0x0  }
0x1ba: {  	[sflag:s0] =	ssyncadd.s32 @!p0 s1  }
0x1bb: {  	[bflag:$0x3] =	sbarrier.arrive $0xFFFF  }
0x1bc: {  	_ =	shalt  }

// kernel: kernel.9.cloned.1.call-start
scs
__scs_entry_jumppad:
0x0: {  	(pc) =	sbr.rel $0x88, $3  }
0x1: {  	(tag) =	ssettag $0x0;
	lr =	simm.s32 $0x1  }
0x2: {  	[smem:$0x3F9B] =	sst lr;
	_ =	strace $0xD0000000  }
0x3: {  	_ = 	snop  }
0x4: {  	_ = 	snop  }
0x5: {  	_ = 	snop  }
0x6: {  	_ = 	snop  }
0x7: {  	_ = 	snop  }
__scs_overlays_trampoline_lowered:
0x8: {  	[smem:$0x3FAA] =	sst s0  }
0x9: {  	[smem:$0x3FAB] =	sst s1  }
0xa: {  	[smem:$0x3FAC] =	sst s2  }
0xb: {  	[smem:$0x3FAD] =	sst s3  }
0xc: {  	[smem:$0x3FAE] =	sst s4  }
0xd: {  	[smem:$0x3FAF] =	sst s5  }
0xe: {  	[smem:$0x3FB0] =	sst s6  }
0xf: {  	[smem:$0x3FB1] =	sst s7  }
0x10: {  	[smem:$0x3FB2] =	sst s8  }
0x11: {  	[smem:$0x3FB3] =	sst s9;
	s0 =	simm.s32 @!p0 $0x0  }
0x12: {  	s1 =	sld [smem:$0x3F99];
	s0 =	simm.s32 @p0 $0x1  }
0x13: {  	[smem:$0x3FB4] =	sst s0;
	s0 =	simm.s32 @!p1 $0x0  }
0x14: {  	s2 =	sld [smem:$0x3F98];
	s0 =	simm.s32 @p1 $0x1  }
0x15: {  	[smem:$0x3FB5] =	sst s0;
	s0 =	simm.s32 @!p2 $0x0  }
0x16: {  	s3 =	sld [smem:$0x3FDB];
	s0 =	simm.s32 @p2 $0x1  }
0x17: {  	s4 =	simm.s32 $0x1BF5;
	[smem:$0x3FB7] =	sst s0  }
0x18: {  	s0 =	sld [smem:$0x3F9A];
	_ =	swait.ge [sflag:s4], $0x0  }
0x19: {  	s7 =	sld [smem:$0x3F9B]  }
0x1a: {  	s8 =	sadd.s32 $0xFFFFE003, lr  }
0x1b: {  	s9 =	sadd.s32 $0xFFFFFEF7, lr;
	s5 =	simm.s32 $0xFFFFFFFF;
	p2 =	slt.u32 s8, $0xFFFFF086  }
0x1c: {  	p1 =	slt.u32 s9, $0xF7A;
	s5 =	simm.s32 @!p2 $0x0  }
0x1d: {  	s5 =	simm.s32 @p1 $0x1;
	p0 =	seq.s32 s7, s2  }
0x1e: {  	s7 =	smul.u32 @!p0 $0xF7A, s2;
	p2 =	seq.s32 @!p0 s5, $0x0  }
0x1f: {  	s9 =	smul.u32 $0xF7A, s1;
	s8 =	simm.s32 @!p0 $0x1BF5;
	p2 =	por !p2, p0  }
0x20: {  	[sflag:s8] =	ssyncset.s32 @!p0 $0xFFFFF086;
	s6 =	sadd.s32 @!p0 s3, s7;
	s7 =	simm.s32 @!p0 $0x108  }
0x21: {  	s3 =	sadd.s32 s3, s9;
	s6 =	sadd.s32 @!p0 $0x88, s6;
	s7 =	simm.s32 @p2 $0x1082  }
0x22: {  	[simem:s7], [sflag:s8] =	dma.local @!p0 [hbm:s6], $0xF7A  }
0x23: {  	s9 =	sor.u32 $0xD0000000, s2;
	s6 =	simm.s32 $0x108;
	_ =	swait.ge @!p0 [sflag:s8], $0x0  }
0x24: {  	s3 =	sadd.s32 $0x88, s3;
	s6 =	simm.s32 @!p1 $0x1082;
	[sflag:s4] =	ssyncset.s32 $0xFFFFF086  }
0x25: {  	[simem:s6], [sflag:s4] =	dma.local [hbm:s3], $0xF7A  }
0x26: {  	[smem:$0x3F9B] =	sst s1;
	(tag) =	ssettag s2;
	_ =	strace s9  }
0x27: {  	s1 =	sld [smem:$0x3FAB]  }
0x28: {  	s2 =	sld [smem:$0x3FAC]  }
0x29: {  	s4 =	sld [smem:$0x3FAE]  }
0x2a: {  	p0 =	seq.s32 s5, $0x0;
	s5 =	sld [smem:$0x3FAF]  }
0x2b: {  	s6 =	sld [smem:$0x3FB0]  }
0x2c: {  	s7 =	sld [smem:$0x3FB1]  }
0x2d: {  	s3 =	simm.s32 $0x108;
	s8 =	sld [smem:$0x3FB2]  }
0x2e: {  	s3 =	simm.s32 @!p0 $0x1082;
	s9 =	sld [smem:$0x3FB3]  }
0x2f: {  	lr =	sadd.s32 s0, s3;
	s0 =	sld [smem:$0x3FAA]  }
0x30: {  	s3 =	sld [smem:$0x3FAD]  }
0x31: {  	[smem:$0x3FB6] =	sst s10  }
0x32: {  	s10 =	sld [smem:$0x3FB4];
	_ =	sdelay $0x3  }
0x33: {  	p0 =	seq.s32 s10, $0x1;
	s10 =	sld [smem:$0x3FB6];
	_ =	sdelay $0x3  }
0x34: {  	[smem:$0x3FB6] =	sst s10  }
0x35: {  	s10 =	sld [smem:$0x3FB5];
	_ =	sdelay $0x3  }
0x36: {  	p1 =	seq.s32 s10, $0x1;
	s10 =	sld [smem:$0x3FB6];
	_ =	sdelay $0x3  }
0x37: {  	[smem:$0x3FB6] =	sst s10  }
0x38: {  	s10 =	sld [smem:$0x3FB7]  }
0x39: {  	_ = 	snop;
	(pc) =	sbr.ind lr, $3  }
0x3a: {  	_ = 	snop  }
0x3b: {  	_ = 	snop  }
0x3c: {  	p2 =	seq.s32 s10, $0x1;
	s10 =	sld [smem:$0x3FB6]  }
0x3d: {  	_ =	shalt  }
0x3e: {  	_ =	shalt  }
0x3f: {  	_ =	shalt  }
0x40: {  	_ =	shalt  }
0x41: {  	_ =	shalt  }
0x42: {  	_ =	shalt  }
0x43: {  	_ =	shalt  }
0x44: {  	_ =	shalt  }
0x45: {  	_ =	shalt  }
0x46: {  	_ =	shalt  }
0x47: {  	_ =	shalt  }
0x48: {  	_ =	shalt  }
0x49: {  	_ =	shalt  }
0x4a: {  	_ =	shalt  }
0x4b: {  	_ =	shalt  }
0x4c: {  	_ =	shalt  }
0x4d: {  	_ =	shalt  }
0x4e: {  	_ =	shalt  }
0x4f: {  	_ =	shalt  }
0x50: {  	_ =	shalt  }
0x51: {  	_ =	shalt  }
0x52: {  	_ =	shalt  }
0x53: {  	_ =	shalt  }
0x54: {  	_ =	shalt  }
0x55: {  	_ =	shalt  }
0x56: {  	_ =	shalt  }
0x57: {  	_ =	shalt  }
0x58: {  	_ =	shalt  }
0x59: {  	_ =	shalt  }
0x5a: {  	_ =	shalt  }
0x5b: {  	_ =	shalt  }
0x5c: {  	_ =	shalt  }
0x5d: {  	_ =	shalt  }
0x5e: {  	_ =	shalt  }
0x5f: {  	_ =	shalt  }
0x60: {  	_ =	shalt  }
0x61: {  	_ =	shalt  }
0x62: {  	_ =	shalt  }
0x63: {  	_ =	shalt  }
0x64: {  	_ =	shalt  }
0x65: {  	_ =	shalt  }
0x66: {  	_ =	shalt  }
0x67: {  	_ =	shalt  }
0x68: {  	_ =	shalt  }
0x69: {  	_ =	shalt  }
0x6a: {  	_ =	shalt  }
0x6b: {  	_ =	shalt  }
0x6c: {  	_ =	shalt  }
0x6d: {  	_ =	shalt  }
0x6e: {  	_ =	shalt  }
0x6f: {  	_ =	shalt  }
0x70: {  	_ =	shalt  }
0x71: {  	_ =	shalt  }
0x72: {  	_ =	shalt  }
0x73: {  	_ =	shalt  }
0x74: {  	_ =	shalt  }
0x75: {  	_ =	shalt  }
0x76: {  	_ =	shalt  }
0x77: {  	_ =	shalt  }
0x78: {  	_ =	shalt  }
0x79: {  	_ =	shalt  }
0x7a: {  	_ =	shalt  }
0x7b: {  	_ =	shalt  }
0x7c: {  	_ =	shalt  }
0x7d: {  	_ =	shalt  }
0x7e: {  	_ =	shalt  }
0x7f: {  	_ =	shalt  }
0x80: {  	_ =	shalt  }
0x81: {  	_ =	shalt  }
0x82: {  	_ =	shalt  }
0x83: {  	_ =	shalt  }
0x84: {  	_ =	shalt  }
0x85: {  	_ =	shalt  }
0x86: {  	_ =	shalt  }
0x87: {  	_ =	shalt  }
.Lfunc_end0:
.L_simem_size_0:
called_computation.1_lowered:
.L_overlay_start_0:
0x88: {  	s2 =	sld [smem:$0x3FD9]  }
0x89: {  	s3 =	sld [smem:$0x3FFE];
	_ =	sdelay $0x1  }
0x8a: {  	s1 =	srdreg.scid  }
0x8b: {  	s0 =	sand.u32 $0x1, s1  }
0x8c: {  	s17 =	sshll.u32 s0, $0xA;
	s2 =	sadd.s32 s3, s2  }
0x8d: {  	s2 =	sadd.s32 s2, s17  }
0x8e: {  	[smem:$0x3FC2] =	sst s2  }
0x8f: {  	_ = 	snop  }
0x90: {  	s2 =	sld [smem:$0x3FD0];
	(tm) =	ssettm $0x1  }
0x91: {  	s18 =	sld [smem:$0x3FFB];
	_ =	sdelay $0x3  }
0x92: {  	_ =	strace s18  }
0x93: {  	s3 =	sld [smem:$0x3FFC];
	_ =	sdelay $0x3  }
0x94: {  	_ =	strace s3  }
0x95: {  	s3 =	sld [smem:$0x3FFD];
	_ =	sdelay $0x3  }
0x96: {  	_ =	strace s3  }
0x97: {  	_ =	strace $0x8FFFFFFF  }
0x98: {  	s19 =	sld [smem:$0x3FDB];
	_ =	sdelay $0x1  }
0x99: {  	s4 =	simm.s32 $_scs_section_size  }
0x9a: {  	s5 =	simm.s32 $_size__tile_overlayer_lowered;
	s6 =	simm.s32 $_tile_overlayer_lowered  }
0x9b: {  	s22 =	simm.s32 $0x1BFF;
	s21 =	sshll.u32 s6, $0x1;
	s3 =	sadd.s32 s4, s19  }
0x9c: {  	s7 =	simm.s32 $0x0;
	s20 =	sshll.u32 s5, $0x1;
	s5 =	sadd.s32 s21, s3  }
0x9d: {  	[timem:s7], [sflag:s22] =	dma.local [hbm:s5], s20  }
0x9e: {  	_ =	swait.ge [sflag:s22], s20  }
0x9f: {  	s4 =	ssub.s32 $0x0, s20;
	[sflag:s22] =	ssyncset.done $0x0  }
0xa0: {  	[sflag:s22] =	ssyncadd.s32 s4;
	_ =	sdelay $0x1  }
0xa1: {  	s23 =	simm.s32 $0x1B8B  }
0xa2: {  	_ =	swait.ge [sflag:s23], $0x1  }
0xa3: {  	[sflag:s23] =	ssyncset.done $0x0  }
0xa4: {  	s25 =	simm.s32 $0x1B8E;
	s24 =	sld [smem:$0x3FFE];
	[sflag:s23] =	ssyncadd.s32 $0xFFFFFFFF  }
0xa5: {  	s26 =	simm.s32 $execute0_lowered;
	[smem:$0x3FD2] =	sst s25  }
0xa6: {  	s5 =	sshll.u32 s26, $0x1;
	_ =	strace $0x80000049;
	[dreg:$0x1] =	wrdreg $0xFFFFFFFF  }
0xa7: {  	s28 =	simm.s32 $_size_execute0_lowered;
	s3 =	sadd.s32 s3, s5;
	[dreg:$0x0] =	wrdreg $0x0  }
0xa8: {  	s5 =	sshll.u32 s28, $0x1;
	[dreg:$0x2] =	wrdreg s3  }
0xa9: {  	[dreg:$0x3] =	wrdreg s5  }
0xaa: {  	[dreg:$0x4] =	wrdreg $0xC0  }
0xab: {  	_ =	task [dreg:s7], $0x5FFFF  }
0xac: {  	[dreg:$0x1] =	wrdreg $0xFFFFFFFF  }
0xad: {  	[dreg:$0x0] =	wrdreg $0x60  }
0xae: {  	[dreg:$0x2] =	wrdreg s24  }
0xaf: {  	[dreg:$0x3] =	wrdreg s2  }
0xb0: {  	[dreg:$0x4] =	wrdreg $0x9  }
0xb1: {  	_ =	task.clear_ibuf [dreg:s7], $0x5FFFF;
	_ =	strace $0x90000049  }
0xb2: {  	s29 =	simm.s32 $0x9;
	_ =	strace $0x8000004B  }
0xb3: {  	_ =	swait.ge [sflag:s29], $0x1  }
0xb4: {  	[sflag:s29] =	ssyncadd.s32 $0xFFFFFFFF  }
0xb5: {  	_ =	strace $0x9000004B  }
0xb6: {  	_ =	sfence  }
0xb7: {  	s30 =	sld [smem:$0x0];
	_ =	sdelay $0x2  }
0xb8: {  	s31 =	sshll.u32 s1, $0xD;
	s1 =	sshrl.u32 s1, $0x2  }
0xb9: {  	s3 =	sand.u32 $0x4000, s31;
	s1 =	sadd.s32 s1, s30  }
0xba: {  	s0 =	sor.u32 s3, s0;
	s1 =	sshll.u32 s1, $0x11  }
0xbb: {  	s0 =	sor.u32 s1, s0  }
0xbc: {  	s0 =	sadd.s32 $0x8F2B, s0  }
0xbd: {  	[sflag:s0] =	ssyncadd.remote.s32 $0x1  }
0xbe: {  	_ =	sfence.sel $0xFFFF  }
0xbf: {  	[dreg:$0x0] =	wrdreg $0xFFFFFFFF;
	(pc) =	sbr.abs _section_cstart, $3  }
0xc0: {  	[dreg:$0x1] =	wrdreg $0xFFFFFFFF  }
0xc1: {  	_ =	task.clear_ibuf [dreg:s7], $0x2FFFF;
	_ =	strace $0x9FFFFFFF  }
0xc2: {  	(tm) =	ssettm $0x7FFFFFFF  }
0xc3: {  	_ =	shalt  }
tec
execute0_lowered:
.L_overlay_start_1:
0x0: {  	(tag) =	ssettag $0x1  }
0x1: {  	s3 =	rddreg [dreg:$0x0];
	s0 =	simm.s32 $0x0  }
0x2: {  	s29 =	srdreg.scid;
	s4 =	stileid.u32;
	s13 =	simm.s32 $0x3  }
0x3: {  	s15 =	simm.s32 $0x1100;
	s14 =	simm.s32 $0xC100;
	s16 =	simm.s32 $0xC900  }
0x4: {  	s17 =	simm.s32 $0xD100;
	s18 =	simm.s32 $0xD900;
	s19 =	simm.s32 $0xE100  }
0x5: {  	s20 =	simm.s32 $0xE900;
	s21 =	simm.s32 $0xF100;
	s22 =	simm.s32 $0xF900  }
0x6: {  	s23 =	simm.s32 $0x10100;
	s24 =	simm.s32 $0x10900;
	s25 =	simm.s32 $0x1  }
0x7: {  	s26 =	simm.s32 $0x2;
	[smem:$0x7FF] =	sst s0;
	s5 =	sadd.s32 $0x100800, s3  }
0x8: {  	s0 =	sand.u32 $0x1, s29;
	s6 =	sadd.s32 $0x100600, s3;
	s7 =	sadd.s32 $0x100200, s3  }
0x9: {  	v2 =	vlaneseq.u32;
	s30 =	sshll.u32 s4, $0x7;
	s9 =	sadd.s32 $0x100900, s3;
	s1 =	ssub.s32 $0x2, s0  }
0xa: {  	s10 =	sadd.s32 $0x100A00, s3;
	s11 =	sadd.s32 $0x100B00, s3;
	v0 =	vand.u32 $0x7, v2;
	v1 =	vshrl.u32 v2, $0x3;
	s2 =	sshrl.u32 s1, $0x1  }
0xb: {  	v63 =	vor.u32 $0x8, v2;
	_ =	strace $0x8000004A;
	s0 =	sshll.u32 s0, $0x6;
	[tilespmem:$0x1FFD0] =	vst v0;
	v62 =	vmul.u32 $0x8, v1;
	s1 =	ssub.s32 s1, s2  }
0xc: {  	s3 =	simm.s32 $0xB900;
	[tilespmem:$0x1FFF0] =	vst v63;
	s8 =	sor.u32 s0, s30;
	s31 =	smax.u32 s1, $0x1  }
0xd: {  	vm0 =	vmmov $0xffff;
	[tilespmem:$0x1FFE0] =	vst v62;
	s2 =	simm.s32 $0x0;
	s1 =	simm.s32 $0xB100;
	[dreg:$0x3] =	wrdreg s31  }
.LBB2_1:
0xe: {  	[dreg:$0x4] =	wrdreg s2;
	p1 =	por $0x1, $0x1;
	s0 =	simm.s32 $0x0  }
.LBB2_2:
0xf: {  	s28 =	sor.u32 s8, s0  }
0x10: {  	s0 =	sshrl.u32 s28, $0x3  }
0x11: {  	s29 =	simm.s32 $0x0;
	s4 =	sadd.s32 s6, s0  }
0x12: {  	[tilespmem:s29], [sflag:$0x3] =	stream.linear.gather [hbm4b:s4+s29], $0x20, $0x38;
	[tilespmem:$0x11100] =	vst v63  }
0x13: {  	_ =	swait.ge [sflag:s13], $0x20  }
0x14: {  	[sflag:s13] =	ssyncset.done $0x0  }
0x15: {  	s2 =	simm.s32 $0x80;
	s0 =	sadd.s32 s7, s0;
	[sflag:s13] =	ssyncadd.s32 $0xFFFFFFE0  }
0x16: {  	[tilespmem:s2], [sflag:$0x3] =	stream.linear.gather [hbm4b:s0+s29], $0x20, $0x38;
	[tilespmem:$0x11100] =	vst v63  }
0x17: {  	_ =	swait.ge [sflag:s13], $0x20  }
0x18: {  	[sflag:s13] =	ssyncset.done $0x0  }
0x19: {  	[sflag:s13] =	ssyncadd.s32 $0xFFFFFFE0  }
0x1a: {  	s2 =	sshll.u32 s28, $0x4;
	s4 =	rddreg [dreg:$0x0]  }
0x1b: {  	s30 =	simm.s32 $0x100;
	s0 =	sadd.s32 s4, s2  }
0x1c: {  	[tilespmem:s30], [sflag:$0x3] =	stream.linear.gather [hbm4b:s0+s29], $0x1000, $0x38;
	[tilespmem:$0x11100] =	vst v63  }
0x1d: {  	_ =	swait.ge [sflag:s13], $0x1000  }
0x1e: {  	[sflag:s13] =	ssyncset.done $0x0  }
0x1f: {  	[sflag:s13] =	ssyncadd.s32 $0xFFFFF000  }
0x20: {  	v3 =	vld [tilespmem:$0x0];
	_ =	sdelay $0x2  }
0x21: {  	v0 =	vld [tilespmem:$0x1FFD0];
	_ =	sdelay $0x1  }
0x22: {  	v1 =	vld [tilespmem:$0x1FFE0];
	v4 =	vshll.u32 v3, $0x3  }
0x23: {  	v3 =	vand.u32 $0x7, v3;
	v4 =	vand.u32 $0xFFFFFFC0, v4  }
0x24: {  	v3 =	vor.u32 v3, v4  }
0x25: {  	v4 =	vperm.xlane v3, v0;
	_ =	sdelay $0x1  }
0x26: {  	v4 =	vadd.s32 v1, v4  }
0x27: {  	v2 =	vld [tilespmem:$0x1FFF0];
	_ =	sdelay $0x3  }
0x28: {  	[tilespmem:s15], [sflag:$0x1] =	stream.indirect_vreg.gather [hbm4b:s5+s29], $0x80, v4, vm0, $0xb8;
	[tilespmem:$0x11100] =	vst v63  }
0x29: {  	s12 =	simm.s32 $0x1900;
	v3 =	vperm.xlane v3, v2  }
0x2a: {  	[tilespmem:s12], [sflag:$0x1] =	stream.indirect_vreg.gather [hbm4b:s9+s29], $0x80, v4, vm0, $0xb8;
	[tilespmem:$0x11100] =	vst v63  }
0x2b: {  	s2 =	simm.s32 $0x2100;
	v3 =	vadd.s32 v1, v3  }
0x2c: {  	[tilespmem:s2], [sflag:$0x1] =	stream.indirect_vreg.gather [hbm4b:s10+s29], $0x80, v4, vm0, $0xb8;
	[tilespmem:$0x11100] =	vst v63  }
0x2d: {  	s4 =	simm.s32 $0x2900  }
0x2e: {  	[tilespmem:s4], [sflag:$0x1] =	stream.indirect_vreg.gather [hbm4b:s11+s29], $0x80, v4, vm0, $0xb8;
	[tilespmem:$0x11100] =	vst v63  }
0x2f: {  	s12 =	simm.s32 $0x3100  }
0x30: {  	[tilespmem:s12], [sflag:$0x1] =	stream.indirect_vreg.gather [hbm4b:s5+s29], $0x80, v3, vm0, $0xb8;
	[tilespmem:$0x11100] =	vst v63  }
0x31: {  	s2 =	simm.s32 $0x3900  }
0x32: {  	[tilespmem:s2], [sflag:$0x1] =	stream.indirect_vreg.gather [hbm4b:s9+s29], $0x80, v3, vm0, $0xb8;
	[tilespmem:$0x11100] =	vst v63  }
0x33: {  	s4 =	simm.s32 $0x4100  }
0x34: {  	[tilespmem:s4], [sflag:$0x1] =	stream.indirect_vreg.gather [hbm4b:s10+s29], $0x80, v3, vm0, $0xb8;
	[tilespmem:$0x11100] =	vst v63  }
0x35: {  	s12 =	simm.s32 $0x4900  }
0x36: {  	[tilespmem:s12], [sflag:$0x1] =	stream.indirect_vreg.gather [hbm4b:s11+s29], $0x80, v3, vm0, $0xb8;
	[tilespmem:$0x11100] =	vst v63  }
0x37: {  	v3 =	vld [tilespmem:$0x10];
	_ =	sdelay $0x4  }
0x38: {  	v61 =	vshll.u32 v3, $0x3  }
0x39: {  	v3 =	vand.u32 $0x7, v3;
	v4 =	vand.u32 $0xFFFFFFC0, v61  }
0x3a: {  	v3 =	vor.u32 v3, v4  }
0x3b: {  	v4 =	vperm.xlane v3, v0;
	_ =	sdelay $0x1  }
0x3c: {  	v4 =	vadd.s32 v1, v4;
	_ =	sdelay $0x3  }
0x3d: {  	s2 =	simm.s32 $0x5100  }
0x3e: {  	[tilespmem:s2], [sflag:$0x1] =	stream.indirect_vreg.gather [hbm4b:s5+s29], $0x80, v4, vm0, $0xb8;
	[tilespmem:$0x11100] =	vst v63  }
0x3f: {  	s4 =	simm.s32 $0x5900;
	v3 =	vperm.xlane v3, v2  }
0x40: {  	[tilespmem:s4], [sflag:$0x1] =	stream.indirect_vreg.gather [hbm4b:s9+s29], $0x80, v4, vm0, $0xb8;
	[tilespmem:$0x11100] =	vst v63  }
0x41: {  	s12 =	simm.s32 $0x6100;
	v3 =	vadd.s32 v1, v3  }
0x42: {  	[tilespmem:s12], [sflag:$0x1] =	stream.indirect_vreg.gather [hbm4b:s10+s29], $0x80, v4, vm0, $0xb8;
	[tilespmem:$0x11100] =	vst v63  }
0x43: {  	s2 =	simm.s32 $0x6900  }
0x44: {  	[tilespmem:s2], [sflag:$0x1] =	stream.indirect_vreg.gather [hbm4b:s11+s29], $0x80, v4, vm0, $0xb8;
	[tilespmem:$0x11100] =	vst v63  }
0x45: {  	s4 =	simm.s32 $0x7100  }
0x46: {  	[tilespmem:s4], [sflag:$0x1] =	stream.indirect_vreg.gather [hbm4b:s5+s29], $0x80, v3, vm0, $0xb8;
	[tilespmem:$0x11100] =	vst v63  }
0x47: {  	s12 =	simm.s32 $0x7900  }
0x48: {  	[tilespmem:s12], [sflag:$0x1] =	stream.indirect_vreg.gather [hbm4b:s9+s29], $0x80, v3, vm0, $0xb8;
	[tilespmem:$0x11100] =	vst v63  }
0x49: {  	s2 =	simm.s32 $0x8100  }
0x4a: {  	[tilespmem:s2], [sflag:$0x1] =	stream.indirect_vreg.gather [hbm4b:s10+s29], $0x80, v3, vm0, $0xb8;
	[tilespmem:$0x11100] =	vst v63  }
0x4b: {  	s4 =	simm.s32 $0x8900  }
0x4c: {  	[tilespmem:s4], [sflag:$0x1] =	stream.indirect_vreg.gather [hbm4b:s11+s29], $0x80, v3, vm0, $0xb8;
	[tilespmem:$0x11100] =	vst v63  }
0x4d: {  	v3 =	vld [tilespmem:$0x80];
	_ =	sdelay $0x4  }
0x4e: {  	v62 =	vshll.u32 v3, $0x3  }
0x4f: {  	v3 =	vand.u32 $0x7, v3;
	v4 =	vand.u32 $0xFFFFFFC0, v62  }
0x50: {  	v3 =	vor.u32 v3, v4  }
0x51: {  	v4 =	vperm.xlane v3, v0;
	_ =	sdelay $0x1  }
0x52: {  	v4 =	vadd.s32 v1, v4;
	_ =	sdelay $0x3  }
0x53: {  	s12 =	simm.s32 $0x9100  }
0x54: {  	[tilespmem:s12], [sflag:$0x2] =	stream.indirect_vreg.gather [hbm4b:s5+s29], $0x80, v4, vm0, $0xb8;
	[tilespmem:$0x11100] =	vst v63  }
0x55: {  	s2 =	simm.s32 $0x9900;
	v3 =	vperm.xlane v3, v2  }
0x56: {  	[tilespmem:s2], [sflag:$0x2] =	stream.indirect_vreg.gather [hbm4b:s9+s29], $0x80, v4, vm0, $0xb8;
	[tilespmem:$0x11100] =	vst v63  }
0x57: {  	s4 =	simm.s32 $0xA100;
	v3 =	vadd.s32 v1, v3  }
0x58: {  	[tilespmem:s4], [sflag:$0x2] =	stream.indirect_vreg.gather [hbm4b:s10+s29], $0x80, v4, vm0, $0xb8;
	[tilespmem:$0x11100] =	vst v63  }
0x59: {  	s12 =	simm.s32 $0xA900  }
0x5a: {  	[tilespmem:s12], [sflag:$0x2] =	stream.indirect_vreg.gather [hbm4b:s11+s29], $0x80, v4, vm0, $0xb8;
	[tilespmem:$0x11100] =	vst v63  }
0x5b: {  	_ = 	snop  }
0x5c: {  	[tilespmem:s1], [sflag:$0x2] =	stream.indirect_vreg.gather [hbm4b:s5+s29], $0x80, v3, vm0, $0xb8;
	[tilespmem:$0x11100] =	vst v63  }
0x5d: {  	_ = 	snop  }
0x5e: {  	[tilespmem:s3], [sflag:$0x2] =	stream.indirect_vreg.gather [hbm4b:s9+s29], $0x80, v3, vm0, $0xb8;
	[tilespmem:$0x11100] =	vst v63  }
0x5f: {  	_ = 	snop  }
0x60: {  	[tilespmem:s14], [sflag:$0x2] =	stream.indirect_vreg.gather [hbm4b:s10+s29], $0x80, v3, vm0, $0xb8;
	[tilespmem:$0x11100] =	vst v63  }
0x61: {  	_ = 	snop  }
0x62: {  	[tilespmem:s16], [sflag:$0x2] =	stream.indirect_vreg.gather [hbm4b:s11+s29], $0x80, v3, vm0, $0xb8;
	[tilespmem:$0x11100] =	vst v63  }
0x63: {  	v3 =	vld [tilespmem:$0x90];
	_ =	sdelay $0x4  }
0x64: {  	v63 =	vshll.u32 v3, $0x3  }
0x65: {  	v3 =	vand.u32 $0x7, v3;
	v4 =	vand.u32 $0xFFFFFFC0, v63  }
0x66: {  	v3 =	vor.u32 v3, v4  }
0x67: {  	v4 =	vperm.xlane v3, v0;
	_ =	sdelay $0x1  }
0x68: {  	v4 =	vadd.s32 v1, v4;
	_ =	sdelay $0x4  }
0x69: {  	[tilespmem:s17], [sflag:$0x2] =	stream.indirect_vreg.gather [hbm4b:s5+s29], $0x80, v4, vm0, $0xb8;
	[tilespmem:$0x11100] =	vst v63  }
0x6a: {  	v3 =	vperm.xlane v3, v2  }
0x6b: {  	[tilespmem:s18], [sflag:$0x2] =	stream.indirect_vreg.gather [hbm4b:s9+s29], $0x80, v4, vm0, $0xb8;
	[tilespmem:$0x11100] =	vst v63  }
0x6c: {  	v3 =	vadd.s32 v1, v3  }
0x6d: {  	[tilespmem:s19], [sflag:$0x2] =	stream.indirect_vreg.gather [hbm4b:s10+s29], $0x80, v4, vm0, $0xb8;
	[tilespmem:$0x11100] =	vst v63  }
0x6e: {  	_ = 	snop  }
0x6f: {  	[tilespmem:s20], [sflag:$0x2] =	stream.indirect_vreg.gather [hbm4b:s11+s29], $0x80, v4, vm0, $0xb8;
	[tilespmem:$0x11100] =	vst v63  }
0x70: {  	_ = 	snop  }
0x71: {  	[tilespmem:s21], [sflag:$0x2] =	stream.indirect_vreg.gather [hbm4b:s5+s29], $0x80, v3, vm0, $0xb8;
	[tilespmem:$0x11100] =	vst v63  }
0x72: {  	_ = 	snop  }
0x73: {  	[tilespmem:s22], [sflag:$0x2] =	stream.indirect_vreg.gather [hbm4b:s9+s29], $0x80, v3, vm0, $0xb8;
	[tilespmem:$0x11100] =	vst v63  }
0x74: {  	_ = 	snop  }
0x75: {  	[tilespmem:s23], [sflag:$0x2] =	stream.indirect_vreg.gather [hbm4b:s10+s29], $0x80, v3, vm0, $0xb8;
	[tilespmem:$0x11100] =	vst v63  }
0x76: {  	_ = 	snop  }
0x77: {  	[tilespmem:s24], [sflag:$0x2] =	stream.indirect_vreg.gather [hbm4b:s11+s29], $0x80, v3, vm0, $0xb8;
	[tilespmem:$0x11100] =	vst v63  }
0x78: {  	_ =	swait.ge [sflag:s25], $0x8000  }
0x79: {  	[sflag:s25] =	ssyncset.done $0x0  }
0x7a: {  	[sflag:s25] =	ssyncadd.s32 $0xFFFF8000  }
0x7b: {  	_ =	swait.ge [sflag:s26], $0x8000  }
0x7c: {  	p0 =	por p1, p1;
	s31 =	simm.s32 $0xFFFF8000;
	[sflag:s26] =	ssyncset.done $0x0  }
0x7d: {  	s0 =	simm.s32 $0x0;
	s4 =	simm.s32 $0x0;
	[sflag:s26] =	ssyncadd.s32 $0xFFFF8000  }
.LBB2_3:
0x7e: {  	s12 =	sadd.s32 $0x8000, s31  }
0x7f: {  	s2 =	sand.u32 $0x380, s4;
	s12 =	sand.u32 $0x6000, s12  }
0x80: {  	v3 =	vld [tilespmem:s30+$0x0];
	s12 =	sor.u32 s2, s12  }
0x81: {  	v8 =	vld [tilespmem:s12+$0x9100]  }
0x82: {  	v4 =	vld [tilespmem:s12+$0x1100]  }
0x83: {  	v10 =	vld [tilespmem:s12+$0x9110]  }
0x84: {  	v6 =	vld [tilespmem:s12+$0x1110]  }
0x85: {  	v13 =	vld [tilespmem:s12+$0x9120]  }
0x86: {  	v16 =	vld [tilespmem:s12+$0x1120]  }
0x87: {  	v22 =	vld [tilespmem:s12+$0x9130]  }
0x88: {  	v21 =	vld [tilespmem:s12+$0x1130]  }
0x89: {  	v28 =	vld [tilespmem:s12+$0x9140]  }
0x8a: {  	v25 =	vld [tilespmem:s12+$0x1140]  }
0x8b: {  	v32 =	vld [tilespmem:s12+$0x9150]  }
0x8c: {  	v31 =	vld [tilespmem:s12+$0x1150]  }
0x8d: {  	v33 =	vld [tilespmem:s12+$0x9160]  }
0x8e: {  	v34 =	vld [tilespmem:s12+$0x1160]  }
0x8f: {  	v35 =	vld [tilespmem:s12+$0x9170]  }
0x90: {  	v36 =	vld [tilespmem:s12+$0x1170]  }
0x91: {  	v37 =	vld [tilespmem:s12+$0x9500]  }
0x92: {  	v38 =	vld [tilespmem:s12+$0x1500]  }
0x93: {  	v39 =	vld [tilespmem:s12+$0x9510]  }
0x94: {  	v40 =	vld [tilespmem:s12+$0x1510]  }
0x95: {  	v41 =	vld [tilespmem:s12+$0x9520]  }
0x96: {  	v42 =	vld [tilespmem:s12+$0x1520]  }
0x97: {  	v43 =	vld [tilespmem:s12+$0x9530]  }
0x98: {  	v44 =	vld [tilespmem:s12+$0x1530]  }
0x99: {  	v45 =	vld [tilespmem:s12+$0x9540]  }
0x9a: {  	v46 =	vld [tilespmem:s12+$0x1540]  }
0x9b: {  	v47 =	vld [tilespmem:s12+$0x9550]  }
0x9c: {  	v48 =	vld [tilespmem:s12+$0x1550]  }
0x9d: {  	v49 =	vld [tilespmem:s12+$0x9560]  }
0x9e: {  	v50 =	vld [tilespmem:s12+$0x1560]  }
0x9f: {  	v51 =	vld [tilespmem:s12+$0x9570]  }
0xa0: {  	v52 =	vld [tilespmem:s12+$0x1570]  }
0xa1: {  	v53 =	vld [tilespmem:s12+$0x9900]  }
0xa2: {  	v54 =	vld [tilespmem:s12+$0x1900]  }
0xa3: {  	v55 =	vld [tilespmem:s12+$0x9910]  }
0xa4: {  	v56 =	vld [tilespmem:s12+$0x1910]  }
0xa5: {  	v57 =	vld [tilespmem:s12+$0x9920]  }
0xa6: {  	v58 =	vld [tilespmem:s12+$0x1920]  }
0xa7: {  	v59 =	vld [tilespmem:s12+$0x9930]  }
0xa8: {  	v60 =	vld [tilespmem:s12+$0x1930]  }
0xa9: {  	v29 =	vld [tilespmem:s12+$0x9940]  }
0xaa: {  	v61 =	vld [tilespmem:s12+$0x1940]  }
0xab: {  	v26 =	vld [tilespmem:s12+$0x9950]  }
0xac: {  	v62 =	vld [tilespmem:s12+$0x1950]  }
0xad: {  	v23 =	vld [tilespmem:s12+$0x9960]  }
0xae: {  	v63 =	vld [tilespmem:s12+$0x1960]  }
0xaf: {  	v19 =	vld [tilespmem:s12+$0x9970]  }
0xb0: {  	v2 =	vld [tilespmem:s12+$0x1970]  }
0xb1: {  	v15 =	vld [tilespmem:s12+$0x9D00]  }
0xb2: {  	v17 =	vld [tilespmem:s12+$0x1D00]  }
0xb3: {  	v14 =	vld [tilespmem:s12+$0x9D10]  }
0xb4: {  	v20 =	vld [tilespmem:s12+$0x1D10]  }
0xb5: {  	v12 =	vld [tilespmem:s12+$0x9D20]  }
0xb6: {  	v30 =	vld [tilespmem:s12+$0x1D20]  }
0xb7: {  	v11 =	vld [tilespmem:s12+$0x9D30]  }
0xb8: {  	v27 =	vld [tilespmem:s12+$0x1D30]  }
0xb9: {  	v9 =	vld [tilespmem:s12+$0x9D40]  }
0xba: {  	v0 =	vld [tilespmem:s12+$0x1D50]  }
0xbb: {  	v1 =	vld [tilespmem:s12+$0x1D70]  }
0xbc: {  	v24 =	vld [tilespmem:s12+$0x1D40]  }
0xbd: {  	v7 =	vld [tilespmem:s12+$0x9D50]  }
0xbe: {  	v5 =	vld [tilespmem:s12+$0x9D60];
	v18 =	vsub.f32 v4, v8;
	v6 =	vsub.f32 v6, v10  }
0xbf: {  	[tilespmem:$0x1FFA0] =	vst v0;
	v4 =	vld [tilespmem:s12+$0x1D60]  }
0xc0: {  	v16 =	vsub.f32 v16, v13;
	[tilespmem:$0x1FFC0] =	vst v1;
	v0 =	vmul.f32 v18, v3;
	v1 =	vmul.f32 v6, v3;
	v6 =	vld [tilespmem:s12+$0xA100]  }
0xc1: {  	v21 =	vsub.f32 v21, v22;
	v25 =	vsub.f32 v25, v28;
	v18 =	vld [tilespmem:s12+$0x2100]  }
0xc2: {  	v0 =	vadd.f32 v0, v8;
	v1 =	vadd.f32 v1, v10;
	v8 =	vld [tilespmem:s12+$0xA110]  }
0xc3: {  	v10 =	vmul.f32 v21, v3;
	v21 =	vsub.f32 v31, v32;
	v31 =	vmul.f32 v25, v3;
	v25 =	vld [tilespmem:s12+$0x2110]  }
0xc4: {  	v34 =	vsub.f32 v34, v33;
	v16 =	vmul.f32 v16, v3;
	[tilespmem:$0x1FFB0] =	vst v4;
	v4 =	vld [tilespmem:s12+$0x9D70]  }
0xc5: {  	v36 =	vsub.f32 v36, v35;
	[tilespmem:s12+$0x1110] =	vst v1;
	v1 =	vadd.f32 v10, v22;
	v10 =	vld [tilespmem:s12+$0xA120]  }
0xc6: {  	v63 =	vsub.f32 v63, v23;
	[tilespmem:s12+$0x1100] =	vst v0;
	v0 =	vadd.f32 v16, v13;
	v21 =	vmul.f32 v21, v3;
	v13 =	vld [tilespmem:s12+$0xA130]  }
0xc7: {  	v16 =	vmul.f32 v34, v3;
	v34 =	vsub.f32 v38, v37;
	v38 =	vsub.f32 v42, v41;
	v22 =	vld [tilespmem:s12+$0xA150]  }
0xc8: {  	v42 =	vsub.f32 v46, v45;
	[tilespmem:s12+$0x1120] =	vst v0;
	v0 =	vadd.f32 v31, v28;
	v31 =	vld [tilespmem:s12+$0x2120]  }
0xc9: {  	[tilespmem:s12+$0x1130] =	vst v1;
	v1 =	vadd.f32 v21, v32;
	v21 =	vmul.f32 v36, v3;
	v28 =	vmul.f32 v34, v3;
	v34 =	vld [tilespmem:s12+$0x2140]  }
0xca: {  	v36 =	vsub.f32 v40, v39;
	v38 =	vmul.f32 v38, v3;
	[tilespmem:s12+$0x1140] =	vst v0;
	v0 =	vadd.f32 v16, v33;
	v33 =	vld [tilespmem:s12+$0x2130]  }
0xcb: {  	v32 =	vmul.f32 v42, v3;
	v42 =	vsub.f32 v50, v49;
	[tilespmem:s12+$0x1150] =	vst v1;
	v1 =	vadd.f32 v21, v35;
	v16 =	vld [tilespmem:s12+$0xA140]  }
0xcc: {  	v40 =	vmul.f32 v36, v3;
	v36 =	vsub.f32 v44, v43;
	v37 =	vadd.f32 v28, v37;
	v28 =	vld [tilespmem:s12+$0xA160]  }
0xcd: {  	v2 =	vsub.f32 v2, v19;
	v41 =	vadd.f32 v38, v41;
	v50 =	vmul.f32 v42, v3;
	v38 =	vld [tilespmem:s12+$0x2160];
	[tilespmem:s12+$0x1160] =	vst v0  }
0xce: {  	v42 =	vld [tilespmem:s12+$0x2500];
	[tilespmem:s12+$0x1170] =	vst v1;
	v44 =	vadd.f32 v40, v39;
	v46 =	vmul.f32 v36, v3;
	v40 =	vsub.f32 v48, v47  }
0xcf: {  	v17 =	vsub.f32 v17, v15;
	v35 =	vld [tilespmem:s12+$0xA520];
	[tilespmem:s12+$0x1500] =	vst v37;
	v48 =	vadd.f32 v32, v45  }
0xd0: {  	v21 =	vld [tilespmem:s12+$0xA530];
	[tilespmem:s12+$0x1510] =	vst v44;
	v43 =	vadd.f32 v46, v43;
	v44 =	vmul.f32 v40, v3;
	v46 =	vsub.f32 v52, v51  }
0xd1: {  	v20 =	vsub.f32 v20, v14;
	v2 =	vmul.f32 v2, v3;
	v37 =	vld [tilespmem:s12+$0x2150];
	[tilespmem:s12+$0x1520] =	vst v41;
	v52 =	vsub.f32 v54, v53  }
0xd2: {  	v45 =	vsub.f32 v56, v55;
	v39 =	vld [tilespmem:s12+$0xA170];
	[tilespmem:s12+$0x1540] =	vst v48;
	v54 =	vadd.f32 v44, v47;
	v44 =	vmul.f32 v46, v3  }
0xd3: {  	v41 =	vld [tilespmem:s12+$0xA500];
	v48 =	vsub.f32 v58, v57;
	[tilespmem:s12+$0x1530] =	vst v43;
	v46 =	vadd.f32 v50, v49;
	v47 =	vmul.f32 v52, v3  }
0xd4: {  	v17 =	vmul.f32 v17, v3;
	v32 =	vld [tilespmem:s12+$0x2520];
	v50 =	vmul.f32 v45, v3;
	[tilespmem:s12+$0x1550] =	vst v54;
	v49 =	vadd.f32 v44, v51  }
0xd5: {  	v36 =	vld [tilespmem:$0x1FFC0];
	v51 =	vsub.f32 v60, v59;
	[tilespmem:s12+$0x1560] =	vst v46;
	v52 =	vadd.f32 v47, v53;
	v53 =	vmul.f32 v48, v3  }
0xd6: {  	v40 =	vld [tilespmem:s12+$0x2170];
	v54 =	vsub.f32 v61, v29;
	v56 =	vadd.f32 v50, v55;
	v50 =	vmul.f32 v63, v3;
	[tilespmem:s12+$0x1570] =	vst v49  }
0xd7: {  	v43 =	vld [tilespmem:s12+$0xA510];
	v60 =	vsub.f32 v62, v26;
	v55 =	vmul.f32 v20, v3;
	[tilespmem:s12+$0x1900] =	vst v52;
	v61 =	vadd.f32 v53, v57  }
0xd8: {  	v44 =	vld [tilespmem:s12+$0x2510];
	v58 =	vmul.f32 v51, v3;
	[tilespmem:s12+$0x1910] =	vst v56;
	v52 =	vadd.f32 v50, v23;
	v53 =	vsub.f32 v30, v12  }
0xd9: {  	v20 =	vld [tilespmem:s12+$0xA540];
	v62 =	vmul.f32 v54, v3;
	v54 =	vadd.f32 v2, v19;
	v56 =	vsub.f32 v27, v11;
	[tilespmem:s12+$0x1920] =	vst v61  }
0xda: {  	v48 =	vmul.f32 v60, v3;
	v57 =	vadd.f32 v17, v15;
	v23 =	vld [tilespmem:s12+$0x2540];
	v60 =	vadd.f32 v55, v14;
	[tilespmem:s12+$0x1960] =	vst v52  }
0xdb: {  	v19 =	vld [tilespmem:s12+$0xA550];
	v50 =	vsub.f32 v25, v8;
	v47 =	vadd.f32 v58, v59;
	[tilespmem:s12+$0x1970] =	vst v54  }
0xdc: {  	v27 =	vld [tilespmem:$0x1FFB0];
	v49 =	vadd.f32 v62, v29;
	v51 =	vadd.f32 v48, v26;
	[tilespmem:s12+$0x1D00] =	vst v57  }
0xdd: {  	v17 =	vld [tilespmem:s12+$0x2550];
	v58 =	vmul.f32 v53, v3;
	v59 =	vsub.f32 v24, v9;
	[tilespmem:s12+$0x1D10] =	vst v60;
	v53 =	vsub.f32 v31, v10  }
0xde: {  	v26 =	vld [tilespmem:s12+$0x2530];
	v61 =	vmul.f32 v56, v3;
	v56 =	vsub.f32 v33, v13;
	v33 =	vsub.f32 v42, v41;
	[tilespmem:s12+$0x1930] =	vst v47  }
0xdf: {  	v62 =	vld [tilespmem:$0x1FFA0];
	v55 =	vmul.f32 v50, v3;
	v42 =	vsub.f32 v32, v35;
	[tilespmem:s12+$0x1940] =	vst v49;
	v63 =	vadd.f32 v58, v12  }
0xe0: {  	[tilespmem:s12+$0x1950] =	vst v51;
	v24 =	vmul.f32 v59, v3;
	v29 =	vadd.f32 v61, v11;
	v11 =	vsub.f32 v36, v4;
	v12 =	vld [tilespmem:s12+$0x2570]  }
0xe1: {  	v47 =	vsub.f32 v18, v6;
	v58 =	vmul.f32 v53, v3;
	v60 =	vadd.f32 v55, v8;
	v8 =	vld [tilespmem:s12+$0xA910];
	[tilespmem:s12+$0x1D20] =	vst v63  }
0xe2: {  	v59 =	vsub.f32 v34, v16;
	v61 =	vmul.f32 v56, v3;
	v55 =	vld [tilespmem:s12+$0xA950];
	v45 =	vadd.f32 v24, v9;
	[tilespmem:s12+$0x1D30] =	vst v29  }
0xe3: {  	v15 =	vsub.f32 v27, v5;
	v49 =	vmul.f32 v11, v3;
	v11 =	vld [tilespmem:s12+$0xA570];
	v63 =	vadd.f32 v58, v10;
	[tilespmem:s12+$0x2110] =	vst v60  }
0xe4: {  	v52 =	vmul.f32 v47, v3;
	v9 =	vld [tilespmem:s12+$0x2900];
	v24 =	vsub.f32 v38, v28;
	v25 =	vadd.f32 v61, v13;
	[tilespmem:s12+$0x1D40] =	vst v45  }
0xe5: {  	v10 =	vld [tilespmem:s12+$0x2910];
	v29 =	vsub.f32 v40, v39;
	v46 =	vmul.f32 v15, v3;
	v54 =	vadd.f32 v49, v4;
	[tilespmem:s12+$0x2120] =	vst v63  }
0xe6: {  	v18 =	vmul.f32 v59, v3;
	v13 =	vld [tilespmem:s12+$0xA920];
	v57 =	vadd.f32 v52, v6;
	v31 =	vmul.f32 v24, v3;
	[tilespmem:s12+$0x2130] =	vst v25  }
0xe7: {  	v59 =	vld [tilespmem:s12+$0x2950];
	v14 =	vsub.f32 v62, v7;
	v36 =	vmul.f32 v29, v3;
	v51 =	vadd.f32 v46, v5;
	[tilespmem:s12+$0x1D70] =	vst v54  }
0xe8: {  	v15 =	vld [tilespmem:s12+$0x2560];
	v62 =	vsub.f32 v37, v22;
	v49 =	vmul.f32 v42, v3;
	[tilespmem:s12+$0x2100] =	vst v57;
	v38 =	vadd.f32 v31, v28  }
0xe9: {  	v37 =	vsub.f32 v44, v43;
	v44 =	vld [tilespmem:s12+$0x2930];
	v30 =	vmul.f32 v14, v3;
	v45 =	vadd.f32 v36, v39;
	[tilespmem:s12+$0x1D60] =	vst v51  }
0xea: {  	v24 =	vld [tilespmem:s12+$0xA940];
	v56 =	vadd.f32 v49, v35;
	[tilespmem:s12+$0x2160] =	vst v38  }
0xeb: {  	v47 =	vsub.f32 v26, v21;
	v14 =	vld [tilespmem:s12+$0xA560];
	v27 =	vmul.f32 v62, v3;
	v48 =	vadd.f32 v30, v7;
	[tilespmem:s12+$0x2170] =	vst v45  }
0xec: {  	v50 =	vsub.f32 v23, v20;
	v46 =	vmul.f32 v37, v3;
	v31 =	vld [tilespmem:s12+$0xA970];
	v30 =	vadd.f32 v18, v16;
	[tilespmem:s12+$0x2520] =	vst v56  }
0xed: {  	v53 =	vmul.f32 v47, v3;
	v35 =	vld [tilespmem:s12+$0x2970];
	v34 =	vadd.f32 v27, v22;
	[tilespmem:s12+$0x1D50] =	vst v48  }
0xee: {  	v54 =	vsub.f32 v17, v19;
	v57 =	vmul.f32 v50, v3;
	v7 =	vld [tilespmem:s12+$0xA900];
	v52 =	vadd.f32 v46, v43;
	[tilespmem:s12+$0x2140] =	vst v30  }
0xef: {  	v40 =	vmul.f32 v33, v3;
	v16 =	vld [tilespmem:s12+$0x2920];
	v60 =	vadd.f32 v53, v21;
	v62 =	vsub.f32 v12, v11;
	[tilespmem:s12+$0x2150] =	vst v34  }
0xf0: {  	v18 =	vld [tilespmem:s12+$0xA930];
	v61 =	vmul.f32 v54, v3;
	v21 =	vadd.f32 v57, v20;
	[tilespmem:s12+$0x2510] =	vst v52;
	v30 =	vsub.f32 v10, v8  }
0xf1: {  	v51 =	vld [tilespmem:s12+$0x2940];
	v48 =	vadd.f32 v40, v41;
	[tilespmem:s12+$0x2530] =	vst v60;
	v29 =	vmul.f32 v62, v3;
	v58 =	vsub.f32 v15, v14  }
0xf2: {  	v63 =	vld [tilespmem:s12+$0xA960];
	v28 =	vadd.f32 v61, v19;
	[tilespmem:s12+$0x2540] =	vst v21;
	v37 =	vmul.f32 v30, v3;
	v50 =	vsub.f32 v35, v31  }
0xf3: {  	v27 =	vld [tilespmem:s12+$0x2960];
	[tilespmem:s12+$0x2500] =	vst v48;
	v36 =	vadd.f32 v29, v11;
	v25 =	vmul.f32 v58, v3;
	v26 =	vsub.f32 v9, v7  }
0xf4: {  	v34 =	vsub.f32 v16, v13;
	[tilespmem:s12+$0x2550] =	vst v28;
	v42 =	vadd.f32 v37, v8;
	v54 =	vmul.f32 v50, v3  }
0xf5: {  	v38 =	vsub.f32 v44, v18;
	[tilespmem:s12+$0x2570] =	vst v36;
	v32 =	vadd.f32 v25, v14;
	v33 =	vmul.f32 v26, v3  }
0xf6: {  	v41 =	vsub.f32 v51, v24;
	v40 =	vmul.f32 v34, v3;
	[tilespmem:s12+$0x2910] =	vst v42;
	v56 =	vadd.f32 v54, v31  }
0xf7: {  	v44 =	vsub.f32 v59, v55;
	v43 =	vmul.f32 v38, v3;
	[tilespmem:s12+$0x2560] =	vst v32;
	v39 =	vadd.f32 v33, v7  }
0xf8: {  	v47 =	vsub.f32 v27, v63;
	v46 =	vmul.f32 v41, v3;
	v45 =	vadd.f32 v40, v13;
	[tilespmem:s12+$0x2970] =	vst v56  }
0xf9: {  	v49 =	vmul.f32 v44, v3;
	v48 =	vadd.f32 v43, v18;
	[tilespmem:s12+$0x2900] =	vst v39  }
0xfa: {  	v52 =	vmul.f32 v47, v3;
	v51 =	vadd.f32 v46, v24;
	[tilespmem:s12+$0x2920] =	vst v45  }
0xfb: {  	s2 =	sand.u32 $0x7, s29;
	v53 =	vadd.f32 v49, v55;
	[tilespmem:s12+$0x2930] =	vst v48  }
0xfc: {  	s2 =	sshll.u32 s2, $0x7;
	v55 =	vadd.f32 v52, v63;
	[tilespmem:s12+$0x2940] =	vst v51  }
0xfd: {  	s2 =	sadd.s32 s2, s0;
	[tilespmem:s12+$0x2950] =	vst v53  }
0xfe: {  	[tilespmem:s12+$0x2960] =	vst v55;
	s12 =	sor.u32 $0x1C00, s2  }
0xff: {  	v0 =	vld [tilespmem:s12+$0x9100]  }
0x100: {  	v1 =	vld [tilespmem:s12+$0x1100];
	_ =	sdelay $0x4  }
0x101: {  	v1 =	vsub.f32 v1, v0;
	_ =	sdelay $0x1  }
0x102: {  	v1 =	vmul.f32 v1, v3;
	_ =	sdelay $0x1  }
0x103: {  	v0 =	vadd.f32 v1, v0;
	_ =	sdelay $0x1  }
0x104: {  	[tilespmem:s12+$0x1100] =	vst v0;
	s12 =	sor.u32 $0x1C10, s2  }
0x105: {  	v0 =	vld [tilespmem:s12+$0x9100]  }
0x106: {  	v57 =	vld [tilespmem:s12+$0x1100];
	_ =	sdelay $0x4  }
0x107: {  	v1 =	vsub.f32 v57, v0;
	_ =	sdelay $0x1  }
0x108: {  	v1 =	vmul.f32 v1, v3;
	_ =	sdelay $0x1  }
0x109: {  	v0 =	vadd.f32 v1, v0;
	_ =	sdelay $0x1  }
0x10a: {  	[tilespmem:s12+$0x1100] =	vst v0;
	s12 =	sor.u32 $0x1C20, s2  }
0x10b: {  	v0 =	vld [tilespmem:s12+$0x9100]  }
0x10c: {  	v58 =	vld [tilespmem:s12+$0x1100];
	_ =	sdelay $0x4  }
0x10d: {  	v1 =	vsub.f32 v58, v0;
	_ =	sdelay $0x1  }
0x10e: {  	v1 =	vmul.f32 v1, v3;
	_ =	sdelay $0x1  }
0x10f: {  	v0 =	vadd.f32 v1, v0;
	_ =	sdelay $0x1  }
0x110: {  	[tilespmem:s12+$0x1100] =	vst v0;
	s12 =	sor.u32 $0x1C30, s2  }
0x111: {  	v0 =	vld [tilespmem:s12+$0x9100]  }
0x112: {  	v59 =	vld [tilespmem:s12+$0x1100];
	_ =	sdelay $0x4  }
0x113: {  	v1 =	vsub.f32 v59, v0;
	_ =	sdelay $0x1  }
0x114: {  	v1 =	vmul.f32 v1, v3;
	_ =	sdelay $0x1  }
0x115: {  	v0 =	vadd.f32 v1, v0;
	_ =	sdelay $0x1  }
0x116: {  	[tilespmem:s12+$0x1100] =	vst v0;
	s12 =	sor.u32 $0x1C40, s2  }
0x117: {  	v0 =	vld [tilespmem:s12+$0x9100]  }
0x118: {  	v60 =	vld [tilespmem:s12+$0x1100];
	_ =	sdelay $0x4  }
0x119: {  	v1 =	vsub.f32 v60, v0;
	_ =	sdelay $0x1  }
0x11a: {  	v1 =	vmul.f32 v1, v3;
	_ =	sdelay $0x1  }
0x11b: {  	v0 =	vadd.f32 v1, v0;
	_ =	sdelay $0x1  }
0x11c: {  	[tilespmem:s12+$0x1100] =	vst v0;
	s12 =	sor.u32 $0x1C50, s2  }
0x11d: {  	v0 =	vld [tilespmem:s12+$0x9100]  }
0x11e: {  	v61 =	vld [tilespmem:s12+$0x1100];
	_ =	sdelay $0x4  }
0x11f: {  	v1 =	vsub.f32 v61, v0;
	_ =	sdelay $0x1  }
0x120: {  	v1 =	vmul.f32 v1, v3;
	_ =	sdelay $0x1  }
0x121: {  	v0 =	vadd.f32 v1, v0;
	_ =	sdelay $0x1  }
0x122: {  	[tilespmem:s12+$0x1100] =	vst v0;
	s12 =	sor.u32 $0x1C60, s2  }
0x123: {  	v0 =	vld [tilespmem:s12+$0x9100]  }
0x124: {  	v62 =	vld [tilespmem:s12+$0x1100];
	_ =	sdelay $0x4  }
0x125: {  	v1 =	vsub.f32 v62, v0;
	_ =	sdelay $0x1  }
0x126: {  	v1 =	vmul.f32 v1, v3;
	_ =	sdelay $0x1  }
0x127: {  	v0 =	vadd.f32 v1, v0;
	_ =	sdelay $0x1  }
0x128: {  	s2 =	sor.u32 $0x1C70, s2;
	[tilespmem:s12+$0x1100] =	vst v0  }
0x129: {  	v0 =	vld [tilespmem:s2+$0x9100]  }
0x12a: {  	v63 =	vld [tilespmem:s2+$0x1100];
	_ =	sdelay $0x4  }
0x12b: {  	v1 =	vsub.f32 v63, v0  }
0x12c: {  	p1 =	sne.s32 s4, $0xF80  }
.Ltmp0:
0x12d: {  	v1 =	vmul.f32 v1, v3;
	(pc) =	sbr.rel @p1 .LBB2_3-.Ltmp0, $4  }
0x12e: {  	_ = 	snop  }
0x12f: {  	v0 =	vadd.f32 v1, v0  }
0x130: {  	s31 =	sadd.s32 $0x400, s31;
	s30 =	sadd.s32 $0x80, s30  }
0x131: {  	s4 =	sadd.s32 $0x80, s4;
	s29 =	sadd.s32 $0x1, s29;
	s0 =	sadd.s32 $0x400, s0;
	[tilespmem:s2+$0x1100] =	vst v0  }
0x132: {  	s0 =	sshll.u32 s28, $0x7;
	s2 =	rddreg [dreg:$0x1]  }
.Ltmp1:
0x133: {  	s31 =	simm.s32 $0x0;
	s0 =	sadd.s32 s2, s0;
	(pc) =	sbr.rel @p0 .LBB2_2-.Ltmp1, $4  }
0x134: {  	[hbm4b:s0+s31] =	stream.linear.scatter [tilespmem:s15], [sflag:$0x3], $0x8000, $0x38;
	[tilespmem:$0x11100] =	vst v63  }
0x135: {  	_ =	swait.ge [sflag:s13], $0x8000  }
0x136: {  	[sflag:s13] =	ssyncset.done $0x0  }
0x137: {  	p1 =	por $0x0, $0x0;
	s0 =	simm.s32 $0x20;
	[sflag:s13] =	ssyncadd.s32 $0xFFFF8000  }
0x138: {  	s2 =	rddreg [dreg:$0x4]  }
0x139: {  	s0 =	rddreg [dreg:$0x3];
	s2 =	sadd.s32 $0x1, s2  }
0x13a: {  	p0 =	sne.s32 s2, s0  }
.Ltmp2:
0x13b: {  	_ = 	snop;
	(pc) =	sbr.rel @p0 .LBB2_1-.Ltmp2, $1  }
0x13c: {  	_ =	sdelay $0x3  }
0x13d: {  	_ =	sfence.sel $0x180000  }
0x13e: {  	[bflag:$0x0] =	sbarrier.arrive $0xFFFF  }
0x13f: {  	_ =	strace $0x9000004A  }
0x140: {  	s0 =	stileid.u32;
	[bflag:$0x2] =	sbarrier.arrive $0xFFFF  }
0x141: {  	p0 =	sne.s32 s0, $0x0;
	s0 =	rddreg [dreg:$0x2]  }
0x142: {  	s0 =	sadd.s32 @!p0 $0x100000, s0  }
0x143: {  	[sflag:s0] =	ssyncadd.tile.s32 @!p0 $0x1;
	_ =	shalt  }
.Lfunc_end2:
_tile_overlayer_lowered:
.L_overlay_start_2:
0x144: {  	(tag) =	ssettag $0x2  }
0x145: {  	s0 =	rddreg [dreg:$0x0];
	s2 =	stileid.u32  }
0x146: {  	s1 =	rddreg [dreg:$0x1];
	p0 =	sne.s32 s2, $0x0  }
0x147: {  	s3 =	rddreg [dreg:$0x2];
	[bflag:$0x3] =	sbarrier.arrive $0xFFFF;
	s2 =	simm.s32 @!p0 $0x1C03  }
0x148: {  	[timem:s3], [sflag:s2] =	dma.local @!p0 [hbm:s0], s1  }
0x149: {  	s0 =	simm.s32 @!p0 $0x3  }
0x14a: {  	_ =	swait.ge @!p0 [sflag:s0], s1  }
0x14b: {  	s1 =	ssub.s32 @!p0 $0x0, s1;
	[sflag:s0] =	ssyncset.done @!p0 $0x0  }
0x14c: {  	[sflag:s0] =	ssyncadd.s32 @!p0 s1  }
0x14d: {  	[bflag:$0x3] =	sbarrier.arrive $0xFFFF  }
0x14e: {  	_ =	shalt  }

</sc_bundles>
